<compile_context>
chip_gen: v7x
topology: tpu7x:2x2x1
jax: 0.10.2.dev20260603
libtpu: 0.0.44.dev20260713+nightly
codegen_flags: <defaults>
</compile_context>

<pallas_src>
import jax
import jax.numpy as jnp
from jax import lax
from jax.experimental import pallas as pl
from jax.experimental.pallas import tpu as pltpu
from jax.experimental.pallas import tpu_sc as plsc

NB, NCH, NX, NT = 16, 3, 64, 4096
L = 16
NCORES, NSUB = 2, 16
NWORK = NCORES * NSUB
NPAIR = NB * NX
PPW = NPAIR // NWORK
NCHUNK = NT // L
OFF = 8
NTP = NT + 2 * OFF
NEVAL = 201
NEC = 13


def _body(x_hbm, xs_hbm, scal_hbm,
          cc_hbm, w_hbm, st_hbm, si_hbm,
          a0, a1, a2, b0, b1r, b2r, xsv, scal,
          rcc, rw, rst, rsi, sem_a, sem_b):
    bufs_a = (a0, a1, a2)
    bufs_b = (b0, b1r, b2r)
    cid = lax.axis_index("c")
    sid = lax.axis_index("s")
    wid = sid * NCORES + cid

    pltpu.sync_copy(xs_hbm, xsv)
    pltpu.sync_copy(scal_hbm, scal)
    nlagf = jnp.max(scal[...])

    lanes = lax.iota(jnp.int32, L)

    sent_idx = jnp.where(lanes == 0, OFF - 1, OFF + NT)
    sent_msk = lanes < 2
    for bufs in (bufs_a, bufs_b):
        for c in range(NCH):
            plsc.store_scatter(bufs[c], [sent_idx],
                               jnp.zeros((L,), jnp.float32), mask=sent_msk)

    def row_addr(p, c):
        b = p // NX
        xi = p - b * NX
        return (b * (NCH * NX) + c * NX + xi) * NT

    def issue(bufs, sem, p):
        for c in range(NCH):
            pltpu.async_copy(x_hbm.at[pl.ds(row_addr(p, c), NT)],
                             bufs[c].at[pl.ds(OFF, NT)], sem)

    def drain(bufs, sem):
        for c in range(NCH):
            pltpu.make_async_copy(x_hbm.at[pl.ds(0, NT)],
                                  bufs[c].at[pl.ds(OFF, NT)], sem).wait()

    def compute(bufs, pi):
        zf = jnp.zeros((L,), jnp.float32)
        init = (zf, zf, lanes, zf, zf, lanes, zf, zf, lanes)

        def scan_body(j, st):
            o = OFF + j * L
            idxv = j * L + lanes
            out = []
            for c in range(NCH):
                b1, b2, iv = st[3 * c], st[3 * c + 1], st[3 * c + 2]
                ap = jnp.abs(bufs[c][pl.ds(o - 1, L)])
                ac = jnp.abs(bufs[c][pl.ds(o, L)])
                an = jnp.abs(bufs[c][pl.ds(o + 1, L)])
                keep = ac >= jnp.maximum(ap, an)
                mv = jnp.where(keep, ac, 0.0)
                gt = mv > b1
                b2 = jnp.maximum(b2, jnp.minimum(mv, b1))
                b1 = jnp.maximum(b1, mv)
                iv = jnp.where(gt, idxv, iv)
                out += [b1, b2, iv]
            return tuple(out)

        st = plsc.parallel_loop(0, NCHUNK, unroll=8, carry=init)(
            lambda j, c: scan_body(j, c))

        coef = []
        for c in range(NCH):
            b1, b2, iv = st[3 * c], st[3 * c + 1], st[3 * c + 2]
            s0 = jnp.max(b1)
            i1 = jnp.min(jnp.where(b1 == s0, iv, jnp.int32(NT)))
            s1 = jnp.maximum(jnp.max(jnp.where(iv == i1, -1.0, b1)),
                             jnp.max(b2))
            im = jnp.maximum(i1 - 1, 0)
            ip = jnp.minimum(i1 + 1, NT - 1)
            gi = jnp.where(lanes == 0, im,
                           jnp.where(lanes == 1, i1, ip)) + OFF
            yv = jnp.abs(plsc.load_gather(bufs[c], [gi]))
            y0 = jnp.max(jnp.where(lanes == 0, yv, -1.0))
            y1 = jnp.max(jnp.where(lanes == 1, yv, -1.0))
            y2 = jnp.max(jnp.where(lanes == 2, yv, -1.0))
            av = 0.5 * (y0 + y2) - y1
            bv = 0.5 * (y2 - y0)
            coef.append((s0, s1, i1, av, bv, y1))

        neg = jnp.full((L,), -jnp.inf, jnp.float32)
        ev_init = (neg, lanes, neg, lanes, neg, lanes)

        def ev_body(k, est):
            t = xsv[pl.ds(k * L, L)]
            t2 = t * t
            gidx = k * L + lanes
            pad_ok = gidx <= NEVAL - 1
            out = []
            for c in range(NCH):
                ym, kd = est[2 * c], est[2 * c + 1]
                av, bv, y1 = coef[c][3], coef[c][4], coef[c][5]
                y = av * t2 + bv * t + y1
                y = jnp.where(pad_ok, y, -jnp.inf)
                g = y > ym
                out += [jnp.where(g, y, ym), jnp.where(g, gidx, kd)]
            return tuple(out)

        est = lax.fori_loop(0, NEC, ev_body, ev_init)
        res = []
        for c in range(NCH):
            s0, s1, i1 = coef[c][0], coef[c][1], coef[c][2]
            ym, kd = est[2 * c], est[2 * c + 1]
            yb = jnp.max(ym)
            ii = jnp.min(jnp.where(ym == yb, kd, jnp.int32(NEVAL)))
            sub = jnp.max(plsc.load_gather(xsv, [jnp.full((L,), ii, jnp.int32)]))
            wgt = (0.1 + 3.0 * (s0 - s1)) * (s0 * s0)
            tif = i1.astype(jnp.float32) + sub
            res.append((yb, wgt, tif))

        mc, mw, mt = res[0]
        for c in (1, 2):
            ccv, cw, ct = res[c]
            g = cw > mw
            mc = jnp.where(g, ccv, mc)
            mw = jnp.where(g, cw, mw)
            mt = jnp.where(g, ct, mt)
        siv = mt - nlagf
        stv = siv * jnp.float32(0.01)

        pidx = jnp.full((L,), pi, jnp.int32)
        m0 = lanes == 0
        plsc.store_scatter(rcc, [pidx], jnp.full((L,), mc, jnp.float32), mask=m0)
        plsc.store_scatter(rw, [pidx], jnp.full((L,), mw, jnp.float32), mask=m0)
        plsc.store_scatter(rst, [pidx], jnp.full((L,), stv, jnp.float32), mask=m0)
        plsc.store_scatter(rsi, [pidx], jnp.full((L,), siv, jnp.float32), mask=m0)

    pbase = wid * PPW
    issue(bufs_a, sem_a, pbase)

    def half(i, carry):
        p_a = pbase + 2 * i
        drain(bufs_a, sem_a)
        issue(bufs_b, sem_b, p_a + 1)
        compute(bufs_a, 2 * i)
        drain(bufs_b, sem_b)

        @pl.when(i < PPW // 2 - 1)
        def _():
            issue(bufs_a, sem_a, p_a + 2)

        compute(bufs_b, 2 * i + 1)
        return carry

    lax.fori_loop(0, PPW // 2, half, 0)

    base = wid * PPW
    pltpu.sync_copy(rcc, cc_hbm.at[pl.ds(base, PPW)])
    pltpu.sync_copy(rw, w_hbm.at[pl.ds(base, PPW)])
    pltpu.sync_copy(rst, st_hbm.at[pl.ds(base, PPW)])
    pltpu.sync_copy(rsi, si_hbm.at[pl.ds(base, PPW)])


_mesh = plsc.VectorSubcoreMesh(core_axis_name="c", subcore_axis_name="s",
                               num_cores=NCORES, num_subcores=NSUB)

_peaks = pl.kernel(
    _body,
    out_type=[jax.ShapeDtypeStruct((NPAIR,), jnp.float32)] * 4,
    mesh=_mesh,
    compiler_params=pltpu.CompilerParams(needs_layout_passes=False),
    scratch_types=[
        pltpu.VMEM((NTP,), jnp.float32),
        pltpu.VMEM((NTP,), jnp.float32),
        pltpu.VMEM((NTP,), jnp.float32),
        pltpu.VMEM((NTP,), jnp.float32),
        pltpu.VMEM((NTP,), jnp.float32),
        pltpu.VMEM((NTP,), jnp.float32),
        pltpu.VMEM((NEC * L,), jnp.float32),
        pltpu.VMEM((L,), jnp.float32),
        pltpu.VMEM((PPW,), jnp.float32),
        pltpu.VMEM((PPW,), jnp.float32),
        pltpu.VMEM((PPW,), jnp.float32),
        pltpu.VMEM((PPW,), jnp.float32),
        pltpu.SemaphoreType.DMA,
        pltpu.SemaphoreType.DMA,
    ],
)


def kernel(xcorr, nlag):
    x2 = xcorr.reshape(NB * NCH * NX * NT)
    xs = jnp.linspace(-1.0, 1.0, NEVAL, dtype=jnp.float32)
    xsp = jnp.concatenate([xs, jnp.zeros((NEC * L - NEVAL,), jnp.float32)])
    scal = jnp.full((L,), jnp.asarray(nlag, jnp.float32))
    cc, w, stt, si = _peaks(x2, xsp, scal)
    shp = (NB, 1, NX)
    return (cc.reshape(shp), w.reshape(shp), stt.reshape(shp), si.reshape(shp))

# --- scband reference (transcript-rebuilt; emitter-appended) ---
"""Pipeline reference for scband-detect-peaks-cc-76012331205178 (READ-ONLY COPY).

The authoritative reference and input builder live on the scoring server;
editing this copy changes nothing except your own understanding.
"""

import jax, jax.numpy as jnp
import numpy as np


def setup_inputs(seed: int = 0) -> dict:
    key = jax.random.key(seed)
    xcorr = jax.random.normal(key, (16, 3, 64, 4096), dtype=jnp.float32)
    return {"xcorr": xcorr, "nlag": 2048}


def reference(xcorr, nlag):
    kernel = 3
    stride = 1
    topk = 2
    sampling_rate = 100.0
    nb, nc, nx, nt = xcorr.shape
    # vabs=True
    x = jnp.abs(xcorr)
    # F.max_pool2d(x, (1, kernel), stride=(1, stride), padding=(0, kernel // 2))
    pad = kernel // 2
    smax = jax.lax.reduce_window(
        x, -jnp.inf, jax.lax.max,
        window_dimensions=(1, 1, 1, kernel),
        window_strides=(1, 1, 1, stride),
        padding=((0, 0), (0, 0), (0, 0), (pad, pad)),
    )
    keep = (smax == x).astype(x.dtype)
    vals, idxs = jax.lax.top_k(x * keep, topk)  # sorted descending, matches torch.topk sorted=True
    s0 = vals[..., 0]
    s1 = vals[..., 1]
    weight = (0.1 + 3.0 * (s0 - s1)) * s0 ** 2
    topk_idx = idxs[..., 0]
    # interp=True: scipy CubicSpline through 3 points with default 'not-a-knot'
    # degenerates to the unique parabola through (-1,y0),(0,y1),(1,y2).
    offs = jnp.array([-1, 0, 1], dtype=topk_idx.dtype)
    nb_idx = jnp.clip(topk_idx[..., None] + offs, 0, nt - 1)
    ns = jnp.take_along_axis(x, nb_idx, axis=-1)  # [nb, nc, nx, 3]
    y0 = ns[..., 0]
    y1 = ns[..., 1]
    y2 = ns[..., 2]
    a = 0.5 * (y0 + y2) - y1
    b = 0.5 * (y2 - y0)
    c = y1
    xs = jnp.linspace(-1.0, 1.0, 201, dtype=x.dtype)
    y_ = a[..., None] * xs ** 2 + b[..., None] * xs + c[..., None]  # [nb, nc, nx, 201]
    ii = jnp.argmax(y_, axis=-1)  # [nb, nc, nx]
    sub_shift = xs[ii]
    topk_idx_f = topk_idx.astype(x.dtype) + sub_shift
    topk_score = jnp.take_along_axis(y_, ii[..., None], axis=-1)[..., 0]
    # pick best channel by weight
    idx = jnp.argmax(weight, axis=1, keepdims=True)  # [nb, 1, nx]
    max_cc = jnp.take_along_axis(topk_score, idx, axis=1)
    shift_idx = jnp.take_along_axis(topk_idx_f, idx, axis=1)
    w = jnp.take_along_axis(weight, idx, axis=1)
    shift_idx = shift_idx - jnp.asarray(nlag, dtype=x.dtype)
    shift_t = shift_idx / sampling_rate
    return (max_cc, w, shift_t, shift_idx)

if __name__ == "__main__":
    import jax
    _d = setup_inputs()
    print(jax.jit(kernel)(*tuple(_d.values())))

</pallas_src>

<mosaic_0001>
#map = affine_map<(d0, d1) -> (0)>
module attributes {stable_mosaic.version = 14 : i64} {
  func.func @_body(%arg0: i32, %arg1: i32, %arg2: memref<12582912xf32, #tpu.memory_space<hbm>>, %arg3: memref<208xf32, #tpu.memory_space<hbm>>, %arg4: memref<16xf32, #tpu.memory_space<hbm>>, %arg5: memref<1024xf32, #tpu.memory_space<hbm>>, %arg6: memref<1024xf32, #tpu.memory_space<hbm>>, %arg7: memref<1024xf32, #tpu.memory_space<hbm>>, %arg8: memref<1024xf32, #tpu.memory_space<hbm>>, %arg9: memref<4112xf32, #tpu.memory_space<vmem>>, %arg10: memref<4112xf32, #tpu.memory_space<vmem>>, %arg11: memref<4112xf32, #tpu.memory_space<vmem>>, %arg12: memref<4112xf32, #tpu.memory_space<vmem>>, %arg13: memref<4112xf32, #tpu.memory_space<vmem>>, %arg14: memref<4112xf32, #tpu.memory_space<vmem>>, %arg15: memref<208xf32, #tpu.memory_space<vmem>>, %arg16: memref<16xf32, #tpu.memory_space<vmem>>, %arg17: memref<32xf32, #tpu.memory_space<vmem>>, %arg18: memref<32xf32, #tpu.memory_space<vmem>>, %arg19: memref<32xf32, #tpu.memory_space<vmem>>, %arg20: memref<32xf32, #tpu.memory_space<vmem>>, %arg21: memref<!tpu.dma_semaphore, #tpu.memory_space<semaphore_mem>>, %arg22: memref<!tpu.dma_semaphore, #tpu.memory_space<semaphore_mem>>) attributes {dimension_semantics = [#tpu.dimension_semantics<core_parallel>, #tpu.dimension_semantics<subcore_parallel>], iteration_bounds = array<i64: 2, 16>, scalar_prefetch = 0 : i64, scratch_operands = 14 : i64, tpu.core_type = #tpu.core_type<sc_vector_subcore>, window_params = [{transform_indices = #map}, {transform_indices = #map}, {transform_indices = #map}, {transform_indices = #map}, {transform_indices = #map}, {transform_indices = #map}, {transform_indices = #map}]} {
    %mul3A = arith.constant 2 : i32
    %mul3A_0 = arith.muli %arg1, %mul3A : i32
    %add3A = arith.addi %mul3A_0, %arg0 : i32
    "tpu.region"() ({
      %run_scoped3A = tpu.sem_alloc : memref<!tpu.dma_semaphore, #tpu.memory_space<semaphore_mem>>
      tpu.enqueue_dma source(%arg3 : memref<208xf32, #tpu.memory_space<hbm>>) target(%arg15 : memref<208xf32, #tpu.memory_space<vmem>>) target_semaphore(%run_scoped3A : memref<!tpu.dma_semaphore, #tpu.memory_space<semaphore_mem>>)
      tpu.wait_dma2 semaphore(%run_scoped3A : memref<!tpu.dma_semaphore, #tpu.memory_space<semaphore_mem>>) src(%arg3 : memref<208xf32, #tpu.memory_space<hbm>>) dst(%arg15 : memref<208xf32, #tpu.memory_space<vmem>>)
      tpu.yield
    }) : () -> ()
    "tpu.region"() ({
      %run_scoped3A = tpu.sem_alloc : memref<!tpu.dma_semaphore, #tpu.memory_space<semaphore_mem>>
      tpu.enqueue_dma source(%arg4 : memref<16xf32, #tpu.memory_space<hbm>>) target(%arg16 : memref<16xf32, #tpu.memory_space<vmem>>) target_semaphore(%run_scoped3A : memref<!tpu.dma_semaphore, #tpu.memory_space<semaphore_mem>>)
      tpu.wait_dma2 semaphore(%run_scoped3A : memref<!tpu.dma_semaphore, #tpu.memory_space<semaphore_mem>>) src(%arg4 : memref<16xf32, #tpu.memory_space<hbm>>) dst(%arg16 : memref<16xf32, #tpu.memory_space<vmem>>)
      tpu.yield
    }) : () -> ()
    %get3A = arith.constant 0 : index
    %get3A_1 = tpu.vector_load %arg16[%get3A] {strides = array<i32>} : memref<16xf32, #tpu.memory_space<vmem>>, vector<16xf32>,
    %reduce_max3A = arith.constant true
    %reduce_max3A_2 = vector.broadcast %reduce_max3A : i1 to vector<16xi1>
    %reduce_max3A_3 = tpu.scan <max>, %get3A_1 masked %reduce_max3A_2 : vector<16xf32>, vector<16xi1> -> vector<16xf32>
    %reduce_max3A_4 = vector.extract %reduce_max3A_3[15] : f32 from vector<16xf32>
    %iota3A = tpu.iota {dimensions = array<i32: 0>} : vector<16xi32>
    %eq3A = arith.constant 0 : i32
    %eq3A_5 = vector.broadcast %eq3A : i32 to vector<16xi32>
    %eq3A_6 = arith.cmpi eq, %iota3A, %eq3A_5 : vector<16xi32>
    %jit3A = arith.constant 7 : i32
    %jit3A_7 = arith.constant 4104 : i32
    %broadcast_in_dim3A = vector.broadcast %jit3A : i32 to vector<16xi32>
    %broadcast_in_dim3A_8 = vector.broadcast %jit3A_7 : i32 to vector<16xi32>
    %select_n3A = arith.select %eq3A_6, %broadcast_in_dim3A, %broadcast_in_dim3A_8 : vector<16xi1>, vector<16xi32>
    %lt3A = arith.constant 2 : i32
    %lt3A_9 = vector.broadcast %lt3A : i32 to vector<16xi32>
    %lt3A_10 = arith.cmpi slt, %iota3A, %lt3A_9 : vector<16xi32>
    %broadcast_in_dim3A_11 = arith.constant 0.000000e+00 : f32
    %broadcast_in_dim3A_12 = vector.broadcast %broadcast_in_dim3A_11 : f32 to vector<16xf32>
    tpu.vector_store_idx %arg9[%select_n3A], %broadcast_in_dim3A_12 masked %lt3A_10 : memref<4112xf32, #tpu.memory_space<vmem>>[vector<16xi32>], vector<16xf32>, vector<16xi1>
    %broadcast_in_dim3A_13 = arith.constant 0.000000e+00 : f32
    %broadcast_in_dim3A_14 = vector.broadcast %broadcast_in_dim3A_13 : f32 to vector<16xf32>
    tpu.vector_store_idx %arg10[%select_n3A], %broadcast_in_dim3A_14 masked %lt3A_10 : memref<4112xf32, #tpu.memory_space<vmem>>[vector<16xi32>], vector<16xf32>, vector<16xi1>
    %broadcast_in_dim3A_15 = arith.constant 0.000000e+00 : f32
    %broadcast_in_dim3A_16 = vector.broadcast %broadcast_in_dim3A_15 : f32 to vector<16xf32>
    tpu.vector_store_idx %arg11[%select_n3A], %broadcast_in_dim3A_16 masked %lt3A_10 : memref<4112xf32, #tpu.memory_space<vmem>>[vector<16xi32>], vector<16xf32>, vector<16xi1>
    %broadcast_in_dim3A_17 = arith.constant 0.000000e+00 : f32
    %broadcast_in_dim3A_18 = vector.broadcast %broadcast_in_dim3A_17 : f32 to vector<16xf32>
    tpu.vector_store_idx %arg12[%select_n3A], %broadcast_in_dim3A_18 masked %lt3A_10 : memref<4112xf32, #tpu.memory_space<vmem>>[vector<16xi32>], vector<16xf32>, vector<16xi1>
    %broadcast_in_dim3A_19 = arith.constant 0.000000e+00 : f32
    %broadcast_in_dim3A_20 = vector.broadcast %broadcast_in_dim3A_19 : f32 to vector<16xf32>
    tpu.vector_store_idx %arg13[%select_n3A], %broadcast_in_dim3A_20 masked %lt3A_10 : memref<4112xf32, #tpu.memory_space<vmem>>[vector<16xi32>], vector<16xf32>, vector<16xi1>
    %broadcast_in_dim3A_21 = arith.constant 0.000000e+00 : f32
    %broadcast_in_dim3A_22 = vector.broadcast %broadcast_in_dim3A_21 : f32 to vector<16xf32>
    tpu.vector_store_idx %arg14[%select_n3A], %broadcast_in_dim3A_22 masked %lt3A_10 : memref<4112xf32, #tpu.memory_space<vmem>>[vector<16xi32>], vector<16xf32>, vector<16xi1>
    %mul3A_23 = arith.constant 32 : i32
    %mul3A_24 = arith.muli %add3A, %mul3A_23 : i32
    %jit3A_25 = arith.constant 64 : i32
    %div3A = arith.divsi %mul3A_24, %jit3A_25 : i32
    %sign3A = arith.constant 0 : i32
    %sign3A_26 = arith.cmpi sgt, %mul3A_24, %sign3A : i32
    %sign3A_27 = arith.extui %sign3A_26 : i1 to i32
    %sign3A_28 = arith.constant 0 : i32
    %sign3A_29 = arith.cmpi slt, %mul3A_24, %sign3A_28 : i32
    %sign3A_30 = arith.extui %sign3A_29 : i1 to i32
    %sign3A_31 = arith.subi %sign3A_27, %sign3A_30 : i32
    %sign3A_32 = arith.constant 0 : i32
    %sign3A_33 = arith.cmpi sgt, %jit3A_25, %sign3A_32 : i32
    %sign3A_34 = arith.extui %sign3A_33 : i1 to i32
    %sign3A_35 = arith.constant 0 : i32
    %sign3A_36 = arith.cmpi slt, %jit3A_25, %sign3A_35 : i32
    %sign3A_37 = arith.extui %sign3A_36 : i1 to i32
    %sign3A_38 = arith.subi %sign3A_34, %sign3A_37 : i32
    %ne3A = arith.cmpi ne, %sign3A_31, %sign3A_38 : i32
    %rem3A = arith.remsi %mul3A_24, %jit3A_25 : i32
    %ne3A_39 = arith.constant 0 : i32
    %ne3A_40 = arith.cmpi ne, %rem3A, %ne3A_39 : i32
    %and3A = arith.andi %ne3A, %ne3A_40 : i1
    %sub3A = arith.constant 1 : i32
    %sub3A_41 = arith.subi %div3A, %sub3A : i32
    %select_n3A_42 = arith.select %and3A, %sub3A_41, %div3A : i32
    %mul3A_43 = arith.constant 64 : i32
    %mul3A_44 = arith.muli %select_n3A_42, %mul3A_43 : i32
    %sub3A_45 = arith.subi %mul3A_24, %mul3A_44 : i32
    %mul3A_46 = arith.constant 192 : i32
    %mul3A_47 = arith.muli %select_n3A_42, %mul3A_46 : i32
    %add3A_48 = arith.constant 0 : i32
    %add3A_49 = arith.addi %mul3A_47, %add3A_48 : i32
    %add3A_50 = arith.addi %add3A_49, %sub3A_45 : i32
    %mul3A_51 = arith.constant 4096 : i32
    %mul3A_52 = arith.muli %add3A_50, %mul3A_51 : i32
    %dma_start3A = arith.constant 8 : i32
    %dma_start3A_53 = tpu.memref_slice %arg9[%dma_start3A] : memref<4112xf32, #tpu.memory_space<vmem>> -> memref<4096xf32, #tpu.memory_space<vmem>>
    %dma_start3A_54 = tpu.memref_slice %arg2[%mul3A_52] : memref<12582912xf32, #tpu.memory_space<hbm>> -> memref<4096xf32, #tpu.memory_space<hbm>>
    %dma_start3A_55 = arith.constant 8 : i32
    %dma_start3A_56 = tpu.memref_slice %arg9[%dma_start3A_55] : memref<4112xf32, #tpu.memory_space<vmem>> -> memref<4096xf32, #tpu.memory_space<vmem>>
    %dma_start3A_57 = tpu.memref_slice %arg2[%mul3A_52] : memref<12582912xf32, #tpu.memory_space<hbm>> -> memref<4096xf32, #tpu.memory_space<hbm>>
    tpu.enqueue_dma source(%dma_start3A_57 : memref<4096xf32, #tpu.memory_space<hbm>>) target(%dma_start3A_56 : memref<4096xf32, #tpu.memory_space<vmem>>) target_semaphore(%arg21 : memref<!tpu.dma_semaphore, #tpu.memory_space<semaphore_mem>>)
    %jit3A_58 = arith.constant 64 : i32
    %div3A_59 = arith.divsi %mul3A_24, %jit3A_58 : i32
    %sign3A_60 = arith.constant 0 : i32
    %sign3A_61 = arith.cmpi sgt, %mul3A_24, %sign3A_60 : i32
    %sign3A_62 = arith.extui %sign3A_61 : i1 to i32
    %sign3A_63 = arith.constant 0 : i32
    %sign3A_64 = arith.cmpi slt, %mul3A_24, %sign3A_63 : i32
    %sign3A_65 = arith.extui %sign3A_64 : i1 to i32
    %sign3A_66 = arith.subi %sign3A_62, %sign3A_65 : i32
    %sign3A_67 = arith.constant 0 : i32
    %sign3A_68 = arith.cmpi sgt, %jit3A_58, %sign3A_67 : i32
    %sign3A_69 = arith.extui %sign3A_68 : i1 to i32
    %sign3A_70 = arith.constant 0 : i32
    %sign3A_71 = arith.cmpi slt, %jit3A_58, %sign3A_70 : i32
    %sign3A_72 = arith.extui %sign3A_71 : i1 to i32
    %sign3A_73 = arith.subi %sign3A_69, %sign3A_72 : i32
    %ne3A_74 = arith.cmpi ne, %sign3A_66, %sign3A_73 : i32
    %rem3A_75 = arith.remsi %mul3A_24, %jit3A_58 : i32
    %ne3A_76 = arith.constant 0 : i32
    %ne3A_77 = arith.cmpi ne, %rem3A_75, %ne3A_76 : i32
    %and3A_78 = arith.andi %ne3A_74, %ne3A_77 : i1
    %sub3A_79 = arith.constant 1 : i32
    %sub3A_80 = arith.subi %div3A_59, %sub3A_79 : i32
    %select_n3A_81 = arith.select %and3A_78, %sub3A_80, %div3A_59 : i32
    %mul3A_82 = arith.constant 64 : i32
    %mul3A_83 = arith.muli %select_n3A_81, %mul3A_82 : i32
    %sub3A_84 = arith.subi %mul3A_24, %mul3A_83 : i32
    %mul3A_85 = arith.constant 192 : i32
    %mul3A_86 = arith.muli %select_n3A_81, %mul3A_85 : i32
    %add3A_87 = arith.constant 64 : i32
    %add3A_88 = arith.addi %mul3A_86, %add3A_87 : i32
    %add3A_89 = arith.addi %add3A_88, %sub3A_84 : i32
    %mul3A_90 = arith.constant 4096 : i32
    %mul3A_91 = arith.muli %add3A_89, %mul3A_90 : i32
    %dma_start3A_92 = arith.constant 8 : i32
    %dma_start3A_93 = tpu.memref_slice %arg10[%dma_start3A_92] : memref<4112xf32, #tpu.memory_space<vmem>> -> memref<4096xf32, #tpu.memory_space<vmem>>
    %dma_start3A_94 = tpu.memref_slice %arg2[%mul3A_91] : memref<12582912xf32, #tpu.memory_space<hbm>> -> memref<4096xf32, #tpu.memory_space<hbm>>
    %dma_start3A_95 = arith.constant 8 : i32
    %dma_start3A_96 = tpu.memref_slice %arg10[%dma_start3A_95] : memref<4112xf32, #tpu.memory_space<vmem>> -> memref<4096xf32, #tpu.memory_space<vmem>>
    %dma_start3A_97 = tpu.memref_slice %arg2[%mul3A_91] : memref<12582912xf32, #tpu.memory_space<hbm>> -> memref<4096xf32, #tpu.memory_space<hbm>>
    tpu.enqueue_dma source(%dma_start3A_97 : memref<4096xf32, #tpu.memory_space<hbm>>) target(%dma_start3A_96 : memref<4096xf32, #tpu.memory_space<vmem>>) target_semaphore(%arg21 : memref<!tpu.dma_semaphore, #tpu.memory_space<semaphore_mem>>)
    %jit3A_98 = arith.constant 64 : i32
    %div3A_99 = arith.divsi %mul3A_24, %jit3A_98 : i32
    %sign3A_100 = arith.constant 0 : i32
    %sign3A_101 = arith.cmpi sgt, %mul3A_24, %sign3A_100 : i32
    %sign3A_102 = arith.extui %sign3A_101 : i1 to i32
    %sign3A_103 = arith.constant 0 : i32
    %sign3A_104 = arith.cmpi slt, %mul3A_24, %sign3A_103 : i32
    %sign3A_105 = arith.extui %sign3A_104 : i1 to i32
    %sign3A_106 = arith.subi %sign3A_102, %sign3A_105 : i32
    %sign3A_107 = arith.constant 0 : i32
    %sign3A_108 = arith.cmpi sgt, %jit3A_98, %sign3A_107 : i32
    %sign3A_109 = arith.extui %sign3A_108 : i1 to i32
    %sign3A_110 = arith.constant 0 : i32
    %sign3A_111 = arith.cmpi slt, %jit3A_98, %sign3A_110 : i32
    %sign3A_112 = arith.extui %sign3A_111 : i1 to i32
    %sign3A_113 = arith.subi %sign3A_109, %sign3A_112 : i32
    %ne3A_114 = arith.cmpi ne, %sign3A_106, %sign3A_113 : i32
    %rem3A_115 = arith.remsi %mul3A_24, %jit3A_98 : i32
    %ne3A_116 = arith.constant 0 : i32
    %ne3A_117 = arith.cmpi ne, %rem3A_115, %ne3A_116 : i32
    %and3A_118 = arith.andi %ne3A_114, %ne3A_117 : i1
    %sub3A_119 = arith.constant 1 : i32
    %sub3A_120 = arith.subi %div3A_99, %sub3A_119 : i32
    %select_n3A_121 = arith.select %and3A_118, %sub3A_120, %div3A_99 : i32
    %mul3A_122 = arith.constant 64 : i32
    %mul3A_123 = arith.muli %select_n3A_121, %mul3A_122 : i32
    %sub3A_124 = arith.subi %mul3A_24, %mul3A_123 : i32
    %mul3A_125 = arith.constant 192 : i32
    %mul3A_126 = arith.muli %select_n3A_121, %mul3A_125 : i32
    %add3A_127 = arith.constant 128 : i32
    %add3A_128 = arith.addi %mul3A_126, %add3A_127 : i32
    %add3A_129 = arith.addi %add3A_128, %sub3A_124 : i32
    %mul3A_130 = arith.constant 4096 : i32
    %mul3A_131 = arith.muli %add3A_129, %mul3A_130 : i32
    %dma_start3A_132 = arith.constant 8 : i32
    %dma_start3A_133 = tpu.memref_slice %arg11[%dma_start3A_132] : memref<4112xf32, #tpu.memory_space<vmem>> -> memref<4096xf32, #tpu.memory_space<vmem>>
    %dma_start3A_134 = tpu.memref_slice %arg2[%mul3A_131] : memref<12582912xf32, #tpu.memory_space<hbm>> -> memref<4096xf32, #tpu.memory_space<hbm>>
    %dma_start3A_135 = arith.constant 8 : i32
    %dma_start3A_136 = tpu.memref_slice %arg11[%dma_start3A_135] : memref<4112xf32, #tpu.memory_space<vmem>> -> memref<4096xf32, #tpu.memory_space<vmem>>
    %dma_start3A_137 = tpu.memref_slice %arg2[%mul3A_131] : memref<12582912xf32, #tpu.memory_space<hbm>> -> memref<4096xf32, #tpu.memory_space<hbm>>
    tpu.enqueue_dma source(%dma_start3A_137 : memref<4096xf32, #tpu.memory_space<hbm>>) target(%dma_start3A_136 : memref<4096xf32, #tpu.memory_space<vmem>>) target_semaphore(%arg21 : memref<!tpu.dma_semaphore, #tpu.memory_space<semaphore_mem>>)
    %scan3A = arith.constant 0 : i32
    %scan3A_138 = arith.constant 0 : i32
    %scan3A_139 = arith.constant 16 : i32
    %scan3A_140 = arith.addi %scan3A_138, %scan3A_139 : i32
    %scan3A_141 = arith.constant 1 : i32
    scf.for %scan3A_145 = %scan3A_138 to %scan3A_140 step %scan3A_141  : i32 {
      %mul3A_146 = arith.constant 2 : i32
      %mul3A_147 = arith.muli %mul3A_146, %scan3A_145 : i32
      %add3A_148 = arith.addi %mul3A_24, %mul3A_147 : i32
      %dma_wait3A = arith.constant 8 : i32
      %dma_wait3A_149 = tpu.memref_slice %arg9[%dma_wait3A] : memref<4112xf32, #tpu.memory_space<vmem>> -> memref<4096xf32, #tpu.memory_space<vmem>>
      %dma_wait3A_150 = arith.constant 0 : i32
      %dma_wait3A_151 = tpu.memref_slice %arg2[%dma_wait3A_150] : memref<12582912xf32, #tpu.memory_space<hbm>> -> memref<4096xf32, #tpu.memory_space<hbm>>
      %dma_wait3A_152 = arith.constant 8 : i32
      %dma_wait3A_153 = tpu.memref_slice %arg9[%dma_wait3A_152] : memref<4112xf32, #tpu.memory_space<vmem>> -> memref<4096xf32, #tpu.memory_space<vmem>>
      %dma_wait3A_154 = arith.constant 0 : i32
      %dma_wait3A_155 = tpu.memref_slice %arg2[%dma_wait3A_154] : memref<12582912xf32, #tpu.memory_space<hbm>> -> memref<4096xf32, #tpu.memory_space<hbm>>
      tpu.wait_dma2 semaphore(%arg21 : memref<!tpu.dma_semaphore, #tpu.memory_space<semaphore_mem>>) src(%dma_wait3A_155 : memref<4096xf32, #tpu.memory_space<hbm>>) dst(%dma_wait3A_153 : memref<4096xf32, #tpu.memory_space<vmem>>)
      %dma_wait3A_156 = arith.constant 8 : i32
      %dma_wait3A_157 = tpu.memref_slice %arg10[%dma_wait3A_156] : memref<4112xf32, #tpu.memory_space<vmem>> -> memref<4096xf32, #tpu.memory_space<vmem>>
      %dma_wait3A_158 = arith.constant 0 : i32
      %dma_wait3A_159 = tpu.memref_slice %arg2[%dma_wait3A_158] : memref<12582912xf32, #tpu.memory_space<hbm>> -> memref<4096xf32, #tpu.memory_space<hbm>>
      %dma_wait3A_160 = arith.constant 8 : i32
      %dma_wait3A_161 = tpu.memref_slice %arg10[%dma_wait3A_160] : memref<4112xf32, #tpu.memory_space<vmem>> -> memref<4096xf32, #tpu.memory_space<vmem>>
      %dma_wait3A_162 = arith.constant 0 : i32
      %dma_wait3A_163 = tpu.memref_slice %arg2[%dma_wait3A_162] : memref<12582912xf32, #tpu.memory_space<hbm>> -> memref<4096xf32, #tpu.memory_space<hbm>>
      tpu.wait_dma2 semaphore(%arg21 : memref<!tpu.dma_semaphore, #tpu.memory_space<semaphore_mem>>) src(%dma_wait3A_163 : memref<4096xf32, #tpu.memory_space<hbm>>) dst(%dma_wait3A_161 : memref<4096xf32, #tpu.memory_space<vmem>>)
      %dma_wait3A_164 = arith.constant 8 : i32
      %dma_wait3A_165 = tpu.memref_slice %arg11[%dma_wait3A_164] : memref<4112xf32, #tpu.memory_space<vmem>> -> memref<4096xf32, #tpu.memory_space<vmem>>
      %dma_wait3A_166 = arith.constant 0 : i32
      %dma_wait3A_167 = tpu.memref_slice %arg2[%dma_wait3A_166] : memref<12582912xf32, #tpu.memory_space<hbm>> -> memref<4096xf32, #tpu.memory_space<hbm>>
      %dma_wait3A_168 = arith.constant 8 : i32
      %dma_wait3A_169 = tpu.memref_slice %arg11[%dma_wait3A_168] : memref<4112xf32, #tpu.memory_space<vmem>> -> memref<4096xf32, #tpu.memory_space<vmem>>
      %dma_wait3A_170 = arith.constant 0 : i32
      %dma_wait3A_171 = tpu.memref_slice %arg2[%dma_wait3A_170] : memref<12582912xf32, #tpu.memory_space<hbm>> -> memref<4096xf32, #tpu.memory_space<hbm>>
      tpu.wait_dma2 semaphore(%arg21 : memref<!tpu.dma_semaphore, #tpu.memory_space<semaphore_mem>>) src(%dma_wait3A_171 : memref<4096xf32, #tpu.memory_space<hbm>>) dst(%dma_wait3A_169 : memref<4096xf32, #tpu.memory_space<vmem>>)
      %add3A_172 = arith.constant 1 : i32
      %add3A_173 = arith.addi %add3A_148, %add3A_172 : i32
      %jit3A_174 = arith.constant 64 : i32
      %div3A_175 = arith.divsi %add3A_173, %jit3A_174 : i32
      %sign3A_176 = arith.constant 0 : i32
      %sign3A_177 = arith.cmpi sgt, %add3A_173, %sign3A_176 : i32
      %sign3A_178 = arith.extui %sign3A_177 : i1 to i32
      %sign3A_179 = arith.constant 0 : i32
      %sign3A_180 = arith.cmpi slt, %add3A_173, %sign3A_179 : i32
      %sign3A_181 = arith.extui %sign3A_180 : i1 to i32
      %sign3A_182 = arith.subi %sign3A_178, %sign3A_181 : i32
      %sign3A_183 = arith.constant 0 : i32
      %sign3A_184 = arith.cmpi sgt, %jit3A_174, %sign3A_183 : i32
      %sign3A_185 = arith.extui %sign3A_184 : i1 to i32
      %sign3A_186 = arith.constant 0 : i32
      %sign3A_187 = arith.cmpi slt, %jit3A_174, %sign3A_186 : i32
      %sign3A_188 = arith.extui %sign3A_187 : i1 to i32
      %sign3A_189 = arith.subi %sign3A_185, %sign3A_188 : i32
      %ne3A_190 = arith.cmpi ne, %sign3A_182, %sign3A_189 : i32
      %rem3A_191 = arith.remsi %add3A_173, %jit3A_174 : i32
      %ne3A_192 = arith.constant 0 : i32
      %ne3A_193 = arith.cmpi ne, %rem3A_191, %ne3A_192 : i32
      %and3A_194 = arith.andi %ne3A_190, %ne3A_193 : i1
      %sub3A_195 = arith.constant 1 : i32
      %sub3A_196 = arith.subi %div3A_175, %sub3A_195 : i32
      %select_n3A_197 = arith.select %and3A_194, %sub3A_196, %div3A_175 : i32
      %mul3A_198 = arith.constant 64 : i32
      %mul3A_199 = arith.muli %select_n3A_197, %mul3A_198 : i32
      %sub3A_200 = arith.subi %add3A_173, %mul3A_199 : i32
      %mul3A_201 = arith.constant 192 : i32
      %mul3A_202 = arith.muli %select_n3A_197, %mul3A_201 : i32
      %add3A_203 = arith.constant 0 : i32
      %add3A_204 = arith.addi %mul3A_202, %add3A_203 : i32
      %add3A_205 = arith.addi %add3A_204, %sub3A_200 : i32
      %mul3A_206 = arith.constant 4096 : i32
      %mul3A_207 = arith.muli %add3A_205, %mul3A_206 : i32
      %dma_start3A_208 = arith.constant 8 : i32
      %dma_start3A_209 = tpu.memref_slice %arg12[%dma_start3A_208] : memref<4112xf32, #tpu.memory_space<vmem>> -> memref<4096xf32, #tpu.memory_space<vmem>>
      %dma_start3A_210 = tpu.memref_slice %arg2[%mul3A_207] : memref<12582912xf32, #tpu.memory_space<hbm>> -> memref<4096xf32, #tpu.memory_space<hbm>>
      %dma_start3A_211 = arith.constant 8 : i32
      %dma_start3A_212 = tpu.memref_slice %arg12[%dma_start3A_211] : memref<4112xf32, #tpu.memory_space<vmem>> -> memref<4096xf32, #tpu.memory_space<vmem>>
      %dma_start3A_213 = tpu.memref_slice %arg2[%mul3A_207] : memref<12582912xf32, #tpu.memory_space<hbm>> -> memref<4096xf32, #tpu.memory_space<hbm>>
      tpu.enqueue_dma source(%dma_start3A_213 : memref<4096xf32, #tpu.memory_space<hbm>>) target(%dma_start3A_212 : memref<4096xf32, #tpu.memory_space<vmem>>) target_semaphore(%arg22 : memref<!tpu.dma_semaphore, #tpu.memory_space<semaphore_mem>>)
      %jit3A_214 = arith.constant 64 : i32
      %div3A_215 = arith.divsi %add3A_173, %jit3A_214 : i32
      %sign3A_216 = arith.constant 0 : i32
      %sign3A_217 = arith.cmpi sgt, %add3A_173, %sign3A_216 : i32
      %sign3A_218 = arith.extui %sign3A_217 : i1 to i32
      %sign3A_219 = arith.constant 0 : i32
      %sign3A_220 = arith.cmpi slt, %add3A_173, %sign3A_219 : i32
      %sign3A_221 = arith.extui %sign3A_220 : i1 to i32
      %sign3A_222 = arith.subi %sign3A_218, %sign3A_221 : i32
      %sign3A_223 = arith.constant 0 : i32
      %sign3A_224 = arith.cmpi sgt, %jit3A_214, %sign3A_223 : i32
      %sign3A_225 = arith.extui %sign3A_224 : i1 to i32
      %sign3A_226 = arith.constant 0 : i32
      %sign3A_227 = arith.cmpi slt, %jit3A_214, %sign3A_226 : i32
      %sign3A_228 = arith.extui %sign3A_227 : i1 to i32
      %sign3A_229 = arith.subi %sign3A_225, %sign3A_228 : i32
      %ne3A_230 = arith.cmpi ne, %sign3A_222, %sign3A_229 : i32
      %rem3A_231 = arith.remsi %add3A_173, %jit3A_214 : i32
      %ne3A_232 = arith.constant 0 : i32
      %ne3A_233 = arith.cmpi ne, %rem3A_231, %ne3A_232 : i32
      %and3A_234 = arith.andi %ne3A_230, %ne3A_233 : i1
      %sub3A_235 = arith.constant 1 : i32
      %sub3A_236 = arith.subi %div3A_215, %sub3A_235 : i32
      %select_n3A_237 = arith.select %and3A_234, %sub3A_236, %div3A_215 : i32
      %mul3A_238 = arith.constant 64 : i32
      %mul3A_239 = arith.muli %select_n3A_237, %mul3A_238 : i32
      %sub3A_240 = arith.subi %add3A_173, %mul3A_239 : i32
      %mul3A_241 = arith.constant 192 : i32
      %mul3A_242 = arith.muli %select_n3A_237, %mul3A_241 : i32
      %add3A_243 = arith.constant 64 : i32
      %add3A_244 = arith.addi %mul3A_242, %add3A_243 : i32
      %add3A_245 = arith.addi %add3A_244, %sub3A_240 : i32
      %mul3A_246 = arith.constant 4096 : i32
      %mul3A_247 = arith.muli %add3A_245, %mul3A_246 : i32
      %dma_start3A_248 = arith.constant 8 : i32
      %dma_start3A_249 = tpu.memref_slice %arg13[%dma_start3A_248] : memref<4112xf32, #tpu.memory_space<vmem>> -> memref<4096xf32, #tpu.memory_space<vmem>>
      %dma_start3A_250 = tpu.memref_slice %arg2[%mul3A_247] : memref<12582912xf32, #tpu.memory_space<hbm>> -> memref<4096xf32, #tpu.memory_space<hbm>>
      %dma_start3A_251 = arith.constant 8 : i32
      %dma_start3A_252 = tpu.memref_slice %arg13[%dma_start3A_251] : memref<4112xf32, #tpu.memory_space<vmem>> -> memref<4096xf32, #tpu.memory_space<vmem>>
      %dma_start3A_253 = tpu.memref_slice %arg2[%mul3A_247] : memref<12582912xf32, #tpu.memory_space<hbm>> -> memref<4096xf32, #tpu.memory_space<hbm>>
      tpu.enqueue_dma source(%dma_start3A_253 : memref<4096xf32, #tpu.memory_space<hbm>>) target(%dma_start3A_252 : memref<4096xf32, #tpu.memory_space<vmem>>) target_semaphore(%arg22 : memref<!tpu.dma_semaphore, #tpu.memory_space<semaphore_mem>>)
      %jit3A_254 = arith.constant 64 : i32
      %div3A_255 = arith.divsi %add3A_173, %jit3A_254 : i32
      %sign3A_256 = arith.constant 0 : i32
      %sign3A_257 = arith.cmpi sgt, %add3A_173, %sign3A_256 : i32
      %sign3A_258 = arith.extui %sign3A_257 : i1 to i32
      %sign3A_259 = arith.constant 0 : i32
      %sign3A_260 = arith.cmpi slt, %add3A_173, %sign3A_259 : i32
      %sign3A_261 = arith.extui %sign3A_260 : i1 to i32
      %sign3A_262 = arith.subi %sign3A_258, %sign3A_261 : i32
      %sign3A_263 = arith.constant 0 : i32
      %sign3A_264 = arith.cmpi sgt, %jit3A_254, %sign3A_263 : i32
      %sign3A_265 = arith.extui %sign3A_264 : i1 to i32
      %sign3A_266 = arith.constant 0 : i32
      %sign3A_267 = arith.cmpi slt, %jit3A_254, %sign3A_266 : i32
      %sign3A_268 = arith.extui %sign3A_267 : i1 to i32
      %sign3A_269 = arith.subi %sign3A_265, %sign3A_268 : i32
      %ne3A_270 = arith.cmpi ne, %sign3A_262, %sign3A_269 : i32
      %rem3A_271 = arith.remsi %add3A_173, %jit3A_254 : i32
      %ne3A_272 = arith.constant 0 : i32
      %ne3A_273 = arith.cmpi ne, %rem3A_271, %ne3A_272 : i32
      %and3A_274 = arith.andi %ne3A_270, %ne3A_273 : i1
      %sub3A_275 = arith.constant 1 : i32
      %sub3A_276 = arith.subi %div3A_255, %sub3A_275 : i32
      %select_n3A_277 = arith.select %and3A_274, %sub3A_276, %div3A_255 : i32
      %mul3A_278 = arith.constant 64 : i32
      %mul3A_279 = arith.muli %select_n3A_277, %mul3A_278 : i32
      %sub3A_280 = arith.subi %add3A_173, %mul3A_279 : i32
      %mul3A_281 = arith.constant 192 : i32
      %mul3A_282 = arith.muli %select_n3A_277, %mul3A_281 : i32
      %add3A_283 = arith.constant 128 : i32
      %add3A_284 = arith.addi %mul3A_282, %add3A_283 : i32
      %add3A_285 = arith.addi %add3A_284, %sub3A_280 : i32
      %mul3A_286 = arith.constant 4096 : i32
      %mul3A_287 = arith.muli %add3A_285, %mul3A_286 : i32
      %dma_start3A_288 = arith.constant 8 : i32
      %dma_start3A_289 = tpu.memref_slice %arg14[%dma_start3A_288] : memref<4112xf32, #tpu.memory_space<vmem>> -> memref<4096xf32, #tpu.memory_space<vmem>>
      %dma_start3A_290 = tpu.memref_slice %arg2[%mul3A_287] : memref<12582912xf32, #tpu.memory_space<hbm>> -> memref<4096xf32, #tpu.memory_space<hbm>>
      %dma_start3A_291 = arith.constant 8 : i32
      %dma_start3A_292 = tpu.memref_slice %arg14[%dma_start3A_291] : memref<4112xf32, #tpu.memory_space<vmem>> -> memref<4096xf32, #tpu.memory_space<vmem>>
      %dma_start3A_293 = tpu.memref_slice %arg2[%mul3A_287] : memref<12582912xf32, #tpu.memory_space<hbm>> -> memref<4096xf32, #tpu.memory_space<hbm>>
      tpu.enqueue_dma source(%dma_start3A_293 : memref<4096xf32, #tpu.memory_space<hbm>>) target(%dma_start3A_292 : memref<4096xf32, #tpu.memory_space<vmem>>) target_semaphore(%arg22 : memref<!tpu.dma_semaphore, #tpu.memory_space<semaphore_mem>>)
      %mul3A_294 = arith.constant 2 : i32
      %mul3A_295 = arith.muli %mul3A_294, %scan3A_145 : i32
      %broadcast_in_dim3A_296 = arith.constant 0.000000e+00 : f32
      %broadcast_in_dim3A_297 = vector.broadcast %broadcast_in_dim3A_296 : f32 to vector<16xf32>
      %parallel_loop3A = arith.constant 0 : i32
      %parallel_loop3A_298 = arith.constant 256 : i32
      %parallel_loop3A_299 = arith.constant 1 : i32
      %parallel_loop3A_300:9 = scf.for %parallel_loop3A_1130 = %parallel_loop3A to %parallel_loop3A_298 step %parallel_loop3A_299 iter_args(%parallel_loop3A_1131 = %broadcast_in_dim3A_297, %parallel_loop3A_1132 = %broadcast_in_dim3A_297, %parallel_loop3A_1133 = %iota3A, %parallel_loop3A_1134 = %broadcast_in_dim3A_297, %parallel_loop3A_1135 = %broadcast_in_dim3A_297, %parallel_loop3A_1136 = %iota3A, %parallel_loop3A_1137 = %broadcast_in_dim3A_297, %parallel_loop3A_1138 = %broadcast_in_dim3A_297, %parallel_loop3A_1139 = %iota3A) -> (vector<16xf32>, vector<16xf32>, vector<16xi32>, vector<16xf32>, vector<16xf32>, vector<16xi32>, vector<16xf32>, vector<16xf32>, vector<16xi32>)  : i32 {
        %parallel_loop3A_1140 = arith.constant 16 : i32
        %parallel_loop3A_1141 = arith.muli %parallel_loop3A_1130, %parallel_loop3A_1140 : i32
        %parallel_loop3A_1142 = arith.constant 8 : i32
        %parallel_loop3A_1143 = arith.addi %parallel_loop3A_1142, %parallel_loop3A_1141 : i32
        %parallel_loop3A_1144 = arith.constant 16 : i32
        %parallel_loop3A_1145 = arith.muli %parallel_loop3A_1130, %parallel_loop3A_1144 : i32
        %parallel_loop3A_1146 = vector.broadcast %parallel_loop3A_1145 : i32 to vector<16xi32>
        %parallel_loop3A_1147 = arith.addi %parallel_loop3A_1146, %iota3A : vector<16xi32>
        %parallel_loop3A_1148 = arith.constant 1 : i32
        %parallel_loop3A_1149 = arith.subi %parallel_loop3A_1143, %parallel_loop3A_1148 : i32
        %parallel_loop3A_1150 = arith.index_cast %parallel_loop3A_1149 : i32 to index
        %parallel_loop3A_1151 = tpu.vector_load %arg9[%parallel_loop3A_1150] {strides = array<i32>} : memref<4112xf32, #tpu.memory_space<vmem>>, vector<16xf32>,
        %parallel_loop3A_1152 = math.absf %parallel_loop3A_1151 : vector<16xf32>
        %parallel_loop3A_1153 = arith.index_cast %parallel_loop3A_1143 : i32 to index
        %parallel_loop3A_1154 = tpu.vector_load %arg9[%parallel_loop3A_1153] {strides = array<i32>} : memref<4112xf32, #tpu.memory_space<vmem>>, vector<16xf32>,
        %parallel_loop3A_1155 = math.absf %parallel_loop3A_1154 : vector<16xf32>
        %parallel_loop3A_1156 = arith.constant 1 : i32
        %parallel_loop3A_1157 = arith.addi %parallel_loop3A_1143, %parallel_loop3A_1156 : i32
        %parallel_loop3A_1158 = arith.index_cast %parallel_loop3A_1157 : i32 to index
        %parallel_loop3A_1159 = tpu.vector_load %arg9[%parallel_loop3A_1158] {strides = array<i32>} : memref<4112xf32, #tpu.memory_space<vmem>>, vector<16xf32>,
        %parallel_loop3A_1160 = math.absf %parallel_loop3A_1159 : vector<16xf32>
        %parallel_loop3A_1161 = arith.maximumf %parallel_loop3A_1152, %parallel_loop3A_1160 : vector<16xf32>
        %parallel_loop3A_1162 = arith.cmpf oge, %parallel_loop3A_1155, %parallel_loop3A_1161 : vector<16xf32>
        %parallel_loop3A_1163 = arith.constant 0.000000e+00 : f32
        %parallel_loop3A_1164 = vector.broadcast %parallel_loop3A_1163 : f32 to vector<16xf32>
        %parallel_loop3A_1165 = arith.select %parallel_loop3A_1162, %parallel_loop3A_1155, %parallel_loop3A_1164 : vector<16xi1>, vector<16xf32>
        %parallel_loop3A_1166 = arith.cmpf ogt, %parallel_loop3A_1165, %parallel_loop3A_1131 : vector<16xf32>
        %parallel_loop3A_1167 = arith.minimumf %parallel_loop3A_1165, %parallel_loop3A_1131 : vector<16xf32>
        %parallel_loop3A_1168 = arith.maximumf %parallel_loop3A_1132, %parallel_loop3A_1167 : vector<16xf32>
        %parallel_loop3A_1169 = arith.maximumf %parallel_loop3A_1131, %parallel_loop3A_1165 : vector<16xf32>
        %parallel_loop3A_1170 = arith.select %parallel_loop3A_1166, %parallel_loop3A_1147, %parallel_loop3A_1133 : vector<16xi1>, vector<16xi32>
        %parallel_loop3A_1171 = arith.constant 1 : i32
        %parallel_loop3A_1172 = arith.subi %parallel_loop3A_1143, %parallel_loop3A_1171 : i32
        %parallel_loop3A_1173 = arith.index_cast %parallel_loop3A_1172 : i32 to index
        %parallel_loop3A_1174 = tpu.vector_load %arg10[%parallel_loop3A_1173] {strides = array<i32>} : memref<4112xf32, #tpu.memory_space<vmem>>, vector<16xf32>,
        %parallel_loop3A_1175 = math.absf %parallel_loop3A_1174 : vector<16xf32>
        %parallel_loop3A_1176 = arith.index_cast %parallel_loop3A_1143 : i32 to index
        %parallel_loop3A_1177 = tpu.vector_load %arg10[%parallel_loop3A_1176] {strides = array<i32>} : memref<4112xf32, #tpu.memory_space<vmem>>, vector<16xf32>,
        %parallel_loop3A_1178 = math.absf %parallel_loop3A_1177 : vector<16xf32>
        %parallel_loop3A_1179 = arith.constant 1 : i32
        %parallel_loop3A_1180 = arith.addi %parallel_loop3A_1143, %parallel_loop3A_1179 : i32
        %parallel_loop3A_1181 = arith.index_cast %parallel_loop3A_1180 : i32 to index
        %parallel_loop3A_1182 = tpu.vector_load %arg10[%parallel_loop3A_1181] {strides = array<i32>} : memref<4112xf32, #tpu.memory_space<vmem>>, vector<16xf32>,
        %parallel_loop3A_1183 = math.absf %parallel_loop3A_1182 : vector<16xf32>
        %parallel_loop3A_1184 = arith.maximumf %parallel_loop3A_1175, %parallel_loop3A_1183 : vector<16xf32>
        %parallel_loop3A_1185 = arith.cmpf oge, %parallel_loop3A_1178, %parallel_loop3A_1184 : vector<16xf32>
        %parallel_loop3A_1186 = arith.constant 0.000000e+00 : f32
        %parallel_loop3A_1187 = vector.broadcast %parallel_loop3A_1186 : f32 to vector<16xf32>
        %parallel_loop3A_1188 = arith.select %parallel_loop3A_1185, %parallel_loop3A_1178, %parallel_loop3A_1187 : vector<16xi1>, vector<16xf32>
        %parallel_loop3A_1189 = arith.cmpf ogt, %parallel_loop3A_1188, %parallel_loop3A_1134 : vector<16xf32>
        %parallel_loop3A_1190 = arith.minimumf %parallel_loop3A_1188, %parallel_loop3A_1134 : vector<16xf32>
        %parallel_loop3A_1191 = arith.maximumf %parallel_loop3A_1135, %parallel_loop3A_1190 : vector<16xf32>
        %parallel_loop3A_1192 = arith.maximumf %parallel_loop3A_1134, %parallel_loop3A_1188 : vector<16xf32>
        %parallel_loop3A_1193 = arith.select %parallel_loop3A_1189, %parallel_loop3A_1147, %parallel_loop3A_1136 : vector<16xi1>, vector<16xi32>
        %parallel_loop3A_1194 = arith.constant 1 : i32
        %parallel_loop3A_1195 = arith.subi %parallel_loop3A_1143, %parallel_loop3A_1194 : i32
        %parallel_loop3A_1196 = arith.index_cast %parallel_loop3A_1195 : i32 to index
        %parallel_loop3A_1197 = tpu.vector_load %arg11[%parallel_loop3A_1196] {strides = array<i32>} : memref<4112xf32, #tpu.memory_space<vmem>>, vector<16xf32>,
        %parallel_loop3A_1198 = math.absf %parallel_loop3A_1197 : vector<16xf32>
        %parallel_loop3A_1199 = arith.index_cast %parallel_loop3A_1143 : i32 to index
        %parallel_loop3A_1200 = tpu.vector_load %arg11[%parallel_loop3A_1199] {strides = array<i32>} : memref<4112xf32, #tpu.memory_space<vmem>>, vector<16xf32>,
        %parallel_loop3A_1201 = math.absf %parallel_loop3A_1200 : vector<16xf32>
        %parallel_loop3A_1202 = arith.constant 1 : i32
        %parallel_loop3A_1203 = arith.addi %parallel_loop3A_1143, %parallel_loop3A_1202 : i32
        %parallel_loop3A_1204 = arith.index_cast %parallel_loop3A_1203 : i32 to index
        %parallel_loop3A_1205 = tpu.vector_load %arg11[%parallel_loop3A_1204] {strides = array<i32>} : memref<4112xf32, #tpu.memory_space<vmem>>, vector<16xf32>,
        %parallel_loop3A_1206 = math.absf %parallel_loop3A_1205 : vector<16xf32>
        %parallel_loop3A_1207 = arith.maximumf %parallel_loop3A_1198, %parallel_loop3A_1206 : vector<16xf32>
        %parallel_loop3A_1208 = arith.cmpf oge, %parallel_loop3A_1201, %parallel_loop3A_1207 : vector<16xf32>
        %parallel_loop3A_1209 = arith.constant 0.000000e+00 : f32
        %parallel_loop3A_1210 = vector.broadcast %parallel_loop3A_1209 : f32 to vector<16xf32>
        %parallel_loop3A_1211 = arith.select %parallel_loop3A_1208, %parallel_loop3A_1201, %parallel_loop3A_1210 : vector<16xi1>, vector<16xf32>
        %parallel_loop3A_1212 = arith.cmpf ogt, %parallel_loop3A_1211, %parallel_loop3A_1137 : vector<16xf32>
        %parallel_loop3A_1213 = arith.minimumf %parallel_loop3A_1211, %parallel_loop3A_1137 : vector<16xf32>
        %parallel_loop3A_1214 = arith.maximumf %parallel_loop3A_1138, %parallel_loop3A_1213 : vector<16xf32>
        %parallel_loop3A_1215 = arith.maximumf %parallel_loop3A_1137, %parallel_loop3A_1211 : vector<16xf32>
        %parallel_loop3A_1216 = arith.select %parallel_loop3A_1212, %parallel_loop3A_1147, %parallel_loop3A_1139 : vector<16xi1>, vector<16xi32>
        scf.yield %parallel_loop3A_1169, %parallel_loop3A_1168, %parallel_loop3A_1170, %parallel_loop3A_1192, %parallel_loop3A_1191, %parallel_loop3A_1193, %parallel_loop3A_1215, %parallel_loop3A_1214, %parallel_loop3A_1216 : vector<16xf32>, vector<16xf32>, vector<16xi32>, vector<16xf32>, vector<16xf32>, vector<16xi32>, vector<16xf32>, vector<16xf32>, vector<16xi32>
      } {sc.loop_unroll_factor = 8 : i64, sc.parallel_access}
      %reduce_max3A_301 = arith.constant true
      %reduce_max3A_302 = vector.broadcast %reduce_max3A_301 : i1 to vector<16xi1>
      %reduce_max3A_303 = tpu.scan <max>, %parallel_loop3A_300#0 masked %reduce_max3A_302 : vector<16xf32>, vector<16xi1> -> vector<16xf32>
      %reduce_max3A_304 = vector.extract %reduce_max3A_303[15] : f32 from vector<16xf32>
      %eq3A_305 = vector.broadcast %reduce_max3A_304 : f32 to vector<16xf32>
      %eq3A_306 = arith.cmpf oeq, %parallel_loop3A_300#0, %eq3A_305 : vector<16xf32>
      %jit3A_307 = arith.constant 4096 : i32
      %broadcast_in_dim3A_308 = vector.broadcast %jit3A_307 : i32 to vector<16xi32>
      %select_n3A_309 = arith.select %eq3A_306, %parallel_loop3A_300#2, %broadcast_in_dim3A_308 : vector<16xi1>, vector<16xi32>
      %reduce_min3A = arith.constant true
      %reduce_min3A_310 = vector.broadcast %reduce_min3A : i1 to vector<16xi1>
      %reduce_min3A_311 = arith.constant -2147483648 : i32
      %reduce_min3A_312 = vector.broadcast %reduce_min3A_311 : i32 to vector<16xi32>
      %reduce_min3A_313 = arith.xori %select_n3A_309, %reduce_min3A_312 : vector<16xi32>
      %reduce_min3A_314 = tpu.scan <min>, %reduce_min3A_313 masked %reduce_min3A_310 : vector<16xi32>, vector<16xi1> -> vector<16xi32>
      %reduce_min3A_315 = arith.xori %reduce_min3A_314, %reduce_min3A_312 : vector<16xi32>
      %reduce_min3A_316 = vector.extract %reduce_min3A_315[15] : i32 from vector<16xi32>
      %eq3A_317 = vector.broadcast %reduce_min3A_316 : i32 to vector<16xi32>
      %eq3A_318 = arith.cmpi eq, %parallel_loop3A_300#2, %eq3A_317 : vector<16xi32>
      %jit3A_319 = arith.constant -1.000000e+00 : f32
      %broadcast_in_dim3A_320 = vector.broadcast %jit3A_319 : f32 to vector<16xf32>
      %select_n3A_321 = arith.select %eq3A_318, %broadcast_in_dim3A_320, %parallel_loop3A_300#0 : vector<16xi1>, vector<16xf32>
      %reduce_max3A_322 = arith.constant true
      %reduce_max3A_323 = vector.broadcast %reduce_max3A_322 : i1 to vector<16xi1>
      %reduce_max3A_324 = tpu.scan <max>, %select_n3A_321 masked %reduce_max3A_323 : vector<16xf32>, vector<16xi1> -> vector<16xf32>
      %reduce_max3A_325 = vector.extract %reduce_max3A_324[15] : f32 from vector<16xf32>
      %reduce_max3A_326 = arith.constant true
      %reduce_max3A_327 = vector.broadcast %reduce_max3A_326 : i1 to vector<16xi1>
      %reduce_max3A_328 = tpu.scan <max>, %parallel_loop3A_300#1 masked %reduce_max3A_327 : vector<16xf32>, vector<16xi1> -> vector<16xf32>
      %reduce_max3A_329 = vector.extract %reduce_max3A_328[15] : f32 from vector<16xf32>
      %max3A = arith.maximumf %reduce_max3A_325, %reduce_max3A_329 : f32
      %sub3A_330 = arith.constant 1 : i32
      %sub3A_331 = arith.subi %reduce_min3A_316, %sub3A_330 : i32
      %max3A_332 = arith.constant 0 : i32
      %max3A_333 = arith.maxsi %sub3A_331, %max3A_332 : i32
      %add3A_334 = arith.constant 1 : i32
      %add3A_335 = arith.addi %reduce_min3A_316, %add3A_334 : i32
      %min3A = arith.constant 4095 : i32
      %min3A_336 = arith.minsi %add3A_335, %min3A : i32
      %eq3A_337 = arith.constant 0 : i32
      %eq3A_338 = vector.broadcast %eq3A_337 : i32 to vector<16xi32>
      %eq3A_339 = arith.cmpi eq, %iota3A, %eq3A_338 : vector<16xi32>
      %eq3A_340 = arith.constant 1 : i32
      %eq3A_341 = vector.broadcast %eq3A_340 : i32 to vector<16xi32>
      %eq3A_342 = arith.cmpi eq, %iota3A, %eq3A_341 : vector<16xi32>
      %broadcast_in_dim3A_343 = vector.broadcast %reduce_min3A_316 : i32 to vector<16xi32>
      %broadcast_in_dim3A_344 = vector.broadcast %min3A_336 : i32 to vector<16xi32>
      %select_n3A_345 = arith.select %eq3A_342, %broadcast_in_dim3A_343, %broadcast_in_dim3A_344 : vector<16xi1>, vector<16xi32>
      %broadcast_in_dim3A_346 = vector.broadcast %max3A_333 : i32 to vector<16xi32>
      %select_n3A_347 = arith.select %eq3A_339, %broadcast_in_dim3A_346, %select_n3A_345 : vector<16xi1>, vector<16xi32>
      %add3A_348 = arith.constant 8 : i32
      %add3A_349 = vector.broadcast %add3A_348 : i32 to vector<16xi32>
      %add3A_350 = arith.addi %select_n3A_347, %add3A_349 : vector<16xi32>
      %gather3A = tpu.vector_load_idx %arg9[%add3A_350] : memref<4112xf32, #tpu.memory_space<vmem>>[vector<16xi32>], vector<16xf32>,
      %abs3A = math.absf %gather3A : vector<16xf32>
      %eq3A_351 = arith.constant 0 : i32
      %eq3A_352 = vector.broadcast %eq3A_351 : i32 to vector<16xi32>
      %eq3A_353 = arith.cmpi eq, %iota3A, %eq3A_352 : vector<16xi32>
      %jit3A_354 = arith.constant -1.000000e+00 : f32
      %broadcast_in_dim3A_355 = vector.broadcast %jit3A_354 : f32 to vector<16xf32>
      %select_n3A_356 = arith.select %eq3A_353, %abs3A, %broadcast_in_dim3A_355 : vector<16xi1>, vector<16xf32>
      %reduce_max3A_357 = arith.constant true
      %reduce_max3A_358 = vector.broadcast %reduce_max3A_357 : i1 to vector<16xi1>
      %reduce_max3A_359 = tpu.scan <max>, %select_n3A_356 masked %reduce_max3A_358 : vector<16xf32>, vector<16xi1> -> vector<16xf32>
      %reduce_max3A_360 = vector.extract %reduce_max3A_359[15] : f32 from vector<16xf32>
      %eq3A_361 = arith.constant 1 : i32
      %eq3A_362 = vector.broadcast %eq3A_361 : i32 to vector<16xi32>
      %eq3A_363 = arith.cmpi eq, %iota3A, %eq3A_362 : vector<16xi32>
      %jit3A_364 = arith.constant -1.000000e+00 : f32
      %broadcast_in_dim3A_365 = vector.broadcast %jit3A_364 : f32 to vector<16xf32>
      %select_n3A_366 = arith.select %eq3A_363, %abs3A, %broadcast_in_dim3A_365 : vector<16xi1>, vector<16xf32>
      %reduce_max3A_367 = arith.constant true
      %reduce_max3A_368 = vector.broadcast %reduce_max3A_367 : i1 to vector<16xi1>
      %reduce_max3A_369 = tpu.scan <max>, %select_n3A_366 masked %reduce_max3A_368 : vector<16xf32>, vector<16xi1> -> vector<16xf32>
      %reduce_max3A_370 = vector.extract %reduce_max3A_369[15] : f32 from vector<16xf32>
      %eq3A_371 = arith.constant 2 : i32
      %eq3A_372 = vector.broadcast %eq3A_371 : i32 to vector<16xi32>
      %eq3A_373 = arith.cmpi eq, %iota3A, %eq3A_372 : vector<16xi32>
      %jit3A_374 = arith.constant -1.000000e+00 : f32
      %broadcast_in_dim3A_375 = vector.broadcast %jit3A_374 : f32 to vector<16xf32>
      %select_n3A_376 = arith.select %eq3A_373, %abs3A, %broadcast_in_dim3A_375 : vector<16xi1>, vector<16xf32>
      %reduce_max3A_377 = arith.constant true
      %reduce_max3A_378 = vector.broadcast %reduce_max3A_377 : i1 to vector<16xi1>
      %reduce_max3A_379 = tpu.scan <max>, %select_n3A_376 masked %reduce_max3A_378 : vector<16xf32>, vector<16xi1> -> vector<16xf32>
      %reduce_max3A_380 = vector.extract %reduce_max3A_379[15] : f32 from vector<16xf32>
      %add3A_381 = arith.addf %reduce_max3A_360, %reduce_max3A_380 : f32
      %mul3A_382 = arith.constant 5.000000e-01 : f32
      %mul3A_383 = arith.mulf %mul3A_382, %add3A_381 : f32
      %sub3A_384 = arith.subf %mul3A_383, %reduce_max3A_370 : f32
      %sub3A_385 = arith.subf %reduce_max3A_380, %reduce_max3A_360 : f32
      %mul3A_386 = arith.constant 5.000000e-01 : f32
      %mul3A_387 = arith.mulf %mul3A_386, %sub3A_385 : f32
      %reduce_max3A_388 = arith.constant true
      %reduce_max3A_389 = vector.broadcast %reduce_max3A_388 : i1 to vector<16xi1>
      %reduce_max3A_390 = tpu.scan <max>, %parallel_loop3A_300#3 masked %reduce_max3A_389 : vector<16xf32>, vector<16xi1> -> vector<16xf32>
      %reduce_max3A_391 = vector.extract %reduce_max3A_390[15] : f32 from vector<16xf32>
      %eq3A_392 = vector.broadcast %reduce_max3A_391 : f32 to vector<16xf32>
      %eq3A_393 = arith.cmpf oeq, %parallel_loop3A_300#3, %eq3A_392 : vector<16xf32>
      %jit3A_394 = arith.constant 4096 : i32
      %broadcast_in_dim3A_395 = vector.broadcast %jit3A_394 : i32 to vector<16xi32>
      %select_n3A_396 = arith.select %eq3A_393, %parallel_loop3A_300#5, %broadcast_in_dim3A_395 : vector<16xi1>, vector<16xi32>
      %reduce_min3A_397 = arith.constant true
      %reduce_min3A_398 = vector.broadcast %reduce_min3A_397 : i1 to vector<16xi1>
      %reduce_min3A_399 = arith.constant -2147483648 : i32
      %reduce_min3A_400 = vector.broadcast %reduce_min3A_399 : i32 to vector<16xi32>
      %reduce_min3A_401 = arith.xori %select_n3A_396, %reduce_min3A_400 : vector<16xi32>
      %reduce_min3A_402 = tpu.scan <min>, %reduce_min3A_401 masked %reduce_min3A_398 : vector<16xi32>, vector<16xi1> -> vector<16xi32>
      %reduce_min3A_403 = arith.xori %reduce_min3A_402, %reduce_min3A_400 : vector<16xi32>
      %reduce_min3A_404 = vector.extract %reduce_min3A_403[15] : i32 from vector<16xi32>
      %eq3A_405 = vector.broadcast %reduce_min3A_404 : i32 to vector<16xi32>
      %eq3A_406 = arith.cmpi eq, %parallel_loop3A_300#5, %eq3A_405 : vector<16xi32>
      %jit3A_407 = arith.constant -1.000000e+00 : f32
      %broadcast_in_dim3A_408 = vector.broadcast %jit3A_407 : f32 to vector<16xf32>
      %select_n3A_409 = arith.select %eq3A_406, %broadcast_in_dim3A_408, %parallel_loop3A_300#3 : vector<16xi1>, vector<16xf32>
      %reduce_max3A_410 = arith.constant true
      %reduce_max3A_411 = vector.broadcast %reduce_max3A_410 : i1 to vector<16xi1>
      %reduce_max3A_412 = tpu.scan <max>, %select_n3A_409 masked %reduce_max3A_411 : vector<16xf32>, vector<16xi1> -> vector<16xf32>
      %reduce_max3A_413 = vector.extract %reduce_max3A_412[15] : f32 from vector<16xf32>
      %reduce_max3A_414 = arith.constant true
      %reduce_max3A_415 = vector.broadcast %reduce_max3A_414 : i1 to vector<16xi1>
      %reduce_max3A_416 = tpu.scan <max>, %parallel_loop3A_300#4 masked %reduce_max3A_415 : vector<16xf32>, vector<16xi1> -> vector<16xf32>
      %reduce_max3A_417 = vector.extract %reduce_max3A_416[15] : f32 from vector<16xf32>
      %max3A_418 = arith.maximumf %reduce_max3A_413, %reduce_max3A_417 : f32
      %sub3A_419 = arith.constant 1 : i32
      %sub3A_420 = arith.subi %reduce_min3A_404, %sub3A_419 : i32
      %max3A_421 = arith.constant 0 : i32
      %max3A_422 = arith.maxsi %sub3A_420, %max3A_421 : i32
      %add3A_423 = arith.constant 1 : i32
      %add3A_424 = arith.addi %reduce_min3A_404, %add3A_423 : i32
      %min3A_425 = arith.constant 4095 : i32
      %min3A_426 = arith.minsi %add3A_424, %min3A_425 : i32
      %eq3A_427 = arith.constant 0 : i32
      %eq3A_428 = vector.broadcast %eq3A_427 : i32 to vector<16xi32>
      %eq3A_429 = arith.cmpi eq, %iota3A, %eq3A_428 : vector<16xi32>
      %eq3A_430 = arith.constant 1 : i32
      %eq3A_431 = vector.broadcast %eq3A_430 : i32 to vector<16xi32>
      %eq3A_432 = arith.cmpi eq, %iota3A, %eq3A_431 : vector<16xi32>
      %broadcast_in_dim3A_433 = vector.broadcast %reduce_min3A_404 : i32 to vector<16xi32>
      %broadcast_in_dim3A_434 = vector.broadcast %min3A_426 : i32 to vector<16xi32>
      %select_n3A_435 = arith.select %eq3A_432, %broadcast_in_dim3A_433, %broadcast_in_dim3A_434 : vector<16xi1>, vector<16xi32>
      %broadcast_in_dim3A_436 = vector.broadcast %max3A_422 : i32 to vector<16xi32>
      %select_n3A_437 = arith.select %eq3A_429, %broadcast_in_dim3A_436, %select_n3A_435 : vector<16xi1>, vector<16xi32>
      %add3A_438 = arith.constant 8 : i32
      %add3A_439 = vector.broadcast %add3A_438 : i32 to vector<16xi32>
      %add3A_440 = arith.addi %select_n3A_437, %add3A_439 : vector<16xi32>
      %gather3A_441 = tpu.vector_load_idx %arg10[%add3A_440] : memref<4112xf32, #tpu.memory_space<vmem>>[vector<16xi32>], vector<16xf32>,
      %abs3A_442 = math.absf %gather3A_441 : vector<16xf32>
      %eq3A_443 = arith.constant 0 : i32
      %eq3A_444 = vector.broadcast %eq3A_443 : i32 to vector<16xi32>
      %eq3A_445 = arith.cmpi eq, %iota3A, %eq3A_444 : vector<16xi32>
      %jit3A_446 = arith.constant -1.000000e+00 : f32
      %broadcast_in_dim3A_447 = vector.broadcast %jit3A_446 : f32 to vector<16xf32>
      %select_n3A_448 = arith.select %eq3A_445, %abs3A_442, %broadcast_in_dim3A_447 : vector<16xi1>, vector<16xf32>
      %reduce_max3A_449 = arith.constant true
      %reduce_max3A_450 = vector.broadcast %reduce_max3A_449 : i1 to vector<16xi1>
      %reduce_max3A_451 = tpu.scan <max>, %select_n3A_448 masked %reduce_max3A_450 : vector<16xf32>, vector<16xi1> -> vector<16xf32>
      %reduce_max3A_452 = vector.extract %reduce_max3A_451[15] : f32 from vector<16xf32>
      %eq3A_453 = arith.constant 1 : i32
      %eq3A_454 = vector.broadcast %eq3A_453 : i32 to vector<16xi32>
      %eq3A_455 = arith.cmpi eq, %iota3A, %eq3A_454 : vector<16xi32>
      %jit3A_456 = arith.constant -1.000000e+00 : f32
      %broadcast_in_dim3A_457 = vector.broadcast %jit3A_456 : f32 to vector<16xf32>
      %select_n3A_458 = arith.select %eq3A_455, %abs3A_442, %broadcast_in_dim3A_457 : vector<16xi1>, vector<16xf32>
      %reduce_max3A_459 = arith.constant true
      %reduce_max3A_460 = vector.broadcast %reduce_max3A_459 : i1 to vector<16xi1>
      %reduce_max3A_461 = tpu.scan <max>, %select_n3A_458 masked %reduce_max3A_460 : vector<16xf32>, vector<16xi1> -> vector<16xf32>
      %reduce_max3A_462 = vector.extract %reduce_max3A_461[15] : f32 from vector<16xf32>
      %eq3A_463 = arith.constant 2 : i32
      %eq3A_464 = vector.broadcast %eq3A_463 : i32 to vector<16xi32>
      %eq3A_465 = arith.cmpi eq, %iota3A, %eq3A_464 : vector<16xi32>
      %jit3A_466 = arith.constant -1.000000e+00 : f32
      %broadcast_in_dim3A_467 = vector.broadcast %jit3A_466 : f32 to vector<16xf32>
      %select_n3A_468 = arith.select %eq3A_465, %abs3A_442, %broadcast_in_dim3A_467 : vector<16xi1>, vector<16xf32>
      %reduce_max3A_469 = arith.constant true
      %reduce_max3A_470 = vector.broadcast %reduce_max3A_469 : i1 to vector<16xi1>
      %reduce_max3A_471 = tpu.scan <max>, %select_n3A_468 masked %reduce_max3A_470 : vector<16xf32>, vector<16xi1> -> vector<16xf32>
      %reduce_max3A_472 = vector.extract %reduce_max3A_471[15] : f32 from vector<16xf32>
      %add3A_473 = arith.addf %reduce_max3A_452, %reduce_max3A_472 : f32
      %mul3A_474 = arith.constant 5.000000e-01 : f32
      %mul3A_475 = arith.mulf %mul3A_474, %add3A_473 : f32
      %sub3A_476 = arith.subf %mul3A_475, %reduce_max3A_462 : f32
      %sub3A_477 = arith.subf %reduce_max3A_472, %reduce_max3A_452 : f32
      %mul3A_478 = arith.constant 5.000000e-01 : f32
      %mul3A_479 = arith.mulf %mul3A_478, %sub3A_477 : f32
      %reduce_max3A_480 = arith.constant true
      %reduce_max3A_481 = vector.broadcast %reduce_max3A_480 : i1 to vector<16xi1>
      %reduce_max3A_482 = tpu.scan <max>, %parallel_loop3A_300#6 masked %reduce_max3A_481 : vector<16xf32>, vector<16xi1> -> vector<16xf32>
      %reduce_max3A_483 = vector.extract %reduce_max3A_482[15] : f32 from vector<16xf32>
      %eq3A_484 = vector.broadcast %reduce_max3A_483 : f32 to vector<16xf32>
      %eq3A_485 = arith.cmpf oeq, %parallel_loop3A_300#6, %eq3A_484 : vector<16xf32>
      %jit3A_486 = arith.constant 4096 : i32
      %broadcast_in_dim3A_487 = vector.broadcast %jit3A_486 : i32 to vector<16xi32>
      %select_n3A_488 = arith.select %eq3A_485, %parallel_loop3A_300#8, %broadcast_in_dim3A_487 : vector<16xi1>, vector<16xi32>
      %reduce_min3A_489 = arith.constant true
      %reduce_min3A_490 = vector.broadcast %reduce_min3A_489 : i1 to vector<16xi1>
      %reduce_min3A_491 = arith.constant -2147483648 : i32
      %reduce_min3A_492 = vector.broadcast %reduce_min3A_491 : i32 to vector<16xi32>
      %reduce_min3A_493 = arith.xori %select_n3A_488, %reduce_min3A_492 : vector<16xi32>
      %reduce_min3A_494 = tpu.scan <min>, %reduce_min3A_493 masked %reduce_min3A_490 : vector<16xi32>, vector<16xi1> -> vector<16xi32>
      %reduce_min3A_495 = arith.xori %reduce_min3A_494, %reduce_min3A_492 : vector<16xi32>
      %reduce_min3A_496 = vector.extract %reduce_min3A_495[15] : i32 from vector<16xi32>
      %eq3A_497 = vector.broadcast %reduce_min3A_496 : i32 to vector<16xi32>
      %eq3A_498 = arith.cmpi eq, %parallel_loop3A_300#8, %eq3A_497 : vector<16xi32>
      %jit3A_499 = arith.constant -1.000000e+00 : f32
      %broadcast_in_dim3A_500 = vector.broadcast %jit3A_499 : f32 to vector<16xf32>
      %select_n3A_501 = arith.select %eq3A_498, %broadcast_in_dim3A_500, %parallel_loop3A_300#6 : vector<16xi1>, vector<16xf32>
      %reduce_max3A_502 = arith.constant true
      %reduce_max3A_503 = vector.broadcast %reduce_max3A_502 : i1 to vector<16xi1>
      %reduce_max3A_504 = tpu.scan <max>, %select_n3A_501 masked %reduce_max3A_503 : vector<16xf32>, vector<16xi1> -> vector<16xf32>
      %reduce_max3A_505 = vector.extract %reduce_max3A_504[15] : f32 from vector<16xf32>
      %reduce_max3A_506 = arith.constant true
      %reduce_max3A_507 = vector.broadcast %reduce_max3A_506 : i1 to vector<16xi1>
      %reduce_max3A_508 = tpu.scan <max>, %parallel_loop3A_300#7 masked %reduce_max3A_507 : vector<16xf32>, vector<16xi1> -> vector<16xf32>
      %reduce_max3A_509 = vector.extract %reduce_max3A_508[15] : f32 from vector<16xf32>
      %max3A_510 = arith.maximumf %reduce_max3A_505, %reduce_max3A_509 : f32
      %sub3A_511 = arith.constant 1 : i32
      %sub3A_512 = arith.subi %reduce_min3A_496, %sub3A_511 : i32
      %max3A_513 = arith.constant 0 : i32
      %max3A_514 = arith.maxsi %sub3A_512, %max3A_513 : i32
      %add3A_515 = arith.constant 1 : i32
      %add3A_516 = arith.addi %reduce_min3A_496, %add3A_515 : i32
      %min3A_517 = arith.constant 4095 : i32
      %min3A_518 = arith.minsi %add3A_516, %min3A_517 : i32
      %eq3A_519 = arith.constant 0 : i32
      %eq3A_520 = vector.broadcast %eq3A_519 : i32 to vector<16xi32>
      %eq3A_521 = arith.cmpi eq, %iota3A, %eq3A_520 : vector<16xi32>
      %eq3A_522 = arith.constant 1 : i32
      %eq3A_523 = vector.broadcast %eq3A_522 : i32 to vector<16xi32>
      %eq3A_524 = arith.cmpi eq, %iota3A, %eq3A_523 : vector<16xi32>
      %broadcast_in_dim3A_525 = vector.broadcast %reduce_min3A_496 : i32 to vector<16xi32>
      %broadcast_in_dim3A_526 = vector.broadcast %min3A_518 : i32 to vector<16xi32>
      %select_n3A_527 = arith.select %eq3A_524, %broadcast_in_dim3A_525, %broadcast_in_dim3A_526 : vector<16xi1>, vector<16xi32>
      %broadcast_in_dim3A_528 = vector.broadcast %max3A_514 : i32 to vector<16xi32>
      %select_n3A_529 = arith.select %eq3A_521, %broadcast_in_dim3A_528, %select_n3A_527 : vector<16xi1>, vector<16xi32>
      %add3A_530 = arith.constant 8 : i32
      %add3A_531 = vector.broadcast %add3A_530 : i32 to vector<16xi32>
      %add3A_532 = arith.addi %select_n3A_529, %add3A_531 : vector<16xi32>
      %gather3A_533 = tpu.vector_load_idx %arg11[%add3A_532] : memref<4112xf32, #tpu.memory_space<vmem>>[vector<16xi32>], vector<16xf32>,
      %abs3A_534 = math.absf %gather3A_533 : vector<16xf32>
      %eq3A_535 = arith.constant 0 : i32
      %eq3A_536 = vector.broadcast %eq3A_535 : i32 to vector<16xi32>
      %eq3A_537 = arith.cmpi eq, %iota3A, %eq3A_536 : vector<16xi32>
      %jit3A_538 = arith.constant -1.000000e+00 : f32
      %broadcast_in_dim3A_539 = vector.broadcast %jit3A_538 : f32 to vector<16xf32>
      %select_n3A_540 = arith.select %eq3A_537, %abs3A_534, %broadcast_in_dim3A_539 : vector<16xi1>, vector<16xf32>
      %reduce_max3A_541 = arith.constant true
      %reduce_max3A_542 = vector.broadcast %reduce_max3A_541 : i1 to vector<16xi1>
      %reduce_max3A_543 = tpu.scan <max>, %select_n3A_540 masked %reduce_max3A_542 : vector<16xf32>, vector<16xi1> -> vector<16xf32>
      %reduce_max3A_544 = vector.extract %reduce_max3A_543[15] : f32 from vector<16xf32>
      %eq3A_545 = arith.constant 1 : i32
      %eq3A_546 = vector.broadcast %eq3A_545 : i32 to vector<16xi32>
      %eq3A_547 = arith.cmpi eq, %iota3A, %eq3A_546 : vector<16xi32>
      %jit3A_548 = arith.constant -1.000000e+00 : f32
      %broadcast_in_dim3A_549 = vector.broadcast %jit3A_548 : f32 to vector<16xf32>
      %select_n3A_550 = arith.select %eq3A_547, %abs3A_534, %broadcast_in_dim3A_549 : vector<16xi1>, vector<16xf32>
      %reduce_max3A_551 = arith.constant true
      %reduce_max3A_552 = vector.broadcast %reduce_max3A_551 : i1 to vector<16xi1>
      %reduce_max3A_553 = tpu.scan <max>, %select_n3A_550 masked %reduce_max3A_552 : vector<16xf32>, vector<16xi1> -> vector<16xf32>
      %reduce_max3A_554 = vector.extract %reduce_max3A_553[15] : f32 from vector<16xf32>
      %eq3A_555 = arith.constant 2 : i32
      %eq3A_556 = vector.broadcast %eq3A_555 : i32 to vector<16xi32>
      %eq3A_557 = arith.cmpi eq, %iota3A, %eq3A_556 : vector<16xi32>
      %jit3A_558 = arith.constant -1.000000e+00 : f32
      %broadcast_in_dim3A_559 = vector.broadcast %jit3A_558 : f32 to vector<16xf32>
      %select_n3A_560 = arith.select %eq3A_557, %abs3A_534, %broadcast_in_dim3A_559 : vector<16xi1>, vector<16xf32>
      %reduce_max3A_561 = arith.constant true
      %reduce_max3A_562 = vector.broadcast %reduce_max3A_561 : i1 to vector<16xi1>
      %reduce_max3A_563 = tpu.scan <max>, %select_n3A_560 masked %reduce_max3A_562 : vector<16xf32>, vector<16xi1> -> vector<16xf32>
      %reduce_max3A_564 = vector.extract %reduce_max3A_563[15] : f32 from vector<16xf32>
      %add3A_565 = arith.addf %reduce_max3A_544, %reduce_max3A_564 : f32
      %mul3A_566 = arith.constant 5.000000e-01 : f32
      %mul3A_567 = arith.mulf %mul3A_566, %add3A_565 : f32
      %sub3A_568 = arith.subf %mul3A_567, %reduce_max3A_554 : f32
      %sub3A_569 = arith.subf %reduce_max3A_564, %reduce_max3A_544 : f32
      %mul3A_570 = arith.constant 5.000000e-01 : f32
      %mul3A_571 = arith.mulf %mul3A_570, %sub3A_569 : f32
      %broadcast_in_dim3A_572 = arith.constant 0xFF800000 : f32
      %broadcast_in_dim3A_573 = vector.broadcast %broadcast_in_dim3A_572 : f32 to vector<16xf32>
      %scan3A_574 = arith.constant 0 : i32
      %scan3A_575 = arith.constant 13 : i32
      %scan3A_576 = arith.addi %scan3A_574, %scan3A_575 : i32
      %scan3A_577 = arith.constant 1 : i32
      %scan3A_578:6 = scf.for %scan3A_1130 = %scan3A_574 to %scan3A_576 step %scan3A_577 iter_args(%scan3A_1131 = %broadcast_in_dim3A_573, %scan3A_1132 = %iota3A, %scan3A_1133 = %broadcast_in_dim3A_573, %scan3A_1134 = %iota3A, %scan3A_1135 = %broadcast_in_dim3A_573, %scan3A_1136 = %iota3A) -> (vector<16xf32>, vector<16xi32>, vector<16xf32>, vector<16xi32>, vector<16xf32>, vector<16xi32>)  : i32 {
        %mul3A_1137 = arith.constant 16 : i32
        %mul3A_1138 = arith.muli %scan3A_1130, %mul3A_1137 : i32
        %get3A_1139 = arith.index_cast %mul3A_1138 : i32 to index
        %get3A_1140 = tpu.vector_load %arg15[%get3A_1139] {strides = array<i32>} : memref<208xf32, #tpu.memory_space<vmem>>, vector<16xf32>,
        %mul3A_1141 = arith.mulf %get3A_1140, %get3A_1140 : vector<16xf32>
        %mul3A_1142 = arith.constant 16 : i32
        %mul3A_1143 = arith.muli %scan3A_1130, %mul3A_1142 : i32
        %add3A_1144 = vector.broadcast %mul3A_1143 : i32 to vector<16xi32>
        %add3A_1145 = arith.addi %add3A_1144, %iota3A : vector<16xi32>
        %le3A = arith.constant 200 : i32
        %le3A_1146 = vector.broadcast %le3A : i32 to vector<16xi32>
        %le3A_1147 = arith.cmpi sle, %add3A_1145, %le3A_1146 : vector<16xi32>
        %mul3A_1148 = vector.broadcast %sub3A_384 : f32 to vector<16xf32>
        %mul3A_1149 = arith.mulf %mul3A_1148, %mul3A_1141 : vector<16xf32>
        %mul3A_1150 = vector.broadcast %mul3A_387 : f32 to vector<16xf32>
        %mul3A_1151 = arith.mulf %mul3A_1150, %get3A_1140 : vector<16xf32>
        %add3A_1152 = arith.addf %mul3A_1149, %mul3A_1151 : vector<16xf32>
        %add3A_1153 = vector.broadcast %reduce_max3A_370 : f32 to vector<16xf32>
        %add3A_1154 = arith.addf %add3A_1152, %add3A_1153 : vector<16xf32>
        %jit3A_1155 = arith.constant 0xFF800000 : f32
        %broadcast_in_dim3A_1156 = vector.broadcast %jit3A_1155 : f32 to vector<16xf32>
        %select_n3A_1157 = arith.select %le3A_1147, %add3A_1154, %broadcast_in_dim3A_1156 : vector<16xi1>, vector<16xf32>
        %gt3A_1158 = arith.cmpf ogt, %select_n3A_1157, %scan3A_1131 : vector<16xf32>
        %select_n3A_1159 = arith.select %gt3A_1158, %select_n3A_1157, %scan3A_1131 : vector<16xi1>, vector<16xf32>
        %select_n3A_1160 = arith.select %gt3A_1158, %add3A_1145, %scan3A_1132 : vector<16xi1>, vector<16xi32>
        %mul3A_1161 = vector.broadcast %sub3A_476 : f32 to vector<16xf32>
        %mul3A_1162 = arith.mulf %mul3A_1161, %mul3A_1141 : vector<16xf32>
        %mul3A_1163 = vector.broadcast %mul3A_479 : f32 to vector<16xf32>
        %mul3A_1164 = arith.mulf %mul3A_1163, %get3A_1140 : vector<16xf32>
        %add3A_1165 = arith.addf %mul3A_1162, %mul3A_1164 : vector<16xf32>
        %add3A_1166 = vector.broadcast %reduce_max3A_462 : f32 to vector<16xf32>
        %add3A_1167 = arith.addf %add3A_1165, %add3A_1166 : vector<16xf32>
        %jit3A_1168 = arith.constant 0xFF800000 : f32
        %broadcast_in_dim3A_1169 = vector.broadcast %jit3A_1168 : f32 to vector<16xf32>
        %select_n3A_1170 = arith.select %le3A_1147, %add3A_1167, %broadcast_in_dim3A_1169 : vector<16xi1>, vector<16xf32>
        %gt3A_1171 = arith.cmpf ogt, %select_n3A_1170, %scan3A_1133 : vector<16xf32>
        %select_n3A_1172 = arith.select %gt3A_1171, %select_n3A_1170, %scan3A_1133 : vector<16xi1>, vector<16xf32>
        %select_n3A_1173 = arith.select %gt3A_1171, %add3A_1145, %scan3A_1134 : vector<16xi1>, vector<16xi32>
        %mul3A_1174 = vector.broadcast %sub3A_568 : f32 to vector<16xf32>
        %mul3A_1175 = arith.mulf %mul3A_1174, %mul3A_1141 : vector<16xf32>
        %mul3A_1176 = vector.broadcast %mul3A_571 : f32 to vector<16xf32>
        %mul3A_1177 = arith.mulf %mul3A_1176, %get3A_1140 : vector<16xf32>
        %add3A_1178 = arith.addf %mul3A_1175, %mul3A_1177 : vector<16xf32>
        %add3A_1179 = vector.broadcast %reduce_max3A_554 : f32 to vector<16xf32>
        %add3A_1180 = arith.addf %add3A_1178, %add3A_1179 : vector<16xf32>
        %jit3A_1181 = arith.constant 0xFF800000 : f32
        %broadcast_in_dim3A_1182 = vector.broadcast %jit3A_1181 : f32 to vector<16xf32>
        %select_n3A_1183 = arith.select %le3A_1147, %add3A_1180, %broadcast_in_dim3A_1182 : vector<16xi1>, vector<16xf32>
        %gt3A_1184 = arith.cmpf ogt, %select_n3A_1183, %scan3A_1135 : vector<16xf32>
        %select_n3A_1185 = arith.select %gt3A_1184, %select_n3A_1183, %scan3A_1135 : vector<16xi1>, vector<16xf32>
        %select_n3A_1186 = arith.select %gt3A_1184, %add3A_1145, %scan3A_1136 : vector<16xi1>, vector<16xi32>
        scf.yield %select_n3A_1159, %select_n3A_1160, %select_n3A_1172, %select_n3A_1173, %select_n3A_1185, %select_n3A_1186 : vector<16xf32>, vector<16xi32>, vector<16xf32>, vector<16xi32>, vector<16xf32>, vector<16xi32>
      }
      %scan3A_579 = arith.constant 13 : i32
      %reduce_max3A_580 = arith.constant true
      %reduce_max3A_581 = vector.broadcast %reduce_max3A_580 : i1 to vector<16xi1>
      %reduce_max3A_582 = tpu.scan <max>, %scan3A_578#0 masked %reduce_max3A_581 : vector<16xf32>, vector<16xi1> -> vector<16xf32>
      %reduce_max3A_583 = vector.extract %reduce_max3A_582[15] : f32 from vector<16xf32>
      %eq3A_584 = vector.broadcast %reduce_max3A_583 : f32 to vector<16xf32>
      %eq3A_585 = arith.cmpf oeq, %scan3A_578#0, %eq3A_584 : vector<16xf32>
      %jit3A_586 = arith.constant 201 : i32
      %broadcast_in_dim3A_587 = vector.broadcast %jit3A_586 : i32 to vector<16xi32>
      %select_n3A_588 = arith.select %eq3A_585, %scan3A_578#1, %broadcast_in_dim3A_587 : vector<16xi1>, vector<16xi32>
      %reduce_min3A_589 = arith.constant true
      %reduce_min3A_590 = vector.broadcast %reduce_min3A_589 : i1 to vector<16xi1>
      %reduce_min3A_591 = arith.constant -2147483648 : i32
      %reduce_min3A_592 = vector.broadcast %reduce_min3A_591 : i32 to vector<16xi32>
      %reduce_min3A_593 = arith.xori %select_n3A_588, %reduce_min3A_592 : vector<16xi32>
      %reduce_min3A_594 = tpu.scan <min>, %reduce_min3A_593 masked %reduce_min3A_590 : vector<16xi32>, vector<16xi1> -> vector<16xi32>
      %reduce_min3A_595 = arith.xori %reduce_min3A_594, %reduce_min3A_592 : vector<16xi32>
      %reduce_min3A_596 = vector.extract %reduce_min3A_595[15] : i32 from vector<16xi32>
      %broadcast_in_dim3A_597 = vector.broadcast %reduce_min3A_596 : i32 to vector<16xi32>
      %gather3A_598 = tpu.vector_load_idx %arg15[%broadcast_in_dim3A_597] : memref<208xf32, #tpu.memory_space<vmem>>[vector<16xi32>], vector<16xf32>,
      %reduce_max3A_599 = arith.constant true
      %reduce_max3A_600 = vector.broadcast %reduce_max3A_599 : i1 to vector<16xi1>
      %reduce_max3A_601 = tpu.scan <max>, %gather3A_598 masked %reduce_max3A_600 : vector<16xf32>, vector<16xi1> -> vector<16xf32>
      %reduce_max3A_602 = vector.extract %reduce_max3A_601[15] : f32 from vector<16xf32>
      %sub3A_603 = arith.subf %reduce_max3A_304, %max3A : f32
      %mul3A_604 = arith.constant 3.000000e+00 : f32
      %mul3A_605 = arith.mulf %mul3A_604, %sub3A_603 : f32
      %add3A_606 = arith.constant 1.000000e-01 : f32
      %add3A_607 = arith.addf %add3A_606, %mul3A_605 : f32
      %mul3A_608 = arith.mulf %reduce_max3A_304, %reduce_max3A_304 : f32
      %mul3A_609 = arith.mulf %add3A_607, %mul3A_608 : f32
      %convert_element_type3A = arith.sitofp %reduce_min3A_316 : i32 to f32
      %add3A_610 = arith.addf %convert_element_type3A, %reduce_max3A_602 : f32
      %reduce_max3A_611 = arith.constant true
      %reduce_max3A_612 = vector.broadcast %reduce_max3A_611 : i1 to vector<16xi1>
      %reduce_max3A_613 = tpu.scan <max>, %scan3A_578#2 masked %reduce_max3A_612 : vector<16xf32>, vector<16xi1> -> vector<16xf32>
      %reduce_max3A_614 = vector.extract %reduce_max3A_613[15] : f32 from vector<16xf32>
      %eq3A_615 = vector.broadcast %reduce_max3A_614 : f32 to vector<16xf32>
      %eq3A_616 = arith.cmpf oeq, %scan3A_578#2, %eq3A_615 : vector<16xf32>
      %jit3A_617 = arith.constant 201 : i32
      %broadcast_in_dim3A_618 = vector.broadcast %jit3A_617 : i32 to vector<16xi32>
      %select_n3A_619 = arith.select %eq3A_616, %scan3A_578#3, %broadcast_in_dim3A_618 : vector<16xi1>, vector<16xi32>
      %reduce_min3A_620 = arith.constant true
      %reduce_min3A_621 = vector.broadcast %reduce_min3A_620 : i1 to vector<16xi1>
      %reduce_min3A_622 = arith.constant -2147483648 : i32
      %reduce_min3A_623 = vector.broadcast %reduce_min3A_622 : i32 to vector<16xi32>
      %reduce_min3A_624 = arith.xori %select_n3A_619, %reduce_min3A_623 : vector<16xi32>
      %reduce_min3A_625 = tpu.scan <min>, %reduce_min3A_624 masked %reduce_min3A_621 : vector<16xi32>, vector<16xi1> -> vector<16xi32>
      %reduce_min3A_626 = arith.xori %reduce_min3A_625, %reduce_min3A_623 : vector<16xi32>
      %reduce_min3A_627 = vector.extract %reduce_min3A_626[15] : i32 from vector<16xi32>
      %broadcast_in_dim3A_628 = vector.broadcast %reduce_min3A_627 : i32 to vector<16xi32>
      %gather3A_629 = tpu.vector_load_idx %arg15[%broadcast_in_dim3A_628] : memref<208xf32, #tpu.memory_space<vmem>>[vector<16xi32>], vector<16xf32>,
      %reduce_max3A_630 = arith.constant true
      %reduce_max3A_631 = vector.broadcast %reduce_max3A_630 : i1 to vector<16xi1>
      %reduce_max3A_632 = tpu.scan <max>, %gather3A_629 masked %reduce_max3A_631 : vector<16xf32>, vector<16xi1> -> vector<16xf32>
      %reduce_max3A_633 = vector.extract %reduce_max3A_632[15] : f32 from vector<16xf32>
      %sub3A_634 = arith.subf %reduce_max3A_391, %max3A_418 : f32
      %mul3A_635 = arith.constant 3.000000e+00 : f32
      %mul3A_636 = arith.mulf %mul3A_635, %sub3A_634 : f32
      %add3A_637 = arith.constant 1.000000e-01 : f32
      %add3A_638 = arith.addf %add3A_637, %mul3A_636 : f32
      %mul3A_639 = arith.mulf %reduce_max3A_391, %reduce_max3A_391 : f32
      %mul3A_640 = arith.mulf %add3A_638, %mul3A_639 : f32
      %convert_element_type3A_641 = arith.sitofp %reduce_min3A_404 : i32 to f32
      %add3A_642 = arith.addf %convert_element_type3A_641, %reduce_max3A_633 : f32
      %reduce_max3A_643 = arith.constant true
      %reduce_max3A_644 = vector.broadcast %reduce_max3A_643 : i1 to vector<16xi1>
      %reduce_max3A_645 = tpu.scan <max>, %scan3A_578#4 masked %reduce_max3A_644 : vector<16xf32>, vector<16xi1> -> vector<16xf32>
      %reduce_max3A_646 = vector.extract %reduce_max3A_645[15] : f32 from vector<16xf32>
      %eq3A_647 = vector.broadcast %reduce_max3A_646 : f32 to vector<16xf32>
      %eq3A_648 = arith.cmpf oeq, %scan3A_578#4, %eq3A_647 : vector<16xf32>
      %jit3A_649 = arith.constant 201 : i32
      %broadcast_in_dim3A_650 = vector.broadcast %jit3A_649 : i32 to vector<16xi32>
      %select_n3A_651 = arith.select %eq3A_648, %scan3A_578#5, %broadcast_in_dim3A_650 : vector<16xi1>, vector<16xi32>
      %reduce_min3A_652 = arith.constant true
      %reduce_min3A_653 = vector.broadcast %reduce_min3A_652 : i1 to vector<16xi1>
      %reduce_min3A_654 = arith.constant -2147483648 : i32
      %reduce_min3A_655 = vector.broadcast %reduce_min3A_654 : i32 to vector<16xi32>
      %reduce_min3A_656 = arith.xori %select_n3A_651, %reduce_min3A_655 : vector<16xi32>
      %reduce_min3A_657 = tpu.scan <min>, %reduce_min3A_656 masked %reduce_min3A_653 : vector<16xi32>, vector<16xi1> -> vector<16xi32>
      %reduce_min3A_658 = arith.xori %reduce_min3A_657, %reduce_min3A_655 : vector<16xi32>
      %reduce_min3A_659 = vector.extract %reduce_min3A_658[15] : i32 from vector<16xi32>
      %broadcast_in_dim3A_660 = vector.broadcast %reduce_min3A_659 : i32 to vector<16xi32>
      %gather3A_661 = tpu.vector_load_idx %arg15[%broadcast_in_dim3A_660] : memref<208xf32, #tpu.memory_space<vmem>>[vector<16xi32>], vector<16xf32>,
      %reduce_max3A_662 = arith.constant true
      %reduce_max3A_663 = vector.broadcast %reduce_max3A_662 : i1 to vector<16xi1>
      %reduce_max3A_664 = tpu.scan <max>, %gather3A_661 masked %reduce_max3A_663 : vector<16xf32>, vector<16xi1> -> vector<16xf32>
      %reduce_max3A_665 = vector.extract %reduce_max3A_664[15] : f32 from vector<16xf32>
      %sub3A_666 = arith.subf %reduce_max3A_483, %max3A_510 : f32
      %mul3A_667 = arith.constant 3.000000e+00 : f32
      %mul3A_668 = arith.mulf %mul3A_667, %sub3A_666 : f32
      %add3A_669 = arith.constant 1.000000e-01 : f32
      %add3A_670 = arith.addf %add3A_669, %mul3A_668 : f32
      %mul3A_671 = arith.mulf %reduce_max3A_483, %reduce_max3A_483 : f32
      %mul3A_672 = arith.mulf %add3A_670, %mul3A_671 : f32
      %convert_element_type3A_673 = arith.sitofp %reduce_min3A_496 : i32 to f32
      %add3A_674 = arith.addf %convert_element_type3A_673, %reduce_max3A_665 : f32
      %gt3A = arith.cmpf ogt, %mul3A_640, %mul3A_609 : f32
      %select_n3A_675 = arith.select %gt3A, %reduce_max3A_614, %reduce_max3A_583 : f32
      %select_n3A_676 = arith.select %gt3A, %mul3A_640, %mul3A_609 : f32
      %select_n3A_677 = arith.select %gt3A, %add3A_642, %add3A_610 : f32
      %gt3A_678 = arith.cmpf ogt, %mul3A_672, %select_n3A_676 : f32
      %select_n3A_679 = arith.select %gt3A_678, %reduce_max3A_646, %select_n3A_675 : f32
      %select_n3A_680 = arith.select %gt3A_678, %mul3A_672, %select_n3A_676 : f32
      %select_n3A_681 = arith.select %gt3A_678, %add3A_674, %select_n3A_677 : f32
      %sub3A_682 = arith.subf %select_n3A_681, %reduce_max3A_4 : f32
      %mul3A_683 = arith.constant 0.00999999977 : f32
      %mul3A_684 = arith.mulf %sub3A_682, %mul3A_683 : f32
      %broadcast_in_dim3A_685 = vector.broadcast %mul3A_295 : i32 to vector<16xi32>
      %eq3A_686 = arith.constant 0 : i32
      %eq3A_687 = vector.broadcast %eq3A_686 : i32 to vector<16xi32>
      %eq3A_688 = arith.cmpi eq, %iota3A, %eq3A_687 : vector<16xi32>
      %broadcast_in_dim3A_689 = vector.broadcast %select_n3A_679 : f32 to vector<16xf32>
      tpu.vector_store_idx %arg17[%broadcast_in_dim3A_685], %broadcast_in_dim3A_689 masked %eq3A_688 : memref<32xf32, #tpu.memory_space<vmem>>[vector<16xi32>], vector<16xf32>, vector<16xi1>
      %broadcast_in_dim3A_690 = vector.broadcast %select_n3A_680 : f32 to vector<16xf32>
      tpu.vector_store_idx %arg18[%broadcast_in_dim3A_685], %broadcast_in_dim3A_690 masked %eq3A_688 : memref<32xf32, #tpu.memory_space<vmem>>[vector<16xi32>], vector<16xf32>, vector<16xi1>
      %broadcast_in_dim3A_691 = vector.broadcast %mul3A_684 : f32 to vector<16xf32>
      tpu.vector_store_idx %arg19[%broadcast_in_dim3A_685], %broadcast_in_dim3A_691 masked %eq3A_688 : memref<32xf32, #tpu.memory_space<vmem>>[vector<16xi32>], vector<16xf32>, vector<16xi1>
      %broadcast_in_dim3A_692 = vector.broadcast %sub3A_682 : f32 to vector<16xf32>
      tpu.vector_store_idx %arg20[%broadcast_in_dim3A_685], %broadcast_in_dim3A_692 masked %eq3A_688 : memref<32xf32, #tpu.memory_space<vmem>>[vector<16xi32>], vector<16xf32>, vector<16xi1>
      %dma_wait3A_693 = arith.constant 8 : i32
      %dma_wait3A_694 = tpu.memref_slice %arg12[%dma_wait3A_693] : memref<4112xf32, #tpu.memory_space<vmem>> -> memref<4096xf32, #tpu.memory_space<vmem>>
      %dma_wait3A_695 = arith.constant 0 : i32
      %dma_wait3A_696 = tpu.memref_slice %arg2[%dma_wait3A_695] : memref<12582912xf32, #tpu.memory_space<hbm>> -> memref<4096xf32, #tpu.memory_space<hbm>>
      %dma_wait3A_697 = arith.constant 8 : i32
      %dma_wait3A_698 = tpu.memref_slice %arg12[%dma_wait3A_697] : memref<4112xf32, #tpu.memory_space<vmem>> -> memref<4096xf32, #tpu.memory_space<vmem>>
      %dma_wait3A_699 = arith.constant 0 : i32
      %dma_wait3A_700 = tpu.memref_slice %arg2[%dma_wait3A_699] : memref<12582912xf32, #tpu.memory_space<hbm>> -> memref<4096xf32, #tpu.memory_space<hbm>>
      tpu.wait_dma2 semaphore(%arg22 : memref<!tpu.dma_semaphore, #tpu.memory_space<semaphore_mem>>) src(%dma_wait3A_700 : memref<4096xf32, #tpu.memory_space<hbm>>) dst(%dma_wait3A_698 : memref<4096xf32, #tpu.memory_space<vmem>>)
      %dma_wait3A_701 = arith.constant 8 : i32
      %dma_wait3A_702 = tpu.memref_slice %arg13[%dma_wait3A_701] : memref<4112xf32, #tpu.memory_space<vmem>> -> memref<4096xf32, #tpu.memory_space<vmem>>
      %dma_wait3A_703 = arith.constant 0 : i32
      %dma_wait3A_704 = tpu.memref_slice %arg2[%dma_wait3A_703] : memref<12582912xf32, #tpu.memory_space<hbm>> -> memref<4096xf32, #tpu.memory_space<hbm>>
      %dma_wait3A_705 = arith.constant 8 : i32
      %dma_wait3A_706 = tpu.memref_slice %arg13[%dma_wait3A_705] : memref<4112xf32, #tpu.memory_space<vmem>> -> memref<4096xf32, #tpu.memory_space<vmem>>
      %dma_wait3A_707 = arith.constant 0 : i32
      %dma_wait3A_708 = tpu.memref_slice %arg2[%dma_wait3A_707] : memref<12582912xf32, #tpu.memory_space<hbm>> -> memref<4096xf32, #tpu.memory_space<hbm>>
      tpu.wait_dma2 semaphore(%arg22 : memref<!tpu.dma_semaphore, #tpu.memory_space<semaphore_mem>>) src(%dma_wait3A_708 : memref<4096xf32, #tpu.memory_space<hbm>>) dst(%dma_wait3A_706 : memref<4096xf32, #tpu.memory_space<vmem>>)
      %dma_wait3A_709 = arith.constant 8 : i32
      %dma_wait3A_710 = tpu.memref_slice %arg14[%dma_wait3A_709] : memref<4112xf32, #tpu.memory_space<vmem>> -> memref<4096xf32, #tpu.memory_space<vmem>>
      %dma_wait3A_711 = arith.constant 0 : i32
      %dma_wait3A_712 = tpu.memref_slice %arg2[%dma_wait3A_711] : memref<12582912xf32, #tpu.memory_space<hbm>> -> memref<4096xf32, #tpu.memory_space<hbm>>
      %dma_wait3A_713 = arith.constant 8 : i32
      %dma_wait3A_714 = tpu.memref_slice %arg14[%dma_wait3A_713] : memref<4112xf32, #tpu.memory_space<vmem>> -> memref<4096xf32, #tpu.memory_space<vmem>>
      %dma_wait3A_715 = arith.constant 0 : i32
      %dma_wait3A_716 = tpu.memref_slice %arg2[%dma_wait3A_715] : memref<12582912xf32, #tpu.memory_space<hbm>> -> memref<4096xf32, #tpu.memory_space<hbm>>
      tpu.wait_dma2 semaphore(%arg22 : memref<!tpu.dma_semaphore, #tpu.memory_space<semaphore_mem>>) src(%dma_wait3A_716 : memref<4096xf32, #tpu.memory_space<hbm>>) dst(%dma_wait3A_714 : memref<4096xf32, #tpu.memory_space<vmem>>)
      %lt3A_717 = arith.constant 15 : i32
      %lt3A_718 = arith.cmpi slt, %scan3A_145, %lt3A_717 : i32
      %convert_element_type3A_719 = arith.extui %lt3A_718 : i1 to i32
      %cond3A = arith.constant 0 : i32
      %cond3A_720 = arith.cmpi ne, %convert_element_type3A_719, %cond3A : i32
      scf.if %cond3A_720 {
        %add3A_1130 = arith.constant 2 : i32
        %add3A_1131 = arith.addi %add3A_148, %add3A_1130 : i32
        %jit3A_1132 = arith.constant 64 : i32
        %div3A_1133 = arith.divsi %add3A_1131, %jit3A_1132 : i32
        %sign3A_1134 = arith.constant 0 : i32
        %sign3A_1135 = arith.cmpi sgt, %add3A_1131, %sign3A_1134 : i32
        %sign3A_1136 = arith.extui %sign3A_1135 : i1 to i32
        %sign3A_1137 = arith.constant 0 : i32
        %sign3A_1138 = arith.cmpi slt, %add3A_1131, %sign3A_1137 : i32
        %sign3A_1139 = arith.extui %sign3A_1138 : i1 to i32
        %sign3A_1140 = arith.subi %sign3A_1136, %sign3A_1139 : i32
        %sign3A_1141 = arith.constant 0 : i32
        %sign3A_1142 = arith.cmpi sgt, %jit3A_1132, %sign3A_1141 : i32
        %sign3A_1143 = arith.extui %sign3A_1142 : i1 to i32
        %sign3A_1144 = arith.constant 0 : i32
        %sign3A_1145 = arith.cmpi slt, %jit3A_1132, %sign3A_1144 : i32
        %sign3A_1146 = arith.extui %sign3A_1145 : i1 to i32
        %sign3A_1147 = arith.subi %sign3A_1143, %sign3A_1146 : i32
        %ne3A_1148 = arith.cmpi ne, %sign3A_1140, %sign3A_1147 : i32
        %rem3A_1149 = arith.remsi %add3A_1131, %jit3A_1132 : i32
        %ne3A_1150 = arith.constant 0 : i32
        %ne3A_1151 = arith.cmpi ne, %rem3A_1149, %ne3A_1150 : i32
        %and3A_1152 = arith.andi %ne3A_1148, %ne3A_1151 : i1
        %sub3A_1153 = arith.constant 1 : i32
        %sub3A_1154 = arith.subi %div3A_1133, %sub3A_1153 : i32
        %select_n3A_1155 = arith.select %and3A_1152, %sub3A_1154, %div3A_1133 : i32
        %mul3A_1156 = arith.constant 64 : i32
        %mul3A_1157 = arith.muli %select_n3A_1155, %mul3A_1156 : i32
        %sub3A_1158 = arith.subi %add3A_1131, %mul3A_1157 : i32
        %mul3A_1159 = arith.constant 192 : i32
        %mul3A_1160 = arith.muli %select_n3A_1155, %mul3A_1159 : i32
        %add3A_1161 = arith.constant 0 : i32
        %add3A_1162 = arith.addi %mul3A_1160, %add3A_1161 : i32
        %add3A_1163 = arith.addi %add3A_1162, %sub3A_1158 : i32
        %mul3A_1164 = arith.constant 4096 : i32
        %mul3A_1165 = arith.muli %add3A_1163, %mul3A_1164 : i32
        %dma_start3A_1166 = arith.constant 8 : i32
        %dma_start3A_1167 = tpu.memref_slice %arg9[%dma_start3A_1166] : memref<4112xf32, #tpu.memory_space<vmem>> -> memref<4096xf32, #tpu.memory_space<vmem>>
        %dma_start3A_1168 = tpu.memref_slice %arg2[%mul3A_1165] : memref<12582912xf32, #tpu.memory_space<hbm>> -> memref<4096xf32, #tpu.memory_space<hbm>>
        %dma_start3A_1169 = arith.constant 8 : i32
        %dma_start3A_1170 = tpu.memref_slice %arg9[%dma_start3A_1169] : memref<4112xf32, #tpu.memory_space<vmem>> -> memref<4096xf32, #tpu.memory_space<vmem>>
        %dma_start3A_1171 = tpu.memref_slice %arg2[%mul3A_1165] : memref<12582912xf32, #tpu.memory_space<hbm>> -> memref<4096xf32, #tpu.memory_space<hbm>>
        tpu.enqueue_dma source(%dma_start3A_1171 : memref<4096xf32, #tpu.memory_space<hbm>>) target(%dma_start3A_1170 : memref<4096xf32, #tpu.memory_space<vmem>>) target_semaphore(%arg21 : memref<!tpu.dma_semaphore, #tpu.memory_space<semaphore_mem>>)
        %jit3A_1172 = arith.constant 64 : i32
        %div3A_1173 = arith.divsi %add3A_1131, %jit3A_1172 : i32
        %sign3A_1174 = arith.constant 0 : i32
        %sign3A_1175 = arith.cmpi sgt, %add3A_1131, %sign3A_1174 : i32
        %sign3A_1176 = arith.extui %sign3A_1175 : i1 to i32
        %sign3A_1177 = arith.constant 0 : i32
        %sign3A_1178 = arith.cmpi slt, %add3A_1131, %sign3A_1177 : i32
        %sign3A_1179 = arith.extui %sign3A_1178 : i1 to i32
        %sign3A_1180 = arith.subi %sign3A_1176, %sign3A_1179 : i32
        %sign3A_1181 = arith.constant 0 : i32
        %sign3A_1182 = arith.cmpi sgt, %jit3A_1172, %sign3A_1181 : i32
        %sign3A_1183 = arith.extui %sign3A_1182 : i1 to i32
        %sign3A_1184 = arith.constant 0 : i32
        %sign3A_1185 = arith.cmpi slt, %jit3A_1172, %sign3A_1184 : i32
        %sign3A_1186 = arith.extui %sign3A_1185 : i1 to i32
        %sign3A_1187 = arith.subi %sign3A_1183, %sign3A_1186 : i32
        %ne3A_1188 = arith.cmpi ne, %sign3A_1180, %sign3A_1187 : i32
        %rem3A_1189 = arith.remsi %add3A_1131, %jit3A_1172 : i32
        %ne3A_1190 = arith.constant 0 : i32
        %ne3A_1191 = arith.cmpi ne, %rem3A_1189, %ne3A_1190 : i32
        %and3A_1192 = arith.andi %ne3A_1188, %ne3A_1191 : i1
        %sub3A_1193 = arith.constant 1 : i32
        %sub3A_1194 = arith.subi %div3A_1173, %sub3A_1193 : i32
        %select_n3A_1195 = arith.select %and3A_1192, %sub3A_1194, %div3A_1173 : i32
        %mul3A_1196 = arith.constant 64 : i32
        %mul3A_1197 = arith.muli %select_n3A_1195, %mul3A_1196 : i32
        %sub3A_1198 = arith.subi %add3A_1131, %mul3A_1197 : i32
        %mul3A_1199 = arith.constant 192 : i32
        %mul3A_1200 = arith.muli %select_n3A_1195, %mul3A_1199 : i32
        %add3A_1201 = arith.constant 64 : i32
        %add3A_1202 = arith.addi %mul3A_1200, %add3A_1201 : i32
        %add3A_1203 = arith.addi %add3A_1202, %sub3A_1198 : i32
        %mul3A_1204 = arith.constant 4096 : i32
        %mul3A_1205 = arith.muli %add3A_1203, %mul3A_1204 : i32
        %dma_start3A_1206 = arith.constant 8 : i32
        %dma_start3A_1207 = tpu.memref_slice %arg10[%dma_start3A_1206] : memref<4112xf32, #tpu.memory_space<vmem>> -> memref<4096xf32, #tpu.memory_space<vmem>>
        %dma_start3A_1208 = tpu.memref_slice %arg2[%mul3A_1205] : memref<12582912xf32, #tpu.memory_space<hbm>> -> memref<4096xf32, #tpu.memory_space<hbm>>
        %dma_start3A_1209 = arith.constant 8 : i32
        %dma_start3A_1210 = tpu.memref_slice %arg10[%dma_start3A_1209] : memref<4112xf32, #tpu.memory_space<vmem>> -> memref<4096xf32, #tpu.memory_space<vmem>>
        %dma_start3A_1211 = tpu.memref_slice %arg2[%mul3A_1205] : memref<12582912xf32, #tpu.memory_space<hbm>> -> memref<4096xf32, #tpu.memory_space<hbm>>
        tpu.enqueue_dma source(%dma_start3A_1211 : memref<4096xf32, #tpu.memory_space<hbm>>) target(%dma_start3A_1210 : memref<4096xf32, #tpu.memory_space<vmem>>) target_semaphore(%arg21 : memref<!tpu.dma_semaphore, #tpu.memory_space<semaphore_mem>>)
        %jit3A_1212 = arith.constant 64 : i32
        %div3A_1213 = arith.divsi %add3A_1131, %jit3A_1212 : i32
        %sign3A_1214 = arith.constant 0 : i32
        %sign3A_1215 = arith.cmpi sgt, %add3A_1131, %sign3A_1214 : i32
        %sign3A_1216 = arith.extui %sign3A_1215 : i1 to i32
        %sign3A_1217 = arith.constant 0 : i32
        %sign3A_1218 = arith.cmpi slt, %add3A_1131, %sign3A_1217 : i32
        %sign3A_1219 = arith.extui %sign3A_1218 : i1 to i32
        %sign3A_1220 = arith.subi %sign3A_1216, %sign3A_1219 : i32
        %sign3A_1221 = arith.constant 0 : i32
        %sign3A_1222 = arith.cmpi sgt, %jit3A_1212, %sign3A_1221 : i32
        %sign3A_1223 = arith.extui %sign3A_1222 : i1 to i32
        %sign3A_1224 = arith.constant 0 : i32
        %sign3A_1225 = arith.cmpi slt, %jit3A_1212, %sign3A_1224 : i32
        %sign3A_1226 = arith.extui %sign3A_1225 : i1 to i32
        %sign3A_1227 = arith.subi %sign3A_1223, %sign3A_1226 : i32
        %ne3A_1228 = arith.cmpi ne, %sign3A_1220, %sign3A_1227 : i32
        %rem3A_1229 = arith.remsi %add3A_1131, %jit3A_1212 : i32
        %ne3A_1230 = arith.constant 0 : i32
        %ne3A_1231 = arith.cmpi ne, %rem3A_1229, %ne3A_1230 : i32
        %and3A_1232 = arith.andi %ne3A_1228, %ne3A_1231 : i1
        %sub3A_1233 = arith.constant 1 : i32
        %sub3A_1234 = arith.subi %div3A_1213, %sub3A_1233 : i32
        %select_n3A_1235 = arith.select %and3A_1232, %sub3A_1234, %div3A_1213 : i32
        %mul3A_1236 = arith.constant 64 : i32
        %mul3A_1237 = arith.muli %select_n3A_1235, %mul3A_1236 : i32
        %sub3A_1238 = arith.subi %add3A_1131, %mul3A_1237 : i32
        %mul3A_1239 = arith.constant 192 : i32
        %mul3A_1240 = arith.muli %select_n3A_1235, %mul3A_1239 : i32
        %add3A_1241 = arith.constant 128 : i32
        %add3A_1242 = arith.addi %mul3A_1240, %add3A_1241 : i32
        %add3A_1243 = arith.addi %add3A_1242, %sub3A_1238 : i32
        %mul3A_1244 = arith.constant 4096 : i32
        %mul3A_1245 = arith.muli %add3A_1243, %mul3A_1244 : i32
        %dma_start3A_1246 = arith.constant 8 : i32
        %dma_start3A_1247 = tpu.memref_slice %arg11[%dma_start3A_1246] : memref<4112xf32, #tpu.memory_space<vmem>> -> memref<4096xf32, #tpu.memory_space<vmem>>
        %dma_start3A_1248 = tpu.memref_slice %arg2[%mul3A_1245] : memref<12582912xf32, #tpu.memory_space<hbm>> -> memref<4096xf32, #tpu.memory_space<hbm>>
        %dma_start3A_1249 = arith.constant 8 : i32
        %dma_start3A_1250 = tpu.memref_slice %arg11[%dma_start3A_1249] : memref<4112xf32, #tpu.memory_space<vmem>> -> memref<4096xf32, #tpu.memory_space<vmem>>
        %dma_start3A_1251 = tpu.memref_slice %arg2[%mul3A_1245] : memref<12582912xf32, #tpu.memory_space<hbm>> -> memref<4096xf32, #tpu.memory_space<hbm>>
        tpu.enqueue_dma source(%dma_start3A_1251 : memref<4096xf32, #tpu.memory_space<hbm>>) target(%dma_start3A_1250 : memref<4096xf32, #tpu.memory_space<vmem>>) target_semaphore(%arg21 : memref<!tpu.dma_semaphore, #tpu.memory_space<semaphore_mem>>)
      } else {
      }
      %mul3A_721 = arith.constant 2 : i32
      %mul3A_722 = arith.muli %mul3A_721, %scan3A_145 : i32
      %add3A_723 = arith.constant 1 : i32
      %add3A_724 = arith.addi %mul3A_722, %add3A_723 : i32
      %broadcast_in_dim3A_725 = arith.constant 0.000000e+00 : f32
      %broadcast_in_dim3A_726 = vector.broadcast %broadcast_in_dim3A_725 : f32 to vector<16xf32>
      %parallel_loop3A_727 = arith.constant 0 : i32
      %parallel_loop3A_728 = arith.constant 256 : i32
      %parallel_loop3A_729 = arith.constant 1 : i32
      %parallel_loop3A_730:9 = scf.for %parallel_loop3A_1130 = %parallel_loop3A_727 to %parallel_loop3A_728 step %parallel_loop3A_729 iter_args(%parallel_loop3A_1131 = %broadcast_in_dim3A_726, %parallel_loop3A_1132 = %broadcast_in_dim3A_726, %parallel_loop3A_1133 = %iota3A, %parallel_loop3A_1134 = %broadcast_in_dim3A_726, %parallel_loop3A_1135 = %broadcast_in_dim3A_726, %parallel_loop3A_1136 = %iota3A, %parallel_loop3A_1137 = %broadcast_in_dim3A_726, %parallel_loop3A_1138 = %broadcast_in_dim3A_726, %parallel_loop3A_1139 = %iota3A) -> (vector<16xf32>, vector<16xf32>, vector<16xi32>, vector<16xf32>, vector<16xf32>, vector<16xi32>, vector<16xf32>, vector<16xf32>, vector<16xi32>)  : i32 {
        %parallel_loop3A_1140 = arith.constant 16 : i32
        %parallel_loop3A_1141 = arith.muli %parallel_loop3A_1130, %parallel_loop3A_1140 : i32
        %parallel_loop3A_1142 = arith.constant 8 : i32
        %parallel_loop3A_1143 = arith.addi %parallel_loop3A_1142, %parallel_loop3A_1141 : i32
        %parallel_loop3A_1144 = arith.constant 16 : i32
        %parallel_loop3A_1145 = arith.muli %parallel_loop3A_1130, %parallel_loop3A_1144 : i32
        %parallel_loop3A_1146 = vector.broadcast %parallel_loop3A_1145 : i32 to vector<16xi32>
        %parallel_loop3A_1147 = arith.addi %parallel_loop3A_1146, %iota3A : vector<16xi32>
        %parallel_loop3A_1148 = arith.constant 1 : i32
        %parallel_loop3A_1149 = arith.subi %parallel_loop3A_1143, %parallel_loop3A_1148 : i32
        %parallel_loop3A_1150 = arith.index_cast %parallel_loop3A_1149 : i32 to index
        %parallel_loop3A_1151 = tpu.vector_load %arg12[%parallel_loop3A_1150] {strides = array<i32>} : memref<4112xf32, #tpu.memory_space<vmem>>, vector<16xf32>,
        %parallel_loop3A_1152 = math.absf %parallel_loop3A_1151 : vector<16xf32>
        %parallel_loop3A_1153 = arith.index_cast %parallel_loop3A_1143 : i32 to index
        %parallel_loop3A_1154 = tpu.vector_load %arg12[%parallel_loop3A_1153] {strides = array<i32>} : memref<4112xf32, #tpu.memory_space<vmem>>, vector<16xf32>,
        %parallel_loop3A_1155 = math.absf %parallel_loop3A_1154 : vector<16xf32>
        %parallel_loop3A_1156 = arith.constant 1 : i32
        %parallel_loop3A_1157 = arith.addi %parallel_loop3A_1143, %parallel_loop3A_1156 : i32
        %parallel_loop3A_1158 = arith.index_cast %parallel_loop3A_1157 : i32 to index
        %parallel_loop3A_1159 = tpu.vector_load %arg12[%parallel_loop3A_1158] {strides = array<i32>} : memref<4112xf32, #tpu.memory_space<vmem>>, vector<16xf32>,
        %parallel_loop3A_1160 = math.absf %parallel_loop3A_1159 : vector<16xf32>
        %parallel_loop3A_1161 = arith.maximumf %parallel_loop3A_1152, %parallel_loop3A_1160 : vector<16xf32>
        %parallel_loop3A_1162 = arith.cmpf oge, %parallel_loop3A_1155, %parallel_loop3A_1161 : vector<16xf32>
        %parallel_loop3A_1163 = arith.constant 0.000000e+00 : f32
        %parallel_loop3A_1164 = vector.broadcast %parallel_loop3A_1163 : f32 to vector<16xf32>
        %parallel_loop3A_1165 = arith.select %parallel_loop3A_1162, %parallel_loop3A_1155, %parallel_loop3A_1164 : vector<16xi1>, vector<16xf32>
        %parallel_loop3A_1166 = arith.cmpf ogt, %parallel_loop3A_1165, %parallel_loop3A_1131 : vector<16xf32>
        %parallel_loop3A_1167 = arith.minimumf %parallel_loop3A_1165, %parallel_loop3A_1131 : vector<16xf32>
        %parallel_loop3A_1168 = arith.maximumf %parallel_loop3A_1132, %parallel_loop3A_1167 : vector<16xf32>
        %parallel_loop3A_1169 = arith.maximumf %parallel_loop3A_1131, %parallel_loop3A_1165 : vector<16xf32>
        %parallel_loop3A_1170 = arith.select %parallel_loop3A_1166, %parallel_loop3A_1147, %parallel_loop3A_1133 : vector<16xi1>, vector<16xi32>
        %parallel_loop3A_1171 = arith.constant 1 : i32
        %parallel_loop3A_1172 = arith.subi %parallel_loop3A_1143, %parallel_loop3A_1171 : i32
        %parallel_loop3A_1173 = arith.index_cast %parallel_loop3A_1172 : i32 to index
        %parallel_loop3A_1174 = tpu.vector_load %arg13[%parallel_loop3A_1173] {strides = array<i32>} : memref<4112xf32, #tpu.memory_space<vmem>>, vector<16xf32>,
        %parallel_loop3A_1175 = math.absf %parallel_loop3A_1174 : vector<16xf32>
        %parallel_loop3A_1176 = arith.index_cast %parallel_loop3A_1143 : i32 to index
        %parallel_loop3A_1177 = tpu.vector_load %arg13[%parallel_loop3A_1176] {strides = array<i32>} : memref<4112xf32, #tpu.memory_space<vmem>>, vector<16xf32>,
        %parallel_loop3A_1178 = math.absf %parallel_loop3A_1177 : vector<16xf32>
        %parallel_loop3A_1179 = arith.constant 1 : i32
        %parallel_loop3A_1180 = arith.addi %parallel_loop3A_1143, %parallel_loop3A_1179 : i32
        %parallel_loop3A_1181 = arith.index_cast %parallel_loop3A_1180 : i32 to index
        %parallel_loop3A_1182 = tpu.vector_load %arg13[%parallel_loop3A_1181] {strides = array<i32>} : memref<4112xf32, #tpu.memory_space<vmem>>, vector<16xf32>,
        %parallel_loop3A_1183 = math.absf %parallel_loop3A_1182 : vector<16xf32>
        %parallel_loop3A_1184 = arith.maximumf %parallel_loop3A_1175, %parallel_loop3A_1183 : vector<16xf32>
        %parallel_loop3A_1185 = arith.cmpf oge, %parallel_loop3A_1178, %parallel_loop3A_1184 : vector<16xf32>
        %parallel_loop3A_1186 = arith.constant 0.000000e+00 : f32
        %parallel_loop3A_1187 = vector.broadcast %parallel_loop3A_1186 : f32 to vector<16xf32>
        %parallel_loop3A_1188 = arith.select %parallel_loop3A_1185, %parallel_loop3A_1178, %parallel_loop3A_1187 : vector<16xi1>, vector<16xf32>
        %parallel_loop3A_1189 = arith.cmpf ogt, %parallel_loop3A_1188, %parallel_loop3A_1134 : vector<16xf32>
        %parallel_loop3A_1190 = arith.minimumf %parallel_loop3A_1188, %parallel_loop3A_1134 : vector<16xf32>
        %parallel_loop3A_1191 = arith.maximumf %parallel_loop3A_1135, %parallel_loop3A_1190 : vector<16xf32>
        %parallel_loop3A_1192 = arith.maximumf %parallel_loop3A_1134, %parallel_loop3A_1188 : vector<16xf32>
        %parallel_loop3A_1193 = arith.select %parallel_loop3A_1189, %parallel_loop3A_1147, %parallel_loop3A_1136 : vector<16xi1>, vector<16xi32>
        %parallel_loop3A_1194 = arith.constant 1 : i32
        %parallel_loop3A_1195 = arith.subi %parallel_loop3A_1143, %parallel_loop3A_1194 : i32
        %parallel_loop3A_1196 = arith.index_cast %parallel_loop3A_1195 : i32 to index
        %parallel_loop3A_1197 = tpu.vector_load %arg14[%parallel_loop3A_1196] {strides = array<i32>} : memref<4112xf32, #tpu.memory_space<vmem>>, vector<16xf32>,
        %parallel_loop3A_1198 = math.absf %parallel_loop3A_1197 : vector<16xf32>
        %parallel_loop3A_1199 = arith.index_cast %parallel_loop3A_1143 : i32 to index
        %parallel_loop3A_1200 = tpu.vector_load %arg14[%parallel_loop3A_1199] {strides = array<i32>} : memref<4112xf32, #tpu.memory_space<vmem>>, vector<16xf32>,
        %parallel_loop3A_1201 = math.absf %parallel_loop3A_1200 : vector<16xf32>
        %parallel_loop3A_1202 = arith.constant 1 : i32
        %parallel_loop3A_1203 = arith.addi %parallel_loop3A_1143, %parallel_loop3A_1202 : i32
        %parallel_loop3A_1204 = arith.index_cast %parallel_loop3A_1203 : i32 to index
        %parallel_loop3A_1205 = tpu.vector_load %arg14[%parallel_loop3A_1204] {strides = array<i32>} : memref<4112xf32, #tpu.memory_space<vmem>>, vector<16xf32>,
        %parallel_loop3A_1206 = math.absf %parallel_loop3A_1205 : vector<16xf32>
        %parallel_loop3A_1207 = arith.maximumf %parallel_loop3A_1198, %parallel_loop3A_1206 : vector<16xf32>
        %parallel_loop3A_1208 = arith.cmpf oge, %parallel_loop3A_1201, %parallel_loop3A_1207 : vector<16xf32>
        %parallel_loop3A_1209 = arith.constant 0.000000e+00 : f32
        %parallel_loop3A_1210 = vector.broadcast %parallel_loop3A_1209 : f32 to vector<16xf32>
        %parallel_loop3A_1211 = arith.select %parallel_loop3A_1208, %parallel_loop3A_1201, %parallel_loop3A_1210 : vector<16xi1>, vector<16xf32>
        %parallel_loop3A_1212 = arith.cmpf ogt, %parallel_loop3A_1211, %parallel_loop3A_1137 : vector<16xf32>
        %parallel_loop3A_1213 = arith.minimumf %parallel_loop3A_1211, %parallel_loop3A_1137 : vector<16xf32>
        %parallel_loop3A_1214 = arith.maximumf %parallel_loop3A_1138, %parallel_loop3A_1213 : vector<16xf32>
        %parallel_loop3A_1215 = arith.maximumf %parallel_loop3A_1137, %parallel_loop3A_1211 : vector<16xf32>
        %parallel_loop3A_1216 = arith.select %parallel_loop3A_1212, %parallel_loop3A_1147, %parallel_loop3A_1139 : vector<16xi1>, vector<16xi32>
        scf.yield %parallel_loop3A_1169, %parallel_loop3A_1168, %parallel_loop3A_1170, %parallel_loop3A_1192, %parallel_loop3A_1191, %parallel_loop3A_1193, %parallel_loop3A_1215, %parallel_loop3A_1214, %parallel_loop3A_1216 : vector<16xf32>, vector<16xf32>, vector<16xi32>, vector<16xf32>, vector<16xf32>, vector<16xi32>, vector<16xf32>, vector<16xf32>, vector<16xi32>
      } {sc.loop_unroll_factor = 8 : i64, sc.parallel_access}
      %reduce_max3A_731 = arith.constant true
      %reduce_max3A_732 = vector.broadcast %reduce_max3A_731 : i1 to vector<16xi1>
      %reduce_max3A_733 = tpu.scan <max>, %parallel_loop3A_730#0 masked %reduce_max3A_732 : vector<16xf32>, vector<16xi1> -> vector<16xf32>
      %reduce_max3A_734 = vector.extract %reduce_max3A_733[15] : f32 from vector<16xf32>
      %eq3A_735 = vector.broadcast %reduce_max3A_734 : f32 to vector<16xf32>
      %eq3A_736 = arith.cmpf oeq, %parallel_loop3A_730#0, %eq3A_735 : vector<16xf32>
      %jit3A_737 = arith.constant 4096 : i32
      %broadcast_in_dim3A_738 = vector.broadcast %jit3A_737 : i32 to vector<16xi32>
      %select_n3A_739 = arith.select %eq3A_736, %parallel_loop3A_730#2, %broadcast_in_dim3A_738 : vector<16xi1>, vector<16xi32>
      %reduce_min3A_740 = arith.constant true
      %reduce_min3A_741 = vector.broadcast %reduce_min3A_740 : i1 to vector<16xi1>
      %reduce_min3A_742 = arith.constant -2147483648 : i32
      %reduce_min3A_743 = vector.broadcast %reduce_min3A_742 : i32 to vector<16xi32>
      %reduce_min3A_744 = arith.xori %select_n3A_739, %reduce_min3A_743 : vector<16xi32>
      %reduce_min3A_745 = tpu.scan <min>, %reduce_min3A_744 masked %reduce_min3A_741 : vector<16xi32>, vector<16xi1> -> vector<16xi32>
      %reduce_min3A_746 = arith.xori %reduce_min3A_745, %reduce_min3A_743 : vector<16xi32>
      %reduce_min3A_747 = vector.extract %reduce_min3A_746[15] : i32 from vector<16xi32>
      %eq3A_748 = vector.broadcast %reduce_min3A_747 : i32 to vector<16xi32>
      %eq3A_749 = arith.cmpi eq, %parallel_loop3A_730#2, %eq3A_748 : vector<16xi32>
      %jit3A_750 = arith.constant -1.000000e+00 : f32
      %broadcast_in_dim3A_751 = vector.broadcast %jit3A_750 : f32 to vector<16xf32>
      %select_n3A_752 = arith.select %eq3A_749, %broadcast_in_dim3A_751, %parallel_loop3A_730#0 : vector<16xi1>, vector<16xf32>
      %reduce_max3A_753 = arith.constant true
      %reduce_max3A_754 = vector.broadcast %reduce_max3A_753 : i1 to vector<16xi1>
      %reduce_max3A_755 = tpu.scan <max>, %select_n3A_752 masked %reduce_max3A_754 : vector<16xf32>, vector<16xi1> -> vector<16xf32>
      %reduce_max3A_756 = vector.extract %reduce_max3A_755[15] : f32 from vector<16xf32>
      %reduce_max3A_757 = arith.constant true
      %reduce_max3A_758 = vector.broadcast %reduce_max3A_757 : i1 to vector<16xi1>
      %reduce_max3A_759 = tpu.scan <max>, %parallel_loop3A_730#1 masked %reduce_max3A_758 : vector<16xf32>, vector<16xi1> -> vector<16xf32>
      %reduce_max3A_760 = vector.extract %reduce_max3A_759[15] : f32 from vector<16xf32>
      %max3A_761 = arith.maximumf %reduce_max3A_756, %reduce_max3A_760 : f32
      %sub3A_762 = arith.constant 1 : i32
      %sub3A_763 = arith.subi %reduce_min3A_747, %sub3A_762 : i32
      %max3A_764 = arith.constant 0 : i32
      %max3A_765 = arith.maxsi %sub3A_763, %max3A_764 : i32
      %add3A_766 = arith.constant 1 : i32
      %add3A_767 = arith.addi %reduce_min3A_747, %add3A_766 : i32
      %min3A_768 = arith.constant 4095 : i32
      %min3A_769 = arith.minsi %add3A_767, %min3A_768 : i32
      %eq3A_770 = arith.constant 0 : i32
      %eq3A_771 = vector.broadcast %eq3A_770 : i32 to vector<16xi32>
      %eq3A_772 = arith.cmpi eq, %iota3A, %eq3A_771 : vector<16xi32>
      %eq3A_773 = arith.constant 1 : i32
      %eq3A_774 = vector.broadcast %eq3A_773 : i32 to vector<16xi32>
      %eq3A_775 = arith.cmpi eq, %iota3A, %eq3A_774 : vector<16xi32>
      %broadcast_in_dim3A_776 = vector.broadcast %reduce_min3A_747 : i32 to vector<16xi32>
      %broadcast_in_dim3A_777 = vector.broadcast %min3A_769 : i32 to vector<16xi32>
      %select_n3A_778 = arith.select %eq3A_775, %broadcast_in_dim3A_776, %broadcast_in_dim3A_777 : vector<16xi1>, vector<16xi32>
      %broadcast_in_dim3A_779 = vector.broadcast %max3A_765 : i32 to vector<16xi32>
      %select_n3A_780 = arith.select %eq3A_772, %broadcast_in_dim3A_779, %select_n3A_778 : vector<16xi1>, vector<16xi32>
      %add3A_781 = arith.constant 8 : i32
      %add3A_782 = vector.broadcast %add3A_781 : i32 to vector<16xi32>
      %add3A_783 = arith.addi %select_n3A_780, %add3A_782 : vector<16xi32>
      %gather3A_784 = tpu.vector_load_idx %arg12[%add3A_783] : memref<4112xf32, #tpu.memory_space<vmem>>[vector<16xi32>], vector<16xf32>,
      %abs3A_785 = math.absf %gather3A_784 : vector<16xf32>
      %eq3A_786 = arith.constant 0 : i32
      %eq3A_787 = vector.broadcast %eq3A_786 : i32 to vector<16xi32>
      %eq3A_788 = arith.cmpi eq, %iota3A, %eq3A_787 : vector<16xi32>
      %jit3A_789 = arith.constant -1.000000e+00 : f32
      %broadcast_in_dim3A_790 = vector.broadcast %jit3A_789 : f32 to vector<16xf32>
      %select_n3A_791 = arith.select %eq3A_788, %abs3A_785, %broadcast_in_dim3A_790 : vector<16xi1>, vector<16xf32>
      %reduce_max3A_792 = arith.constant true
      %reduce_max3A_793 = vector.broadcast %reduce_max3A_792 : i1 to vector<16xi1>
      %reduce_max3A_794 = tpu.scan <max>, %select_n3A_791 masked %reduce_max3A_793 : vector<16xf32>, vector<16xi1> -> vector<16xf32>
      %reduce_max3A_795 = vector.extract %reduce_max3A_794[15] : f32 from vector<16xf32>
      %eq3A_796 = arith.constant 1 : i32
      %eq3A_797 = vector.broadcast %eq3A_796 : i32 to vector<16xi32>
      %eq3A_798 = arith.cmpi eq, %iota3A, %eq3A_797 : vector<16xi32>
      %jit3A_799 = arith.constant -1.000000e+00 : f32
      %broadcast_in_dim3A_800 = vector.broadcast %jit3A_799 : f32 to vector<16xf32>
      %select_n3A_801 = arith.select %eq3A_798, %abs3A_785, %broadcast_in_dim3A_800 : vector<16xi1>, vector<16xf32>
      %reduce_max3A_802 = arith.constant true
      %reduce_max3A_803 = vector.broadcast %reduce_max3A_802 : i1 to vector<16xi1>
      %reduce_max3A_804 = tpu.scan <max>, %select_n3A_801 masked %reduce_max3A_803 : vector<16xf32>, vector<16xi1> -> vector<16xf32>
      %reduce_max3A_805 = vector.extract %reduce_max3A_804[15] : f32 from vector<16xf32>
      %eq3A_806 = arith.constant 2 : i32
      %eq3A_807 = vector.broadcast %eq3A_806 : i32 to vector<16xi32>
      %eq3A_808 = arith.cmpi eq, %iota3A, %eq3A_807 : vector<16xi32>
      %jit3A_809 = arith.constant -1.000000e+00 : f32
      %broadcast_in_dim3A_810 = vector.broadcast %jit3A_809 : f32 to vector<16xf32>
      %select_n3A_811 = arith.select %eq3A_808, %abs3A_785, %broadcast_in_dim3A_810 : vector<16xi1>, vector<16xf32>
      %reduce_max3A_812 = arith.constant true
      %reduce_max3A_813 = vector.broadcast %reduce_max3A_812 : i1 to vector<16xi1>
      %reduce_max3A_814 = tpu.scan <max>, %select_n3A_811 masked %reduce_max3A_813 : vector<16xf32>, vector<16xi1> -> vector<16xf32>
      %reduce_max3A_815 = vector.extract %reduce_max3A_814[15] : f32 from vector<16xf32>
      %add3A_816 = arith.addf %reduce_max3A_795, %reduce_max3A_815 : f32
      %mul3A_817 = arith.constant 5.000000e-01 : f32
      %mul3A_818 = arith.mulf %mul3A_817, %add3A_816 : f32
      %sub3A_819 = arith.subf %mul3A_818, %reduce_max3A_805 : f32
      %sub3A_820 = arith.subf %reduce_max3A_815, %reduce_max3A_795 : f32
      %mul3A_821 = arith.constant 5.000000e-01 : f32
      %mul3A_822 = arith.mulf %mul3A_821, %sub3A_820 : f32
      %reduce_max3A_823 = arith.constant true
      %reduce_max3A_824 = vector.broadcast %reduce_max3A_823 : i1 to vector<16xi1>
      %reduce_max3A_825 = tpu.scan <max>, %parallel_loop3A_730#3 masked %reduce_max3A_824 : vector<16xf32>, vector<16xi1> -> vector<16xf32>
      %reduce_max3A_826 = vector.extract %reduce_max3A_825[15] : f32 from vector<16xf32>
      %eq3A_827 = vector.broadcast %reduce_max3A_826 : f32 to vector<16xf32>
      %eq3A_828 = arith.cmpf oeq, %parallel_loop3A_730#3, %eq3A_827 : vector<16xf32>
      %jit3A_829 = arith.constant 4096 : i32
      %broadcast_in_dim3A_830 = vector.broadcast %jit3A_829 : i32 to vector<16xi32>
      %select_n3A_831 = arith.select %eq3A_828, %parallel_loop3A_730#5, %broadcast_in_dim3A_830 : vector<16xi1>, vector<16xi32>
      %reduce_min3A_832 = arith.constant true
      %reduce_min3A_833 = vector.broadcast %reduce_min3A_832 : i1 to vector<16xi1>
      %reduce_min3A_834 = arith.constant -2147483648 : i32
      %reduce_min3A_835 = vector.broadcast %reduce_min3A_834 : i32 to vector<16xi32>
      %reduce_min3A_836 = arith.xori %select_n3A_831, %reduce_min3A_835 : vector<16xi32>
      %reduce_min3A_837 = tpu.scan <min>, %reduce_min3A_836 masked %reduce_min3A_833 : vector<16xi32>, vector<16xi1> -> vector<16xi32>
      %reduce_min3A_838 = arith.xori %reduce_min3A_837, %reduce_min3A_835 : vector<16xi32>
      %reduce_min3A_839 = vector.extract %reduce_min3A_838[15] : i32 from vector<16xi32>
      %eq3A_840 = vector.broadcast %reduce_min3A_839 : i32 to vector<16xi32>
      %eq3A_841 = arith.cmpi eq, %parallel_loop3A_730#5, %eq3A_840 : vector<16xi32>
      %jit3A_842 = arith.constant -1.000000e+00 : f32
      %broadcast_in_dim3A_843 = vector.broadcast %jit3A_842 : f32 to vector<16xf32>
      %select_n3A_844 = arith.select %eq3A_841, %broadcast_in_dim3A_843, %parallel_loop3A_730#3 : vector<16xi1>, vector<16xf32>
      %reduce_max3A_845 = arith.constant true
      %reduce_max3A_846 = vector.broadcast %reduce_max3A_845 : i1 to vector<16xi1>
      %reduce_max3A_847 = tpu.scan <max>, %select_n3A_844 masked %reduce_max3A_846 : vector<16xf32>, vector<16xi1> -> vector<16xf32>
      %reduce_max3A_848 = vector.extract %reduce_max3A_847[15] : f32 from vector<16xf32>
      %reduce_max3A_849 = arith.constant true
      %reduce_max3A_850 = vector.broadcast %reduce_max3A_849 : i1 to vector<16xi1>
      %reduce_max3A_851 = tpu.scan <max>, %parallel_loop3A_730#4 masked %reduce_max3A_850 : vector<16xf32>, vector<16xi1> -> vector<16xf32>
      %reduce_max3A_852 = vector.extract %reduce_max3A_851[15] : f32 from vector<16xf32>
      %max3A_853 = arith.maximumf %reduce_max3A_848, %reduce_max3A_852 : f32
      %sub3A_854 = arith.constant 1 : i32
      %sub3A_855 = arith.subi %reduce_min3A_839, %sub3A_854 : i32
      %max3A_856 = arith.constant 0 : i32
      %max3A_857 = arith.maxsi %sub3A_855, %max3A_856 : i32
      %add3A_858 = arith.constant 1 : i32
      %add3A_859 = arith.addi %reduce_min3A_839, %add3A_858 : i32
      %min3A_860 = arith.constant 4095 : i32
      %min3A_861 = arith.minsi %add3A_859, %min3A_860 : i32
      %eq3A_862 = arith.constant 0 : i32
      %eq3A_863 = vector.broadcast %eq3A_862 : i32 to vector<16xi32>
      %eq3A_864 = arith.cmpi eq, %iota3A, %eq3A_863 : vector<16xi32>
      %eq3A_865 = arith.constant 1 : i32
      %eq3A_866 = vector.broadcast %eq3A_865 : i32 to vector<16xi32>
      %eq3A_867 = arith.cmpi eq, %iota3A, %eq3A_866 : vector<16xi32>
      %broadcast_in_dim3A_868 = vector.broadcast %reduce_min3A_839 : i32 to vector<16xi32>
      %broadcast_in_dim3A_869 = vector.broadcast %min3A_861 : i32 to vector<16xi32>
      %select_n3A_870 = arith.select %eq3A_867, %broadcast_in_dim3A_868, %broadcast_in_dim3A_869 : vector<16xi1>, vector<16xi32>
      %broadcast_in_dim3A_871 = vector.broadcast %max3A_857 : i32 to vector<16xi32>
      %select_n3A_872 = arith.select %eq3A_864, %broadcast_in_dim3A_871, %select_n3A_870 : vector<16xi1>, vector<16xi32>
      %add3A_873 = arith.constant 8 : i32
      %add3A_874 = vector.broadcast %add3A_873 : i32 to vector<16xi32>
      %add3A_875 = arith.addi %select_n3A_872, %add3A_874 : vector<16xi32>
      %gather3A_876 = tpu.vector_load_idx %arg13[%add3A_875] : memref<4112xf32, #tpu.memory_space<vmem>>[vector<16xi32>], vector<16xf32>,
      %abs3A_877 = math.absf %gather3A_876 : vector<16xf32>
      %eq3A_878 = arith.constant 0 : i32
      %eq3A_879 = vector.broadcast %eq3A_878 : i32 to vector<16xi32>
      %eq3A_880 = arith.cmpi eq, %iota3A, %eq3A_879 : vector<16xi32>
      %jit3A_881 = arith.constant -1.000000e+00 : f32
      %broadcast_in_dim3A_882 = vector.broadcast %jit3A_881 : f32 to vector<16xf32>
      %select_n3A_883 = arith.select %eq3A_880, %abs3A_877, %broadcast_in_dim3A_882 : vector<16xi1>, vector<16xf32>
      %reduce_max3A_884 = arith.constant true
      %reduce_max3A_885 = vector.broadcast %reduce_max3A_884 : i1 to vector<16xi1>
      %reduce_max3A_886 = tpu.scan <max>, %select_n3A_883 masked %reduce_max3A_885 : vector<16xf32>, vector<16xi1> -> vector<16xf32>
      %reduce_max3A_887 = vector.extract %reduce_max3A_886[15] : f32 from vector<16xf32>
      %eq3A_888 = arith.constant 1 : i32
      %eq3A_889 = vector.broadcast %eq3A_888 : i32 to vector<16xi32>
      %eq3A_890 = arith.cmpi eq, %iota3A, %eq3A_889 : vector<16xi32>
      %jit3A_891 = arith.constant -1.000000e+00 : f32
      %broadcast_in_dim3A_892 = vector.broadcast %jit3A_891 : f32 to vector<16xf32>
      %select_n3A_893 = arith.select %eq3A_890, %abs3A_877, %broadcast_in_dim3A_892 : vector<16xi1>, vector<16xf32>
      %reduce_max3A_894 = arith.constant true
      %reduce_max3A_895 = vector.broadcast %reduce_max3A_894 : i1 to vector<16xi1>
      %reduce_max3A_896 = tpu.scan <max>, %select_n3A_893 masked %reduce_max3A_895 : vector<16xf32>, vector<16xi1> -> vector<16xf32>
      %reduce_max3A_897 = vector.extract %reduce_max3A_896[15] : f32 from vector<16xf32>
      %eq3A_898 = arith.constant 2 : i32
      %eq3A_899 = vector.broadcast %eq3A_898 : i32 to vector<16xi32>
      %eq3A_900 = arith.cmpi eq, %iota3A, %eq3A_899 : vector<16xi32>
      %jit3A_901 = arith.constant -1.000000e+00 : f32
      %broadcast_in_dim3A_902 = vector.broadcast %jit3A_901 : f32 to vector<16xf32>
      %select_n3A_903 = arith.select %eq3A_900, %abs3A_877, %broadcast_in_dim3A_902 : vector<16xi1>, vector<16xf32>
      %reduce_max3A_904 = arith.constant true
      %reduce_max3A_905 = vector.broadcast %reduce_max3A_904 : i1 to vector<16xi1>
      %reduce_max3A_906 = tpu.scan <max>, %select_n3A_903 masked %reduce_max3A_905 : vector<16xf32>, vector<16xi1> -> vector<16xf32>
      %reduce_max3A_907 = vector.extract %reduce_max3A_906[15] : f32 from vector<16xf32>
      %add3A_908 = arith.addf %reduce_max3A_887, %reduce_max3A_907 : f32
      %mul3A_909 = arith.constant 5.000000e-01 : f32
      %mul3A_910 = arith.mulf %mul3A_909, %add3A_908 : f32
      %sub3A_911 = arith.subf %mul3A_910, %reduce_max3A_897 : f32
      %sub3A_912 = arith.subf %reduce_max3A_907, %reduce_max3A_887 : f32
      %mul3A_913 = arith.constant 5.000000e-01 : f32
      %mul3A_914 = arith.mulf %mul3A_913, %sub3A_912 : f32
      %reduce_max3A_915 = arith.constant true
      %reduce_max3A_916 = vector.broadcast %reduce_max3A_915 : i1 to vector<16xi1>
      %reduce_max3A_917 = tpu.scan <max>, %parallel_loop3A_730#6 masked %reduce_max3A_916 : vector<16xf32>, vector<16xi1> -> vector<16xf32>
      %reduce_max3A_918 = vector.extract %reduce_max3A_917[15] : f32 from vector<16xf32>
      %eq3A_919 = vector.broadcast %reduce_max3A_918 : f32 to vector<16xf32>
      %eq3A_920 = arith.cmpf oeq, %parallel_loop3A_730#6, %eq3A_919 : vector<16xf32>
      %jit3A_921 = arith.constant 4096 : i32
      %broadcast_in_dim3A_922 = vector.broadcast %jit3A_921 : i32 to vector<16xi32>
      %select_n3A_923 = arith.select %eq3A_920, %parallel_loop3A_730#8, %broadcast_in_dim3A_922 : vector<16xi1>, vector<16xi32>
      %reduce_min3A_924 = arith.constant true
      %reduce_min3A_925 = vector.broadcast %reduce_min3A_924 : i1 to vector<16xi1>
      %reduce_min3A_926 = arith.constant -2147483648 : i32
      %reduce_min3A_927 = vector.broadcast %reduce_min3A_926 : i32 to vector<16xi32>
      %reduce_min3A_928 = arith.xori %select_n3A_923, %reduce_min3A_927 : vector<16xi32>
      %reduce_min3A_929 = tpu.scan <min>, %reduce_min3A_928 masked %reduce_min3A_925 : vector<16xi32>, vector<16xi1> -> vector<16xi32>
      %reduce_min3A_930 = arith.xori %reduce_min3A_929, %reduce_min3A_927 : vector<16xi32>
      %reduce_min3A_931 = vector.extract %reduce_min3A_930[15] : i32 from vector<16xi32>
      %eq3A_932 = vector.broadcast %reduce_min3A_931 : i32 to vector<16xi32>
      %eq3A_933 = arith.cmpi eq, %parallel_loop3A_730#8, %eq3A_932 : vector<16xi32>
      %jit3A_934 = arith.constant -1.000000e+00 : f32
      %broadcast_in_dim3A_935 = vector.broadcast %jit3A_934 : f32 to vector<16xf32>
      %select_n3A_936 = arith.select %eq3A_933, %broadcast_in_dim3A_935, %parallel_loop3A_730#6 : vector<16xi1>, vector<16xf32>
      %reduce_max3A_937 = arith.constant true
      %reduce_max3A_938 = vector.broadcast %reduce_max3A_937 : i1 to vector<16xi1>
      %reduce_max3A_939 = tpu.scan <max>, %select_n3A_936 masked %reduce_max3A_938 : vector<16xf32>, vector<16xi1> -> vector<16xf32>
      %reduce_max3A_940 = vector.extract %reduce_max3A_939[15] : f32 from vector<16xf32>
      %reduce_max3A_941 = arith.constant true
      %reduce_max3A_942 = vector.broadcast %reduce_max3A_941 : i1 to vector<16xi1>
      %reduce_max3A_943 = tpu.scan <max>, %parallel_loop3A_730#7 masked %reduce_max3A_942 : vector<16xf32>, vector<16xi1> -> vector<16xf32>
      %reduce_max3A_944 = vector.extract %reduce_max3A_943[15] : f32 from vector<16xf32>
      %max3A_945 = arith.maximumf %reduce_max3A_940, %reduce_max3A_944 : f32
      %sub3A_946 = arith.constant 1 : i32
      %sub3A_947 = arith.subi %reduce_min3A_931, %sub3A_946 : i32
      %max3A_948 = arith.constant 0 : i32
      %max3A_949 = arith.maxsi %sub3A_947, %max3A_948 : i32
      %add3A_950 = arith.constant 1 : i32
      %add3A_951 = arith.addi %reduce_min3A_931, %add3A_950 : i32
      %min3A_952 = arith.constant 4095 : i32
      %min3A_953 = arith.minsi %add3A_951, %min3A_952 : i32
      %eq3A_954 = arith.constant 0 : i32
      %eq3A_955 = vector.broadcast %eq3A_954 : i32 to vector<16xi32>
      %eq3A_956 = arith.cmpi eq, %iota3A, %eq3A_955 : vector<16xi32>
      %eq3A_957 = arith.constant 1 : i32
      %eq3A_958 = vector.broadcast %eq3A_957 : i32 to vector<16xi32>
      %eq3A_959 = arith.cmpi eq, %iota3A, %eq3A_958 : vector<16xi32>
      %broadcast_in_dim3A_960 = vector.broadcast %reduce_min3A_931 : i32 to vector<16xi32>
      %broadcast_in_dim3A_961 = vector.broadcast %min3A_953 : i32 to vector<16xi32>
      %select_n3A_962 = arith.select %eq3A_959, %broadcast_in_dim3A_960, %broadcast_in_dim3A_961 : vector<16xi1>, vector<16xi32>
      %broadcast_in_dim3A_963 = vector.broadcast %max3A_949 : i32 to vector<16xi32>
      %select_n3A_964 = arith.select %eq3A_956, %broadcast_in_dim3A_963, %select_n3A_962 : vector<16xi1>, vector<16xi32>
      %add3A_965 = arith.constant 8 : i32
      %add3A_966 = vector.broadcast %add3A_965 : i32 to vector<16xi32>
      %add3A_967 = arith.addi %select_n3A_964, %add3A_966 : vector<16xi32>
      %gather3A_968 = tpu.vector_load_idx %arg14[%add3A_967] : memref<4112xf32, #tpu.memory_space<vmem>>[vector<16xi32>], vector<16xf32>,
      %abs3A_969 = math.absf %gather3A_968 : vector<16xf32>
      %eq3A_970 = arith.constant 0 : i32
      %eq3A_971 = vector.broadcast %eq3A_970 : i32 to vector<16xi32>
      %eq3A_972 = arith.cmpi eq, %iota3A, %eq3A_971 : vector<16xi32>
      %jit3A_973 = arith.constant -1.000000e+00 : f32
      %broadcast_in_dim3A_974 = vector.broadcast %jit3A_973 : f32 to vector<16xf32>
      %select_n3A_975 = arith.select %eq3A_972, %abs3A_969, %broadcast_in_dim3A_974 : vector<16xi1>, vector<16xf32>
      %reduce_max3A_976 = arith.constant true
      %reduce_max3A_977 = vector.broadcast %reduce_max3A_976 : i1 to vector<16xi1>
      %reduce_max3A_978 = tpu.scan <max>, %select_n3A_975 masked %reduce_max3A_977 : vector<16xf32>, vector<16xi1> -> vector<16xf32>
      %reduce_max3A_979 = vector.extract %reduce_max3A_978[15] : f32 from vector<16xf32>
      %eq3A_980 = arith.constant 1 : i32
      %eq3A_981 = vector.broadcast %eq3A_980 : i32 to vector<16xi32>
      %eq3A_982 = arith.cmpi eq, %iota3A, %eq3A_981 : vector<16xi32>
      %jit3A_983 = arith.constant -1.000000e+00 : f32
      %broadcast_in_dim3A_984 = vector.broadcast %jit3A_983 : f32 to vector<16xf32>
      %select_n3A_985 = arith.select %eq3A_982, %abs3A_969, %broadcast_in_dim3A_984 : vector<16xi1>, vector<16xf32>
      %reduce_max3A_986 = arith.constant true
      %reduce_max3A_987 = vector.broadcast %reduce_max3A_986 : i1 to vector<16xi1>
      %reduce_max3A_988 = tpu.scan <max>, %select_n3A_985 masked %reduce_max3A_987 : vector<16xf32>, vector<16xi1> -> vector<16xf32>
      %reduce_max3A_989 = vector.extract %reduce_max3A_988[15] : f32 from vector<16xf32>
      %eq3A_990 = arith.constant 2 : i32
      %eq3A_991 = vector.broadcast %eq3A_990 : i32 to vector<16xi32>
      %eq3A_992 = arith.cmpi eq, %iota3A, %eq3A_991 : vector<16xi32>
      %jit3A_993 = arith.constant -1.000000e+00 : f32
      %broadcast_in_dim3A_994 = vector.broadcast %jit3A_993 : f32 to vector<16xf32>
      %select_n3A_995 = arith.select %eq3A_992, %abs3A_969, %broadcast_in_dim3A_994 : vector<16xi1>, vector<16xf32>
      %reduce_max3A_996 = arith.constant true
      %reduce_max3A_997 = vector.broadcast %reduce_max3A_996 : i1 to vector<16xi1>
      %reduce_max3A_998 = tpu.scan <max>, %select_n3A_995 masked %reduce_max3A_997 : vector<16xf32>, vector<16xi1> -> vector<16xf32>
      %reduce_max3A_999 = vector.extract %reduce_max3A_998[15] : f32 from vector<16xf32>
      %add3A_1000 = arith.addf %reduce_max3A_979, %reduce_max3A_999 : f32
      %mul3A_1001 = arith.constant 5.000000e-01 : f32
      %mul3A_1002 = arith.mulf %mul3A_1001, %add3A_1000 : f32
      %sub3A_1003 = arith.subf %mul3A_1002, %reduce_max3A_989 : f32
      %sub3A_1004 = arith.subf %reduce_max3A_999, %reduce_max3A_979 : f32
      %mul3A_1005 = arith.constant 5.000000e-01 : f32
      %mul3A_1006 = arith.mulf %mul3A_1005, %sub3A_1004 : f32
      %broadcast_in_dim3A_1007 = arith.constant 0xFF800000 : f32
      %broadcast_in_dim3A_1008 = vector.broadcast %broadcast_in_dim3A_1007 : f32 to vector<16xf32>
      %scan3A_1009 = arith.constant 0 : i32
      %scan3A_1010 = arith.constant 13 : i32
      %scan3A_1011 = arith.addi %scan3A_1009, %scan3A_1010 : i32
      %scan3A_1012 = arith.constant 1 : i32
      %scan3A_1013:6 = scf.for %scan3A_1130 = %scan3A_1009 to %scan3A_1011 step %scan3A_1012 iter_args(%scan3A_1131 = %broadcast_in_dim3A_1008, %scan3A_1132 = %iota3A, %scan3A_1133 = %broadcast_in_dim3A_1008, %scan3A_1134 = %iota3A, %scan3A_1135 = %broadcast_in_dim3A_1008, %scan3A_1136 = %iota3A) -> (vector<16xf32>, vector<16xi32>, vector<16xf32>, vector<16xi32>, vector<16xf32>, vector<16xi32>)  : i32 {
        %mul3A_1137 = arith.constant 16 : i32
        %mul3A_1138 = arith.muli %scan3A_1130, %mul3A_1137 : i32
        %get3A_1139 = arith.index_cast %mul3A_1138 : i32 to index
        %get3A_1140 = tpu.vector_load %arg15[%get3A_1139] {strides = array<i32>} : memref<208xf32, #tpu.memory_space<vmem>>, vector<16xf32>,
        %mul3A_1141 = arith.mulf %get3A_1140, %get3A_1140 : vector<16xf32>
        %mul3A_1142 = arith.constant 16 : i32
        %mul3A_1143 = arith.muli %scan3A_1130, %mul3A_1142 : i32
        %add3A_1144 = vector.broadcast %mul3A_1143 : i32 to vector<16xi32>
        %add3A_1145 = arith.addi %add3A_1144, %iota3A : vector<16xi32>
        %le3A = arith.constant 200 : i32
        %le3A_1146 = vector.broadcast %le3A : i32 to vector<16xi32>
        %le3A_1147 = arith.cmpi sle, %add3A_1145, %le3A_1146 : vector<16xi32>
        %mul3A_1148 = vector.broadcast %sub3A_819 : f32 to vector<16xf32>
        %mul3A_1149 = arith.mulf %mul3A_1148, %mul3A_1141 : vector<16xf32>
        %mul3A_1150 = vector.broadcast %mul3A_822 : f32 to vector<16xf32>
        %mul3A_1151 = arith.mulf %mul3A_1150, %get3A_1140 : vector<16xf32>
        %add3A_1152 = arith.addf %mul3A_1149, %mul3A_1151 : vector<16xf32>
        %add3A_1153 = vector.broadcast %reduce_max3A_805 : f32 to vector<16xf32>
        %add3A_1154 = arith.addf %add3A_1152, %add3A_1153 : vector<16xf32>
        %jit3A_1155 = arith.constant 0xFF800000 : f32
        %broadcast_in_dim3A_1156 = vector.broadcast %jit3A_1155 : f32 to vector<16xf32>
        %select_n3A_1157 = arith.select %le3A_1147, %add3A_1154, %broadcast_in_dim3A_1156 : vector<16xi1>, vector<16xf32>
        %gt3A_1158 = arith.cmpf ogt, %select_n3A_1157, %scan3A_1131 : vector<16xf32>
        %select_n3A_1159 = arith.select %gt3A_1158, %select_n3A_1157, %scan3A_1131 : vector<16xi1>, vector<16xf32>
        %select_n3A_1160 = arith.select %gt3A_1158, %add3A_1145, %scan3A_1132 : vector<16xi1>, vector<16xi32>
        %mul3A_1161 = vector.broadcast %sub3A_911 : f32 to vector<16xf32>
        %mul3A_1162 = arith.mulf %mul3A_1161, %mul3A_1141 : vector<16xf32>
        %mul3A_1163 = vector.broadcast %mul3A_914 : f32 to vector<16xf32>
        %mul3A_1164 = arith.mulf %mul3A_1163, %get3A_1140 : vector<16xf32>
        %add3A_1165 = arith.addf %mul3A_1162, %mul3A_1164 : vector<16xf32>
        %add3A_1166 = vector.broadcast %reduce_max3A_897 : f32 to vector<16xf32>
        %add3A_1167 = arith.addf %add3A_1165, %add3A_1166 : vector<16xf32>
        %jit3A_1168 = arith.constant 0xFF800000 : f32
        %broadcast_in_dim3A_1169 = vector.broadcast %jit3A_1168 : f32 to vector<16xf32>
        %select_n3A_1170 = arith.select %le3A_1147, %add3A_1167, %broadcast_in_dim3A_1169 : vector<16xi1>, vector<16xf32>
        %gt3A_1171 = arith.cmpf ogt, %select_n3A_1170, %scan3A_1133 : vector<16xf32>
        %select_n3A_1172 = arith.select %gt3A_1171, %select_n3A_1170, %scan3A_1133 : vector<16xi1>, vector<16xf32>
        %select_n3A_1173 = arith.select %gt3A_1171, %add3A_1145, %scan3A_1134 : vector<16xi1>, vector<16xi32>
        %mul3A_1174 = vector.broadcast %sub3A_1003 : f32 to vector<16xf32>
        %mul3A_1175 = arith.mulf %mul3A_1174, %mul3A_1141 : vector<16xf32>
        %mul3A_1176 = vector.broadcast %mul3A_1006 : f32 to vector<16xf32>
        %mul3A_1177 = arith.mulf %mul3A_1176, %get3A_1140 : vector<16xf32>
        %add3A_1178 = arith.addf %mul3A_1175, %mul3A_1177 : vector<16xf32>
        %add3A_1179 = vector.broadcast %reduce_max3A_989 : f32 to vector<16xf32>
        %add3A_1180 = arith.addf %add3A_1178, %add3A_1179 : vector<16xf32>
        %jit3A_1181 = arith.constant 0xFF800000 : f32
        %broadcast_in_dim3A_1182 = vector.broadcast %jit3A_1181 : f32 to vector<16xf32>
        %select_n3A_1183 = arith.select %le3A_1147, %add3A_1180, %broadcast_in_dim3A_1182 : vector<16xi1>, vector<16xf32>
        %gt3A_1184 = arith.cmpf ogt, %select_n3A_1183, %scan3A_1135 : vector<16xf32>
        %select_n3A_1185 = arith.select %gt3A_1184, %select_n3A_1183, %scan3A_1135 : vector<16xi1>, vector<16xf32>
        %select_n3A_1186 = arith.select %gt3A_1184, %add3A_1145, %scan3A_1136 : vector<16xi1>, vector<16xi32>
        scf.yield %select_n3A_1159, %select_n3A_1160, %select_n3A_1172, %select_n3A_1173, %select_n3A_1185, %select_n3A_1186 : vector<16xf32>, vector<16xi32>, vector<16xf32>, vector<16xi32>, vector<16xf32>, vector<16xi32>
      }
      %scan3A_1014 = arith.constant 13 : i32
      %reduce_max3A_1015 = arith.constant true
      %reduce_max3A_1016 = vector.broadcast %reduce_max3A_1015 : i1 to vector<16xi1>
      %reduce_max3A_1017 = tpu.scan <max>, %scan3A_1013#0 masked %reduce_max3A_1016 : vector<16xf32>, vector<16xi1> -> vector<16xf32>
      %reduce_max3A_1018 = vector.extract %reduce_max3A_1017[15] : f32 from vector<16xf32>
      %eq3A_1019 = vector.broadcast %reduce_max3A_1018 : f32 to vector<16xf32>
      %eq3A_1020 = arith.cmpf oeq, %scan3A_1013#0, %eq3A_1019 : vector<16xf32>
      %jit3A_1021 = arith.constant 201 : i32
      %broadcast_in_dim3A_1022 = vector.broadcast %jit3A_1021 : i32 to vector<16xi32>
      %select_n3A_1023 = arith.select %eq3A_1020, %scan3A_1013#1, %broadcast_in_dim3A_1022 : vector<16xi1>, vector<16xi32>
      %reduce_min3A_1024 = arith.constant true
      %reduce_min3A_1025 = vector.broadcast %reduce_min3A_1024 : i1 to vector<16xi1>
      %reduce_min3A_1026 = arith.constant -2147483648 : i32
      %reduce_min3A_1027 = vector.broadcast %reduce_min3A_1026 : i32 to vector<16xi32>
      %reduce_min3A_1028 = arith.xori %select_n3A_1023, %reduce_min3A_1027 : vector<16xi32>
      %reduce_min3A_1029 = tpu.scan <min>, %reduce_min3A_1028 masked %reduce_min3A_1025 : vector<16xi32>, vector<16xi1> -> vector<16xi32>
      %reduce_min3A_1030 = arith.xori %reduce_min3A_1029, %reduce_min3A_1027 : vector<16xi32>
      %reduce_min3A_1031 = vector.extract %reduce_min3A_1030[15] : i32 from vector<16xi32>
      %broadcast_in_dim3A_1032 = vector.broadcast %reduce_min3A_1031 : i32 to vector<16xi32>
      %gather3A_1033 = tpu.vector_load_idx %arg15[%broadcast_in_dim3A_1032] : memref<208xf32, #tpu.memory_space<vmem>>[vector<16xi32>], vector<16xf32>,
      %reduce_max3A_1034 = arith.constant true
      %reduce_max3A_1035 = vector.broadcast %reduce_max3A_1034 : i1 to vector<16xi1>
      %reduce_max3A_1036 = tpu.scan <max>, %gather3A_1033 masked %reduce_max3A_1035 : vector<16xf32>, vector<16xi1> -> vector<16xf32>
      %reduce_max3A_1037 = vector.extract %reduce_max3A_1036[15] : f32 from vector<16xf32>
      %sub3A_1038 = arith.subf %reduce_max3A_734, %max3A_761 : f32
      %mul3A_1039 = arith.constant 3.000000e+00 : f32
      %mul3A_1040 = arith.mulf %mul3A_1039, %sub3A_1038 : f32
      %add3A_1041 = arith.constant 1.000000e-01 : f32
      %add3A_1042 = arith.addf %add3A_1041, %mul3A_1040 : f32
      %mul3A_1043 = arith.mulf %reduce_max3A_734, %reduce_max3A_734 : f32
      %mul3A_1044 = arith.mulf %add3A_1042, %mul3A_1043 : f32
      %convert_element_type3A_1045 = arith.sitofp %reduce_min3A_747 : i32 to f32
      %add3A_1046 = arith.addf %convert_element_type3A_1045, %reduce_max3A_1037 : f32
      %reduce_max3A_1047 = arith.constant true
      %reduce_max3A_1048 = vector.broadcast %reduce_max3A_1047 : i1 to vector<16xi1>
      %reduce_max3A_1049 = tpu.scan <max>, %scan3A_1013#2 masked %reduce_max3A_1048 : vector<16xf32>, vector<16xi1> -> vector<16xf32>
      %reduce_max3A_1050 = vector.extract %reduce_max3A_1049[15] : f32 from vector<16xf32>
      %eq3A_1051 = vector.broadcast %reduce_max3A_1050 : f32 to vector<16xf32>
      %eq3A_1052 = arith.cmpf oeq, %scan3A_1013#2, %eq3A_1051 : vector<16xf32>
      %jit3A_1053 = arith.constant 201 : i32
      %broadcast_in_dim3A_1054 = vector.broadcast %jit3A_1053 : i32 to vector<16xi32>
      %select_n3A_1055 = arith.select %eq3A_1052, %scan3A_1013#3, %broadcast_in_dim3A_1054 : vector<16xi1>, vector<16xi32>
      %reduce_min3A_1056 = arith.constant true
      %reduce_min3A_1057 = vector.broadcast %reduce_min3A_1056 : i1 to vector<16xi1>
      %reduce_min3A_1058 = arith.constant -2147483648 : i32
      %reduce_min3A_1059 = vector.broadcast %reduce_min3A_1058 : i32 to vector<16xi32>
      %reduce_min3A_1060 = arith.xori %select_n3A_1055, %reduce_min3A_1059 : vector<16xi32>
      %reduce_min3A_1061 = tpu.scan <min>, %reduce_min3A_1060 masked %reduce_min3A_1057 : vector<16xi32>, vector<16xi1> -> vector<16xi32>
      %reduce_min3A_1062 = arith.xori %reduce_min3A_1061, %reduce_min3A_1059 : vector<16xi32>
      %reduce_min3A_1063 = vector.extract %reduce_min3A_1062[15] : i32 from vector<16xi32>
      %broadcast_in_dim3A_1064 = vector.broadcast %reduce_min3A_1063 : i32 to vector<16xi32>
      %gather3A_1065 = tpu.vector_load_idx %arg15[%broadcast_in_dim3A_1064] : memref<208xf32, #tpu.memory_space<vmem>>[vector<16xi32>], vector<16xf32>,
      %reduce_max3A_1066 = arith.constant true
      %reduce_max3A_1067 = vector.broadcast %reduce_max3A_1066 : i1 to vector<16xi1>
      %reduce_max3A_1068 = tpu.scan <max>, %gather3A_1065 masked %reduce_max3A_1067 : vector<16xf32>, vector<16xi1> -> vector<16xf32>
      %reduce_max3A_1069 = vector.extract %reduce_max3A_1068[15] : f32 from vector<16xf32>
      %sub3A_1070 = arith.subf %reduce_max3A_826, %max3A_853 : f32
      %mul3A_1071 = arith.constant 3.000000e+00 : f32
      %mul3A_1072 = arith.mulf %mul3A_1071, %sub3A_1070 : f32
      %add3A_1073 = arith.constant 1.000000e-01 : f32
      %add3A_1074 = arith.addf %add3A_1073, %mul3A_1072 : f32
      %mul3A_1075 = arith.mulf %reduce_max3A_826, %reduce_max3A_826 : f32
      %mul3A_1076 = arith.mulf %add3A_1074, %mul3A_1075 : f32
      %convert_element_type3A_1077 = arith.sitofp %reduce_min3A_839 : i32 to f32
      %add3A_1078 = arith.addf %convert_element_type3A_1077, %reduce_max3A_1069 : f32
      %reduce_max3A_1079 = arith.constant true
      %reduce_max3A_1080 = vector.broadcast %reduce_max3A_1079 : i1 to vector<16xi1>
      %reduce_max3A_1081 = tpu.scan <max>, %scan3A_1013#4 masked %reduce_max3A_1080 : vector<16xf32>, vector<16xi1> -> vector<16xf32>
      %reduce_max3A_1082 = vector.extract %reduce_max3A_1081[15] : f32 from vector<16xf32>
      %eq3A_1083 = vector.broadcast %reduce_max3A_1082 : f32 to vector<16xf32>
      %eq3A_1084 = arith.cmpf oeq, %scan3A_1013#4, %eq3A_1083 : vector<16xf32>
      %jit3A_1085 = arith.constant 201 : i32
      %broadcast_in_dim3A_1086 = vector.broadcast %jit3A_1085 : i32 to vector<16xi32>
      %select_n3A_1087 = arith.select %eq3A_1084, %scan3A_1013#5, %broadcast_in_dim3A_1086 : vector<16xi1>, vector<16xi32>
      %reduce_min3A_1088 = arith.constant true
      %reduce_min3A_1089 = vector.broadcast %reduce_min3A_1088 : i1 to vector<16xi1>
      %reduce_min3A_1090 = arith.constant -2147483648 : i32
      %reduce_min3A_1091 = vector.broadcast %reduce_min3A_1090 : i32 to vector<16xi32>
      %reduce_min3A_1092 = arith.xori %select_n3A_1087, %reduce_min3A_1091 : vector<16xi32>
      %reduce_min3A_1093 = tpu.scan <min>, %reduce_min3A_1092 masked %reduce_min3A_1089 : vector<16xi32>, vector<16xi1> -> vector<16xi32>
      %reduce_min3A_1094 = arith.xori %reduce_min3A_1093, %reduce_min3A_1091 : vector<16xi32>
      %reduce_min3A_1095 = vector.extract %reduce_min3A_1094[15] : i32 from vector<16xi32>
      %broadcast_in_dim3A_1096 = vector.broadcast %reduce_min3A_1095 : i32 to vector<16xi32>
      %gather3A_1097 = tpu.vector_load_idx %arg15[%broadcast_in_dim3A_1096] : memref<208xf32, #tpu.memory_space<vmem>>[vector<16xi32>], vector<16xf32>,
      %reduce_max3A_1098 = arith.constant true
      %reduce_max3A_1099 = vector.broadcast %reduce_max3A_1098 : i1 to vector<16xi1>
      %reduce_max3A_1100 = tpu.scan <max>, %gather3A_1097 masked %reduce_max3A_1099 : vector<16xf32>, vector<16xi1> -> vector<16xf32>
      %reduce_max3A_1101 = vector.extract %reduce_max3A_1100[15] : f32 from vector<16xf32>
      %sub3A_1102 = arith.subf %reduce_max3A_918, %max3A_945 : f32
      %mul3A_1103 = arith.constant 3.000000e+00 : f32
      %mul3A_1104 = arith.mulf %mul3A_1103, %sub3A_1102 : f32
      %add3A_1105 = arith.constant 1.000000e-01 : f32
      %add3A_1106 = arith.addf %add3A_1105, %mul3A_1104 : f32
      %mul3A_1107 = arith.mulf %reduce_max3A_918, %reduce_max3A_918 : f32
      %mul3A_1108 = arith.mulf %add3A_1106, %mul3A_1107 : f32
      %convert_element_type3A_1109 = arith.sitofp %reduce_min3A_931 : i32 to f32
      %add3A_1110 = arith.addf %convert_element_type3A_1109, %reduce_max3A_1101 : f32
      %gt3A_1111 = arith.cmpf ogt, %mul3A_1076, %mul3A_1044 : f32
      %select_n3A_1112 = arith.select %gt3A_1111, %reduce_max3A_1050, %reduce_max3A_1018 : f32
      %select_n3A_1113 = arith.select %gt3A_1111, %mul3A_1076, %mul3A_1044 : f32
      %select_n3A_1114 = arith.select %gt3A_1111, %add3A_1078, %add3A_1046 : f32
      %gt3A_1115 = arith.cmpf ogt, %mul3A_1108, %select_n3A_1113 : f32
      %select_n3A_1116 = arith.select %gt3A_1115, %reduce_max3A_1082, %select_n3A_1112 : f32
      %select_n3A_1117 = arith.select %gt3A_1115, %mul3A_1108, %select_n3A_1113 : f32
      %select_n3A_1118 = arith.select %gt3A_1115, %add3A_1110, %select_n3A_1114 : f32
      %sub3A_1119 = arith.subf %select_n3A_1118, %reduce_max3A_4 : f32
      %mul3A_1120 = arith.constant 0.00999999977 : f32
      %mul3A_1121 = arith.mulf %sub3A_1119, %mul3A_1120 : f32
      %broadcast_in_dim3A_1122 = vector.broadcast %add3A_724 : i32 to vector<16xi32>
      %eq3A_1123 = arith.constant 0 : i32
      %eq3A_1124 = vector.broadcast %eq3A_1123 : i32 to vector<16xi32>
      %eq3A_1125 = arith.cmpi eq, %iota3A, %eq3A_1124 : vector<16xi32>
      %broadcast_in_dim3A_1126 = vector.broadcast %select_n3A_1116 : f32 to vector<16xf32>
      tpu.vector_store_idx %arg17[%broadcast_in_dim3A_1122], %broadcast_in_dim3A_1126 masked %eq3A_1125 : memref<32xf32, #tpu.memory_space<vmem>>[vector<16xi32>], vector<16xf32>, vector<16xi1>
      %broadcast_in_dim3A_1127 = vector.broadcast %select_n3A_1117 : f32 to vector<16xf32>
      tpu.vector_store_idx %arg18[%broadcast_in_dim3A_1122], %broadcast_in_dim3A_1127 masked %eq3A_1125 : memref<32xf32, #tpu.memory_space<vmem>>[vector<16xi32>], vector<16xf32>, vector<16xi1>
      %broadcast_in_dim3A_1128 = vector.broadcast %mul3A_1121 : f32 to vector<16xf32>
      tpu.vector_store_idx %arg19[%broadcast_in_dim3A_1122], %broadcast_in_dim3A_1128 masked %eq3A_1125 : memref<32xf32, #tpu.memory_space<vmem>>[vector<16xi32>], vector<16xf32>, vector<16xi1>
      %broadcast_in_dim3A_1129 = vector.broadcast %sub3A_1119 : f32 to vector<16xf32>
      tpu.vector_store_idx %arg20[%broadcast_in_dim3A_1122], %broadcast_in_dim3A_1129 masked %eq3A_1125 : memref<32xf32, #tpu.memory_space<vmem>>[vector<16xi32>], vector<16xf32>, vector<16xi1>
    }
    %scan3A_142 = arith.constant 16 : i32
    %mul3A_143 = arith.constant 32 : i32
    %mul3A_144 = arith.muli %add3A, %mul3A_143 : i32
    "tpu.region"() ({
      %run_scoped3A = tpu.sem_alloc : memref<!tpu.dma_semaphore, #tpu.memory_space<semaphore_mem>>
      %dma_start3A_145 = tpu.memref_slice %arg5[%mul3A_144] : memref<1024xf32, #tpu.memory_space<hbm>> -> memref<32xf32, #tpu.memory_space<hbm>>
      %dma_start3A_146 = tpu.memref_slice %arg5[%mul3A_144] : memref<1024xf32, #tpu.memory_space<hbm>> -> memref<32xf32, #tpu.memory_space<hbm>>
      tpu.enqueue_dma source(%arg17 : memref<32xf32, #tpu.memory_space<vmem>>) target(%dma_start3A_146 : memref<32xf32, #tpu.memory_space<hbm>>) target_semaphore(%run_scoped3A : memref<!tpu.dma_semaphore, #tpu.memory_space<semaphore_mem>>)
      %dma_wait3A = tpu.memref_slice %arg5[%mul3A_144] : memref<1024xf32, #tpu.memory_space<hbm>> -> memref<32xf32, #tpu.memory_space<hbm>>
      %dma_wait3A_147 = tpu.memref_slice %arg5[%mul3A_144] : memref<1024xf32, #tpu.memory_space<hbm>> -> memref<32xf32, #tpu.memory_space<hbm>>
      tpu.wait_dma2 semaphore(%run_scoped3A : memref<!tpu.dma_semaphore, #tpu.memory_space<semaphore_mem>>) src(%arg17 : memref<32xf32, #tpu.memory_space<vmem>>) dst(%dma_wait3A_147 : memref<32xf32, #tpu.memory_space<hbm>>)
      tpu.yield
    }) : () -> ()
    "tpu.region"() ({
      %run_scoped3A = tpu.sem_alloc : memref<!tpu.dma_semaphore, #tpu.memory_space<semaphore_mem>>
      %dma_start3A_145 = tpu.memref_slice %arg6[%mul3A_144] : memref<1024xf32, #tpu.memory_space<hbm>> -> memref<32xf32, #tpu.memory_space<hbm>>
      %dma_start3A_146 = tpu.memref_slice %arg6[%mul3A_144] : memref<1024xf32, #tpu.memory_space<hbm>> -> memref<32xf32, #tpu.memory_space<hbm>>
      tpu.enqueue_dma source(%arg18 : memref<32xf32, #tpu.memory_space<vmem>>) target(%dma_start3A_146 : memref<32xf32, #tpu.memory_space<hbm>>) target_semaphore(%run_scoped3A : memref<!tpu.dma_semaphore, #tpu.memory_space<semaphore_mem>>)
      %dma_wait3A = tpu.memref_slice %arg6[%mul3A_144] : memref<1024xf32, #tpu.memory_space<hbm>> -> memref<32xf32, #tpu.memory_space<hbm>>
      %dma_wait3A_147 = tpu.memref_slice %arg6[%mul3A_144] : memref<1024xf32, #tpu.memory_space<hbm>> -> memref<32xf32, #tpu.memory_space<hbm>>
      tpu.wait_dma2 semaphore(%run_scoped3A : memref<!tpu.dma_semaphore, #tpu.memory_space<semaphore_mem>>) src(%arg18 : memref<32xf32, #tpu.memory_space<vmem>>) dst(%dma_wait3A_147 : memref<32xf32, #tpu.memory_space<hbm>>)
      tpu.yield
    }) : () -> ()
    "tpu.region"() ({
      %run_scoped3A = tpu.sem_alloc : memref<!tpu.dma_semaphore, #tpu.memory_space<semaphore_mem>>
      %dma_start3A_145 = tpu.memref_slice %arg7[%mul3A_144] : memref<1024xf32, #tpu.memory_space<hbm>> -> memref<32xf32, #tpu.memory_space<hbm>>
      %dma_start3A_146 = tpu.memref_slice %arg7[%mul3A_144] : memref<1024xf32, #tpu.memory_space<hbm>> -> memref<32xf32, #tpu.memory_space<hbm>>
      tpu.enqueue_dma source(%arg19 : memref<32xf32, #tpu.memory_space<vmem>>) target(%dma_start3A_146 : memref<32xf32, #tpu.memory_space<hbm>>) target_semaphore(%run_scoped3A : memref<!tpu.dma_semaphore, #tpu.memory_space<semaphore_mem>>)
      %dma_wait3A = tpu.memref_slice %arg7[%mul3A_144] : memref<1024xf32, #tpu.memory_space<hbm>> -> memref<32xf32, #tpu.memory_space<hbm>>
      %dma_wait3A_147 = tpu.memref_slice %arg7[%mul3A_144] : memref<1024xf32, #tpu.memory_space<hbm>> -> memref<32xf32, #tpu.memory_space<hbm>>
      tpu.wait_dma2 semaphore(%run_scoped3A : memref<!tpu.dma_semaphore, #tpu.memory_space<semaphore_mem>>) src(%arg19 : memref<32xf32, #tpu.memory_space<vmem>>) dst(%dma_wait3A_147 : memref<32xf32, #tpu.memory_space<hbm>>)
      tpu.yield
    }) : () -> ()
    "tpu.region"() ({
      %run_scoped3A = tpu.sem_alloc : memref<!tpu.dma_semaphore, #tpu.memory_space<semaphore_mem>>
      %dma_start3A_145 = tpu.memref_slice %arg8[%mul3A_144] : memref<1024xf32, #tpu.memory_space<hbm>> -> memref<32xf32, #tpu.memory_space<hbm>>
      %dma_start3A_146 = tpu.memref_slice %arg8[%mul3A_144] : memref<1024xf32, #tpu.memory_space<hbm>> -> memref<32xf32, #tpu.memory_space<hbm>>
      tpu.enqueue_dma source(%arg20 : memref<32xf32, #tpu.memory_space<vmem>>) target(%dma_start3A_146 : memref<32xf32, #tpu.memory_space<hbm>>) target_semaphore(%run_scoped3A : memref<!tpu.dma_semaphore, #tpu.memory_space<semaphore_mem>>)
      %dma_wait3A = tpu.memref_slice %arg8[%mul3A_144] : memref<1024xf32, #tpu.memory_space<hbm>> -> memref<32xf32, #tpu.memory_space<hbm>>
      %dma_wait3A_147 = tpu.memref_slice %arg8[%mul3A_144] : memref<1024xf32, #tpu.memory_space<hbm>> -> memref<32xf32, #tpu.memory_space<hbm>>
      tpu.wait_dma2 semaphore(%run_scoped3A : memref<!tpu.dma_semaphore, #tpu.memory_space<semaphore_mem>>) src(%arg20 : memref<32xf32, #tpu.memory_space<vmem>>) dst(%dma_wait3A_147 : memref<32xf32, #tpu.memory_space<hbm>>)
      tpu.yield
    }) : () -> ()
    return
  }
}

</mosaic_0001>

<sc_bundles>
// kernel: kernel.3.cloned.1.call-start
scs
__scs_entry_jumppad:
0x0: {  	(pc) =	sbr.rel $0x88, $3  }
0x1: {  	(tag) =	ssettag $0x0;
	lr =	simm.s32 $0x1  }
0x2: {  	[smem:$0x3F9F] =	sst lr;
	_ =	strace $0xD0000000  }
0x3: {  	_ = 	snop  }
0x4: {  	_ = 	snop  }
0x5: {  	_ = 	snop  }
0x6: {  	_ = 	snop  }
0x7: {  	_ = 	snop  }
__scs_overlays_trampoline_lowered:
0x8: {  	[smem:$0x3FAE] =	sst s0  }
0x9: {  	[smem:$0x3FAF] =	sst s1  }
0xa: {  	[smem:$0x3FB0] =	sst s2  }
0xb: {  	[smem:$0x3FB1] =	sst s3  }
0xc: {  	[smem:$0x3FB2] =	sst s4  }
0xd: {  	[smem:$0x3FB3] =	sst s5  }
0xe: {  	[smem:$0x3FB4] =	sst s6  }
0xf: {  	[smem:$0x3FB5] =	sst s7  }
0x10: {  	[smem:$0x3FB6] =	sst s8  }
0x11: {  	[smem:$0x3FB7] =	sst s9;
	s0 =	simm.s32 @!p0 $0x0  }
0x12: {  	s1 =	sld [smem:$0x3F9D];
	s0 =	simm.s32 @p0 $0x1  }
0x13: {  	[smem:$0x3FB8] =	sst s0;
	s0 =	simm.s32 @!p1 $0x0  }
0x14: {  	s2 =	sld [smem:$0x3F9C];
	s0 =	simm.s32 @p1 $0x1  }
0x15: {  	[smem:$0x3FB9] =	sst s0;
	s0 =	simm.s32 @!p2 $0x0  }
0x16: {  	s3 =	sld [smem:$0x3FDB];
	s0 =	simm.s32 @p2 $0x1  }
0x17: {  	s4 =	simm.s32 $0x1BF5;
	[smem:$0x3FBB] =	sst s0  }
0x18: {  	s0 =	sld [smem:$0x3F9E];
	_ =	swait.ge [sflag:s4], $0x0  }
0x19: {  	s7 =	sld [smem:$0x3F9F]  }
0x1a: {  	s8 =	sadd.s32 $0xFFFFE003, lr  }
0x1b: {  	s9 =	sadd.s32 $0xFFFFFEF7, lr;
	s5 =	simm.s32 $0xFFFFFFFF;
	p2 =	slt.u32 s8, $0xFFFFF086  }
0x1c: {  	p1 =	slt.u32 s9, $0xF7A;
	s5 =	simm.s32 @!p2 $0x0  }
0x1d: {  	s5 =	simm.s32 @p1 $0x1;
	p0 =	seq.s32 s7, s2  }
0x1e: {  	s7 =	smul.u32 @!p0 $0xF7A, s2;
	p2 =	seq.s32 @!p0 s5, $0x0  }
0x1f: {  	s9 =	smul.u32 $0xF7A, s1;
	s8 =	simm.s32 @!p0 $0x1BF5;
	p2 =	por !p2, p0  }
0x20: {  	[sflag:s8] =	ssyncset.s32 @!p0 $0xFFFFF086;
	s6 =	sadd.s32 @!p0 s3, s7;
	s7 =	simm.s32 @!p0 $0x108  }
0x21: {  	s3 =	sadd.s32 s3, s9;
	s6 =	sadd.s32 @!p0 $0x88, s6;
	s7 =	simm.s32 @p2 $0x1082  }
0x22: {  	[simem:s7], [sflag:s8] =	dma.local @!p0 [hbm:s6], $0xF7A  }
0x23: {  	s9 =	sor.u32 $0xD0000000, s2;
	s6 =	simm.s32 $0x108;
	_ =	swait.ge @!p0 [sflag:s8], $0x0  }
0x24: {  	s3 =	sadd.s32 $0x88, s3;
	s6 =	simm.s32 @!p1 $0x1082;
	[sflag:s4] =	ssyncset.s32 $0xFFFFF086  }
0x25: {  	[simem:s6], [sflag:s4] =	dma.local [hbm:s3], $0xF7A  }
0x26: {  	[smem:$0x3F9F] =	sst s1;
	(tag) =	ssettag s2;
	_ =	strace s9  }
0x27: {  	s1 =	sld [smem:$0x3FAF]  }
0x28: {  	s2 =	sld [smem:$0x3FB0]  }
0x29: {  	s4 =	sld [smem:$0x3FB2]  }
0x2a: {  	p0 =	seq.s32 s5, $0x0;
	s5 =	sld [smem:$0x3FB3]  }
0x2b: {  	s6 =	sld [smem:$0x3FB4]  }
0x2c: {  	s7 =	sld [smem:$0x3FB5]  }
0x2d: {  	s3 =	simm.s32 $0x108;
	s8 =	sld [smem:$0x3FB6]  }
0x2e: {  	s3 =	simm.s32 @!p0 $0x1082;
	s9 =	sld [smem:$0x3FB7]  }
0x2f: {  	lr =	sadd.s32 s0, s3;
	s0 =	sld [smem:$0x3FAE]  }
0x30: {  	s3 =	sld [smem:$0x3FB1]  }
0x31: {  	[smem:$0x3FBA] =	sst s10  }
0x32: {  	s10 =	sld [smem:$0x3FB8];
	_ =	sdelay $0x3  }
0x33: {  	p0 =	seq.s32 s10, $0x1;
	s10 =	sld [smem:$0x3FBA];
	_ =	sdelay $0x3  }
0x34: {  	[smem:$0x3FBA] =	sst s10  }
0x35: {  	s10 =	sld [smem:$0x3FB9];
	_ =	sdelay $0x3  }
0x36: {  	p1 =	seq.s32 s10, $0x1;
	s10 =	sld [smem:$0x3FBA];
	_ =	sdelay $0x3  }
0x37: {  	[smem:$0x3FBA] =	sst s10  }
0x38: {  	s10 =	sld [smem:$0x3FBB]  }
0x39: {  	_ = 	snop;
	(pc) =	sbr.ind lr, $3  }
0x3a: {  	_ = 	snop  }
0x3b: {  	_ = 	snop  }
0x3c: {  	p2 =	seq.s32 s10, $0x1;
	s10 =	sld [smem:$0x3FBA]  }
0x3d: {  	_ =	shalt  }
0x3e: {  	_ =	shalt  }
0x3f: {  	_ =	shalt  }
0x40: {  	_ =	shalt  }
0x41: {  	_ =	shalt  }
0x42: {  	_ =	shalt  }
0x43: {  	_ =	shalt  }
0x44: {  	_ =	shalt  }
0x45: {  	_ =	shalt  }
0x46: {  	_ =	shalt  }
0x47: {  	_ =	shalt  }
0x48: {  	_ =	shalt  }
0x49: {  	_ =	shalt  }
0x4a: {  	_ =	shalt  }
0x4b: {  	_ =	shalt  }
0x4c: {  	_ =	shalt  }
0x4d: {  	_ =	shalt  }
0x4e: {  	_ =	shalt  }
0x4f: {  	_ =	shalt  }
0x50: {  	_ =	shalt  }
0x51: {  	_ =	shalt  }
0x52: {  	_ =	shalt  }
0x53: {  	_ =	shalt  }
0x54: {  	_ =	shalt  }
0x55: {  	_ =	shalt  }
0x56: {  	_ =	shalt  }
0x57: {  	_ =	shalt  }
0x58: {  	_ =	shalt  }
0x59: {  	_ =	shalt  }
0x5a: {  	_ =	shalt  }
0x5b: {  	_ =	shalt  }
0x5c: {  	_ =	shalt  }
0x5d: {  	_ =	shalt  }
0x5e: {  	_ =	shalt  }
0x5f: {  	_ =	shalt  }
0x60: {  	_ =	shalt  }
0x61: {  	_ =	shalt  }
0x62: {  	_ =	shalt  }
0x63: {  	_ =	shalt  }
0x64: {  	_ =	shalt  }
0x65: {  	_ =	shalt  }
0x66: {  	_ =	shalt  }
0x67: {  	_ =	shalt  }
0x68: {  	_ =	shalt  }
0x69: {  	_ =	shalt  }
0x6a: {  	_ =	shalt  }
0x6b: {  	_ =	shalt  }
0x6c: {  	_ =	shalt  }
0x6d: {  	_ =	shalt  }
0x6e: {  	_ =	shalt  }
0x6f: {  	_ =	shalt  }
0x70: {  	_ =	shalt  }
0x71: {  	_ =	shalt  }
0x72: {  	_ =	shalt  }
0x73: {  	_ =	shalt  }
0x74: {  	_ =	shalt  }
0x75: {  	_ =	shalt  }
0x76: {  	_ =	shalt  }
0x77: {  	_ =	shalt  }
0x78: {  	_ =	shalt  }
0x79: {  	_ =	shalt  }
0x7a: {  	_ =	shalt  }
0x7b: {  	_ =	shalt  }
0x7c: {  	_ =	shalt  }
0x7d: {  	_ =	shalt  }
0x7e: {  	_ =	shalt  }
0x7f: {  	_ =	shalt  }
0x80: {  	_ =	shalt  }
0x81: {  	_ =	shalt  }
0x82: {  	_ =	shalt  }
0x83: {  	_ =	shalt  }
0x84: {  	_ =	shalt  }
0x85: {  	_ =	shalt  }
0x86: {  	_ =	shalt  }
0x87: {  	_ =	shalt  }
.Lfunc_end0:
.L_simem_size_0:
called_computation.1_lowered:
.L_overlay_start_0:
0x88: {  	s2 =	sld [smem:$0x3FD9]  }
0x89: {  	s3 =	sld [smem:$0x3FFE];
	_ =	sdelay $0x1  }
0x8a: {  	s1 =	srdreg.scid  }
0x8b: {  	s0 =	sand.u32 $0x1, s1  }
0x8c: {  	s14 =	sshll.u32 s0, $0xA;
	s2 =	sadd.s32 s3, s2  }
0x8d: {  	s2 =	sadd.s32 s2, s14  }
0x8e: {  	[smem:$0x3FC6] =	sst s2  }
0x8f: {  	_ = 	snop  }
0x90: {  	s2 =	sld [smem:$0x3FD0];
	_ =	sdelay $0x2  }
0x91: {  	s15 =	simm.s32 $0xA;
	s4 =	simm.s32 $0x10  }
0x92: {  	[smem:s4], [sflag:s15] =	dma.local [hbm:s2], $0x1  }
0x93: {  	_ =	swait.eq [sflag:s15], $0x1  }
0x94: {  	s16 =	sld [smem:$0x10]  }
0x95: {  	s17 =	sld [smem:$0x11];
	[sflag:s15] =	ssyncset.done $0x0  }
0x96: {  	s5 =	sld [smem:$0x12];
	[sflag:s15] =	ssyncadd.s32 $0xFFFFFFFF  }
0x97: {  	s18 =	sld [smem:$0x13];
	(tm) =	ssettm $0x1  }
0x98: {  	s6 =	sld [smem:$0x3FFB];
	_ =	sdelay $0x3  }
0x99: {  	_ =	strace s6  }
0x9a: {  	s6 =	sld [smem:$0x3FFC];
	_ =	sdelay $0x3  }
0x9b: {  	_ =	strace s6  }
0x9c: {  	s6 =	sld [smem:$0x3FFD];
	_ =	sdelay $0x3  }
0x9d: {  	_ =	strace s6  }
0x9e: {  	_ =	strace $0x8FFFFFFF  }
0x9f: {  	s19 =	sld [smem:$0x3FDB];
	_ =	sdelay $0x1  }
0xa0: {  	s7 =	simm.s32 $_scs_section_size  }
0xa1: {  	s8 =	simm.s32 $_size__tile_overlayer_lowered;
	s9 =	simm.s32 $_tile_overlayer_lowered  }
0xa2: {  	s22 =	simm.s32 $0x1BFF;
	s21 =	sshll.u32 s9, $0x1;
	s6 =	sadd.s32 s7, s19  }
0xa3: {  	s10 =	simm.s32 $0x0;
	s20 =	sshll.u32 s8, $0x1;
	s8 =	sadd.s32 s21, s6  }
0xa4: {  	[timem:s10], [sflag:s22] =	dma.local [hbm:s8], s20  }
0xa5: {  	_ =	swait.ge [sflag:s22], s20  }
0xa6: {  	s7 =	ssub.s32 $0x0, s20;
	[sflag:s22] =	ssyncset.done $0x0  }
0xa7: {  	[sflag:s22] =	ssyncadd.s32 s7;
	_ =	sdelay $0x1  }
0xa8: {  	s23 =	simm.s32 $0x1B8B  }
0xa9: {  	_ =	swait.ge [sflag:s23], $0x1  }
0xaa: {  	[sflag:s23] =	ssyncset.done $0x0  }
0xab: {  	s25 =	simm.s32 $0x1B8E;
	s24 =	sld [smem:$0x3FFE];
	[sflag:s23] =	ssyncadd.s32 $0xFFFFFFFF  }
0xac: {  	s26 =	simm.s32 $execute0_lowered;
	[smem:$0x3FD2] =	sst s25  }
0xad: {  	s8 =	sshll.u32 s26, $0x1;
	_ =	strace $0x80000049;
	[dreg:$0x1] =	wrdreg $0xFFFFFFFF  }
0xae: {  	s28 =	simm.s32 $_size_execute0_lowered;
	s6 =	sadd.s32 s6, s8;
	[dreg:$0x0] =	wrdreg $0x0  }
0xaf: {  	s8 =	sshll.u32 s28, $0x1;
	[dreg:$0x2] =	wrdreg s6  }
0xb0: {  	[dreg:$0x3] =	wrdreg s8  }
0xb1: {  	[dreg:$0x4] =	wrdreg $0xC0  }
0xb2: {  	_ =	task [dreg:s10], $0x5FFFF  }
0xb3: {  	[dreg:$0x1] =	wrdreg $0xFFFFFFFF  }
0xb4: {  	[dreg:$0x0] =	wrdreg $0x60  }
0xb5: {  	[dreg:$0x2] =	wrdreg s24  }
0xb6: {  	[dreg:$0x3] =	wrdreg s17  }
0xb7: {  	[dreg:$0x4] =	wrdreg s16  }
0xb8: {  	[dreg:$0x5] =	wrdreg s18  }
0xb9: {  	[dreg:$0x6] =	wrdreg s5  }
0xba: {  	[dreg:$0x7] =	wrdreg $0x9  }
0xbb: {  	_ =	task.clear_ibuf [dreg:s10], $0x8FFFF;
	_ =	strace $0x90000049  }
0xbc: {  	s29 =	simm.s32 $0x9;
	_ =	strace $0x8000004B  }
0xbd: {  	_ =	swait.ge [sflag:s29], $0x1  }
0xbe: {  	[sflag:s29] =	ssyncadd.s32 $0xFFFFFFFF  }
0xbf: {  	_ =	strace $0x9000004B  }
0xc0: {  	_ =	sfence  }
0xc1: {  	s30 =	sld [smem:$0x0];
	_ =	sdelay $0x2  }
0xc2: {  	s31 =	sshll.u32 s1, $0xD;
	s1 =	sshrl.u32 s1, $0x2  }
0xc3: {  	s3 =	sand.u32 $0x4000, s31;
	s1 =	sadd.s32 s1, s30  }
0xc4: {  	s0 =	sor.u32 s3, s0;
	s1 =	sshll.u32 s1, $0x11  }
0xc5: {  	s0 =	sor.u32 s1, s0  }
0xc6: {  	s0 =	sadd.s32 $0x8F2B, s0  }
0xc7: {  	[sflag:s0] =	ssyncadd.remote.s32 $0x1  }
0xc8: {  	_ =	sfence.sel $0xFFFF  }
0xc9: {  	[dreg:$0x0] =	wrdreg $0xFFFFFFFF;
	(pc) =	sbr.abs _section_cstart, $3  }
0xca: {  	[dreg:$0x1] =	wrdreg $0xFFFFFFFF  }
0xcb: {  	_ =	task.clear_ibuf [dreg:s10], $0x2FFFF;
	_ =	strace $0x9FFFFFFF  }
0xcc: {  	(tm) =	ssettm $0x7FFFFFFF  }
0xcd: {  	_ =	shalt  }
tec
execute0_lowered:
.L_overlay_start_1:
0x0: {  	(tag) =	ssettag $0x1  }
0x1: {  	s0 =	rddreg [dreg:$0x0]  }
0x2: {  	s1 =	srdreg.scid;
	s3 =	rddreg [dreg:$0x3]  }
0x3: {  	s5 =	stileid.u32;
	s19 =	rddreg [dreg:$0x4]  }
0x4: {  	s6 =	simm.s32 $0x0;
	s29 =	simm.s32 $0x6580;
	s30 =	simm.s32 $0x6600  }
0x5: {  	s31 =	simm.s32 $0x2;
	s1 =	sand.u32 $0x1, s1;
	s4 =	sshll.u32 s5, $0x6  }
0x6: {  	[smem:$0x7FF] =	sst s6;
	s7 =	sadd.s32 $0xC00, s0;
	s2 =	sshll.u32 s1, $0x5  }
0x7: {  	[dreg:$0x6] =	wrdreg s4;
	p1 =	seq.s32 s1, $0x1;
	s1 =	ssub.s32 $0x2, s1  }
0x8: {  	s9 =	sor.u32 s2, s4;
	s4 =	simm.s32 $0x1;
	_ =	strace $0x8000004A  }
0x9: {  	s20 =	sshrl.u32 s1, $0x1;
	p0 =	seq.s32 s9, $0x0;
	s10 =	sshrl.u32 s9, $0x3  }
0xa: {  	[dreg:$0x7] =	wrdreg s9;
	s1 =	ssub.s32 s1, s20;
	s20 =	simm.s32 $0x6300  }
0xb: {  	p0 =	por !p0, !p1;
	s0 =	sadd.s32 s10, s0;
	s3 =	sadd.s32 s3, s10  }
0xc: {  	s2 =	sadd.s32 s19, s10;
	s28 =	smax.u32 s1, $0x1;
	[dreg:$0xe] =	wrdreg s3  }
0xd: {  	s1 =	simm.s32 $0x3;
	p0 =	por !p0, !p0;
	[dreg:$0xf] =	wrdreg s2  }
0xe: {  	s26 =	sadd.s32 $0x180C00, s0;
	s0 =	sadd.s32 $0x180E00, s0;
	s4 =	simm.s32 @!p0 $0x0  }
0xf: {  	[dreg:$0x12] =	wrdreg s28;
	s4 =	ssub.s32 s5, s4;
	s5 =	smul.u32 $0xC0, s5  }
0x10: {  	[dreg:$0x10] =	wrdreg s26;
	s8 =	sshll.u32 s4, $0x6;
	s4 =	smul.u32 $0xC0, s4  }
0x11: {  	s2 =	simm.s32 $0x6480;
	[dreg:$0x11] =	wrdreg s0;
	s8 =	ssub.s32 s9, s8  }
0x12: {  	s24 =	sadd.s32 $0x40, s5;
	[dreg:$0x8] =	wrdreg s5;
	s4 =	sadd.s32 s4, s8  }
0x13: {  	s25 =	sadd.s32 $0x80, s5;
	[dreg:$0xc] =	wrdreg s24;
	s4 =	sshll.u32 s4, $0x9  }
0x14: {  	[dreg:$0xd] =	wrdreg s25;
	s11 =	sand.u32 $0x1FFFC000, s4;
	s21 =	sadd.s32 $0x8000, s4  }
0x15: {  	s4 =	sadd.s32 $0x10000, s4;
	s12 =	sand.u32 $0x1FFFC000, s21;
	s22 =	sadd.s32 s7, s11  }
0x16: {  	v0 =	vimm.s32 $0x1008;
	vm0 =	vcmask $0x300;
	s4 =	sand.u32 $0x1FFFC000, s4;
	[dreg:$0x9] =	wrdreg s22;
	s23 =	sadd.s32 s7, s12  }
0x17: {  	v1 =	vimm.f32 $0.0e+00;
	v2 =	vlaneseq.u32;
	vm1 =	vcmask $0x308;
	s3 =	simm.s32 $0x0;
	s4 =	sadd.s32 s7, s4;
	[dreg:$0xa] =	wrdreg s23  }
0x18: {  	vm2 =	vcmask $0x70C;
	v0 =	vsel vm0, $0x7, v0;
	vm0 =	vcmask $0x3F08;
	s8 =	simm.s32 $0x1;
	s22 =	simm.s32 $0x6500;
	[dreg:$0xb] =	wrdreg s4  }
.LBB2_1:
0x19: {  	[dreg:$0x13] =	wrdreg s3  }
0x1a: {  	s0 =	rddreg [dreg:$0x1]  }
0x1b: {  	[tilespmem:s20], [sflag:$0x3] =	stream.linear.gather [hbm4b:s0+s6], $0x100, $0x38;
	[tilespmem:$0x6680] =	vst v63  }
0x1c: {  	_ =	swait.ge [sflag:s1], $0x100  }
0x1d: {  	[sflag:s1] =	ssyncset.done $0x0  }
0x1e: {  	[sflag:s1] =	ssyncadd.s32 $0xFFFFFF00  }
0x1f: {  	s14 =	simm.s32 $0x6400;
	s13 =	rddreg [dreg:$0x2]  }
0x20: {  	[tilespmem:s14], [sflag:$0x3] =	stream.linear.gather [hbm4b:s13+s6], $0x80, $0x38;
	[tilespmem:$0x6680] =	vst v63  }
0x21: {  	_ =	swait.ge [sflag:s1], $0x80  }
0x22: {  	[sflag:s1] =	ssyncset.done $0x0  }
0x23: {  	[sflag:s1] =	ssyncadd.s32 $0xFFFFFF80  }
0x24: {  	v3 =	vld [tilespmem:$0x6400];
	_ =	sdelay $0x4  }
0x25: {  	(xrf0) =	vmax.scan.msk.f32 $0xffff, v3;
	_ =	sdelay $0x5  }
0x26: {  	v3, _, _ =	vpop (xrf0)  }
0x27: {  	(v2sf) =	vpush v3, $0xF;
	_ =	sdelay $0x3  }
0x28: {  	s15 =	simm.s32 $0x1080;
	[tilespmem:v0+s6+$0x0] =	vst.idx.msk $0x3, v1  }
0x29: {  	s16 =	simm.s32 $0x2100;
	[tilespmem:v0+s15+$0x0] =	vst.idx.msk $0x3, v1  }
0x2a: {  	s17 =	simm.s32 $0x3180;
	[tilespmem:v0+s16+$0x0] =	vst.idx.msk $0x3, v1  }
0x2b: {  	s18 =	simm.s32 $0x4200;
	[tilespmem:v0+s17+$0x0] =	vst.idx.msk $0x3, v1  }
0x2c: {  	s19 =	simm.s32 $0x5280;
	[tilespmem:v0+s18+$0x0] =	vst.idx.msk $0x3, v1  }
0x2d: {  	s23 =	simm.s32 $0x8;
	s21 =	rddreg [dreg:$0x9];
	[tilespmem:v0+s19+$0x0] =	vst.idx.msk $0x3, v1  }
0x2e: {  	[tilespmem:s23], [sflag:$0x1] =	stream.linear.gather [hbm4b:s21+s6], $0x1000, $0x38;
	[tilespmem:$0x6680] =	vst v63  }
0x2f: {  	s25 =	simm.s32 $0x1088;
	s24 =	rddreg [dreg:$0xa]  }
0x30: {  	[tilespmem:s25], [sflag:$0x1] =	stream.linear.gather [hbm4b:s24+s6], $0x1000, $0x38;
	[tilespmem:$0x6680] =	vst v63  }
0x31: {  	s28 =	simm.s32 $0x2108;
	s26 =	rddreg [dreg:$0xb]  }
0x32: {  	[tilespmem:s28], [sflag:$0x1] =	stream.linear.gather [hbm4b:s26+s6], $0x1000, $0x38;
	[tilespmem:$0x6680] =	vst v63  }
0x33: {  	s12 =	simm.s32 $0x0;
	s11 =	spop (v2sf)  }
.LBB2_2:
0x34: {  	_ =	swait.ge [sflag:s8], $0x1000  }
0x35: {  	[sflag:s8] =	ssyncset.done $0x0  }
0x36: {  	s15 =	sshll.u32 s12, $0x1;
	s0 =	rddreg [dreg:$0x7];
	[sflag:s8] =	ssyncadd.s32 $0xFFFFF000  }
0x37: {  	s16 =	sor.u32 s0, s15;
	_ =	swait.ge [sflag:s8], $0x1000  }
0x38: {  	s0 =	sor.u32 $0x1, s16;
	s1 =	rddreg [dreg:$0x6]  }
0x39: {  	[sflag:s8] =	ssyncset.done $0x0;
	s23 =	rddreg [dreg:$0x8];
	s0 =	ssub.s32 s0, s1  }
0x3a: {  	[sflag:s8] =	ssyncadd.s32 $0xFFFFF000;
	s1 =	sadd.s32 s23, s0  }
0x3b: {  	s3 =	simm.s32 $0x3188;
	_ =	swait.ge [sflag:s8], $0x1000;
	s1 =	sshll.u32 s1, $0x9  }
0x3c: {  	s25 =	simm.s32 $0x4208;
	[sflag:s8] =	ssyncset.done $0x0;
	s1 =	sand.u32 $0x1FFFFE00, s1  }
0x3d: {  	s24 =	rddreg [dreg:$0xc];
	[sflag:s8] =	ssyncadd.s32 $0xFFFFF000;
	s1 =	sadd.s32 s7, s1  }
0x3e: {  	[tilespmem:s3], [sflag:$0x2] =	stream.linear.gather [hbm4b:s1+s6], $0x1000, $0x38;
	[tilespmem:$0x6680] =	vst v63  }
0x3f: {  	s28 =	simm.s32 $0x5288;
	s26 =	rddreg [dreg:$0xd];
	s1 =	sadd.s32 s24, s0  }
0x40: {  	s17 =	simm.s32 $0xFFFFFFF8;
	s0 =	sadd.s32 s26, s0;
	s1 =	sshll.u32 s1, $0x9  }
0x41: {  	s18 =	simm.s32 $0x70;
	s0 =	sshll.u32 s0, $0x9;
	s1 =	sand.u32 $0x1FFFFE00, s1  }
0x42: {  	s19 =	simm.s32 $0x47;
	s0 =	sand.u32 $0x1FFFFE00, s0;
	s1 =	sadd.s32 s7, s1  }
0x43: {  	v3 =	vimm.f32 $0.0e+00;
	v5 =	vlaneseq.u32;
	v4 =	vimm.f32 $0.0e+00;
	[tilespmem:s25], [sflag:$0x2] =	stream.linear.gather [hbm4b:s1+s6], $0x1000, $0x38;
	[tilespmem:$0x6680] =	vst v63  }
0x44: {  	v7 =	vlaneseq.u32;
	v6 =	vimm.f32 $0.0e+00;
	v8 =	vimm.f32 $0.0e+00;
	s10 =	simm.s32 $0x10C7;
	s21 =	simm.s32 $0x2147;
	s0 =	sadd.s32 s7, s0  }
0x45: {  	v11 =	vlaneseq.u32;
	v10 =	vimm.f32 $0.0e+00;
	v9 =	vimm.f32 $0.0e+00;
	[tilespmem:s28], [sflag:$0x2] =	stream.linear.gather [hbm4b:s0+s6], $0x1000, $0x38;
	[tilespmem:$0x6680] =	vst v63  }
.LBB2_3:
0x46: {  	v12 =	vld [tilespmem:s19+$0xFFFFFFC0]  }
0x47: {  	v13 =	vld [tilespmem:s19+$0xFFFFFFC2]  }
0x48: {  	v14 =	vld [tilespmem:s19+$0xFFFFFFC1]  }
0x49: {  	v15 =	vld [tilespmem:s10+$0xFFFFFFC0]  }
0x4a: {  	v16 =	vld [tilespmem:s10+$0xFFFFFFC1]  }
0x4b: {  	v17 =	vld [tilespmem:s10+$0xFFFFFFC2]  }
0x4c: {  	v18 =	vld [tilespmem:s21+$0xFFFFFFC1]  }
0x4d: {  	v58 =	vld [tilespmem:s19+$0xFFFFFFD0]  }
0x4e: {  	v21 =	vld [tilespmem:s19+$0xFFFFFFD2]  }
0x4f: {  	v59 =	vld [tilespmem:s19+$0xFFFFFFD1]  }
0x50: {  	v33 =	vld [tilespmem:s21+$0xFFFFFFD1]  }
0x51: {  	v36 =	vld [tilespmem:s19+$0xFFFFFFE0]  }
0x52: {  	s0 =	sadd.s32 $0xFFFFFF90, s18;
	s14 =	sadd.s32 $0xFFFFFFA0, s18;
	v40 =	vld [tilespmem:s19+$0xFFFFFFE1]  }
0x53: {  	v45 =	vld [tilespmem:s10+$0xFFFFFFE1];
	s23 =	sadd.s32 $0xFFFFFFB0, s18;
	v19 =	vor.u32 s0, v2;
	v34 =	vor.u32 s14, v2  }
0x54: {  	v56 =	vld [tilespmem:s21+$0xFFFFFFC0];
	v49 =	vor.u32 s23, v2;
	v12 =	vand.u32 $0x7FFFFFFF, v12;
	v13 =	vand.u32 $0x7FFFFFFF, v13  }
0x55: {  	v57 =	vld [tilespmem:s21+$0xFFFFFFC2];
	v14 =	vand.u32 $0x7FFFFFFF, v14;
	v15 =	vand.u32 $0x7FFFFFFF, v15;
	v16 =	vand.u32 $0x7FFFFFFF, v16  }
0x56: {  	v30 =	vld [tilespmem:s21+$0xFFFFFFD0];
	v17 =	vand.u32 $0x7FFFFFFF, v17;
	v60 =	vand.u32 $0x7FFFFFFF, v18;
	v26 =	vand.u32 $0x7FFFFFFF, v58  }
0x57: {  	v27 =	vand.u32 $0x7FFFFFFF, v21;
	v29 =	vand.u32 $0x7FFFFFFF, v59;
	v37 =	vand.u32 $0x7FFFFFFF, v33  }
0x58: {  	v62 =	vld [tilespmem:s10+$0xFFFFFFD0];
	s25 =	sadd.s32 $0xFFFFFFD0, s18;
	v46 =	vand.u32 $0x7FFFFFFF, v36;
	v47 =	vand.u32 $0x7FFFFFFF, v40;
	v18 =	vand.u32 $0x7FFFFFFF, v45  }
0x59: {  	v28 =	vld [tilespmem:s10+$0xFFFFFFD2];
	v45 =	vor.u32 s25, v2;
	v12 =	vmax.f32 v12, v13;
	v15 =	vmax.f32 v15, v17  }
0x5a: {  	v25 =	vld [tilespmem:s10+$0xFFFFFFD1];
	v13 =	vand.u32 $0x7FFFFFFF, v56;
	vm3 =	vge.f32 v14, v12;
	v12 =	vand.u32 $0x7FFFFFFF, v57  }
0x5b: {  	v17 =	vand.u32 $0x7FFFFFFF, v30;
	v30 =	vld [tilespmem:s19+$0x1];
	v14 =	vnsel vm3, $0x0, v14;
	v12 =	vmax.f32 v13, v12  }
0x5c: {  	vm3 =	vgt.f32 v14, v9;
	v20 =	vmin.f32 v14, v9;
	v9 =	vmax.f32 v9, v14  }
0x5d: {  	s24 =	sadd.s32 $0xFFFFFFC0, s18;
	v10 =	vmax.f32 v10, v20;
	v11 =	vsel vm3, v19, v11;
	vm3 =	vge.f32 v16, v15  }
0x5e: {  	v32 =	vld [tilespmem:s21+$0xFFFFFFD2];
	v15 =	vmax.f32 v26, v27;
	v20 =	vand.u32 $0x7FFFFFFF, v28;
	v26 =	vor.u32 s24, v2  }
0x5f: {  	v61 =	vnsel vm3, $0x0, v16;
	vm3 =	vge.f32 v60, v12;
	v12 =	vand.u32 $0x7FFFFFFF, v62  }
0x60: {  	v38 =	vld [tilespmem:s19+$0xFFFFFFE2];
	v16 =	vand.u32 $0x7FFFFFFF, v25;
	v40 =	vand.u32 $0x7FFFFFFF, v30;
	v63 =	vnsel vm3, $0x0, v60  }
0x61: {  	v42 =	vld [tilespmem:s10+$0xFFFFFFE0];
	vm3 =	vgt.f32 v61, v8;
	v24 =	vmin.f32 v61, v8;
	v8 =	vmax.f32 v8, v61  }
0x62: {  	v43 =	vld [tilespmem:s10+$0xFFFFFFE2];
	v12 =	vmax.f32 v12, v20;
	v6 =	vmax.f32 v6, v24;
	v7 =	vsel vm3, v19, v7  }
0x63: {  	v51 =	vld [tilespmem:s21+$0xFFFFFFE1];
	v31 =	vmin.f32 v63, v4;
	vm3 =	vge.f32 v29, v15;
	v15 =	vand.u32 $0x7FFFFFFF, v32  }
0x64: {  	v25 =	vld [tilespmem:s21+$0xFFFFFFF1];
	v13 =	vnsel vm3, $0x0, v29;
	vm3 =	vgt.f32 v63, v4;
	v3 =	vmax.f32 v3, v31  }
0x65: {  	v48 =	vld [tilespmem:s21+$0xFFFFFFE0];
	v4 =	vmax.f32 v4, v63;
	v15 =	vmax.f32 v17, v15;
	v17 =	vand.u32 $0x7FFFFFFF, v38  }
0x66: {  	v60 =	vld [tilespmem:s10+$0xFFFFFFF2];
	v5 =	vsel vm3, v19, v5;
	vm3 =	vgt.f32 v13, v9;
	v35 =	vmin.f32 v13, v9  }
0x67: {  	v52 =	vld [tilespmem:s19+$0xFFFFFFF0];
	v9 =	vmax.f32 v9, v13;
	v14 =	vmax.f32 v46, v17;
	v13 =	vand.u32 $0x7FFFFFFF, v43  }
0x68: {  	v28 =	vld [tilespmem:s19+$0x0];
	v19 =	vand.u32 $0x7FFFFFFF, v51;
	v11 =	vsel vm3, v34, v11;
	vm3 =	vge.f32 v16, v12  }
0x69: {  	v10 =	vmax.f32 v10, v35;
	v31 =	vand.u32 $0x7FFFFFFF, v25;
	v39 =	vnsel vm3, $0x0, v16  }
0x6a: {  	s26 =	sadd.s32 $0xFFFFFFE0, s18;
	v29 =	vld [tilespmem:s19+$0x2];
	vm3 =	vge.f32 v37, v15;
	v16 =	vand.u32 $0x7FFFFFFF, v42;
	v15 =	vand.u32 $0x7FFFFFFF, v48  }
0x6b: {  	v50 =	vld [tilespmem:s21+$0xFFFFFFE2];
	v20 =	vand.u32 $0x7FFFFFFF, v60;
	v60 =	vor.u32 s26, v2;
	v41 =	vmin.f32 v39, v8  }
0x6c: {  	v58 =	vld [tilespmem:s10+$0xFFFFFFF0];
	v12 =	vnsel vm3, $0x0, v37;
	vm3 =	vgt.f32 v39, v8;
	v8 =	vmax.f32 v8, v39  }
0x6d: {  	v51 =	vld [tilespmem:s19+$0x11];
	v13 =	vmax.f32 v16, v13;
	v16 =	vand.u32 $0x7FFFFFFF, v52;
	v37 =	vand.u32 $0x7FFFFFFF, v28  }
0x6e: {  	v54 =	vld [tilespmem:s19+$0xFFFFFFF2];
	v6 =	vmax.f32 v6, v41;
	v7 =	vsel vm3, v34, v7;
	vm3 =	vgt.f32 v12, v4  }
0x6f: {  	v56 =	vld [tilespmem:s19+$0xFFFFFFF1];
	v44 =	vmin.f32 v12, v4;
	v4 =	vmax.f32 v4, v12;
	v38 =	vand.u32 $0x7FFFFFFF, v29  }
0x70: {  	v61 =	vld [tilespmem:s21+$0xFFFFFFF0];
	v5 =	vsel vm3, v34, v5;
	vm3 =	vge.f32 v47, v14;
	v14 =	vand.u32 $0x7FFFFFFF, v50  }
0x71: {  	v41 =	vld [tilespmem:s21+$0x0];
	v3 =	vmax.f32 v3, v44;
	v12 =	vnsel vm3, $0x0, v47;
	v14 =	vmax.f32 v15, v14  }
0x72: {  	v15 =	vand.u32 $0x7FFFFFFF, v58;
	v58 =	vand.u32 $0x7FFFFFFF, v51;
	vm3 =	vgt.f32 v12, v9  }
0x73: {  	v44 =	vld [tilespmem:s21+$0x1];
	v53 =	vmin.f32 v12, v9;
	v9 =	vmax.f32 v9, v12;
	v15 =	vmax.f32 v15, v20  }
0x74: {  	v59 =	vld [tilespmem:s10+$0xFFFFFFF1];
	v11 =	vsel vm3, v49, v11;
	vm3 =	vge.f32 v18, v13;
	v10 =	vmax.f32 v10, v53  }
0x75: {  	v47 =	vld [tilespmem:s19+$0x10];
	v13 =	vand.u32 $0x7FFFFFFF, v54;
	v55 =	vnsel vm3, $0x0, v18;
	v18 =	vand.u32 $0x7FFFFFFF, v56  }
0x76: {  	v39 =	vld [tilespmem:s10+$0x2];
	v13 =	vmax.f32 v16, v13;
	v16 =	vand.u32 $0x7FFFFFFF, v61;
	v17 =	vand.u32 $0x7FFFFFFF, v41  }
0x77: {  	v63 =	vld [tilespmem:s21+$0xFFFFFFF2];
	vm3 =	vgt.f32 v55, v8;
	v57 =	vmin.f32 v55, v8;
	v8 =	vmax.f32 v8, v55  }
0x78: {  	v56 =	vld [tilespmem:s10+$0x11];
	v48 =	vand.u32 $0x7FFFFFFF, v44;
	v7 =	vsel vm3, v49, v7;
	vm3 =	vge.f32 v19, v14  }
0x79: {  	v36 =	vld [tilespmem:s10+$0x1];
	v6 =	vmax.f32 v6, v57;
	v14 =	vand.u32 $0x7FFFFFFF, v59;
	v19 =	vnsel vm3, $0x0, v19  }
0x7a: {  	v57 =	vand.u32 $0x7FFFFFFF, v47;
	vm3 =	vgt.f32 v19, v4;
	v62 =	vmin.f32 v19, v4  }
0x7b: {  	v4 =	vmax.f32 v4, v19;
	v19 =	vand.u32 $0x7FFFFFFF, v39;
	v5 =	vsel vm3, v49, v5  }
0x7c: {  	v33 =	vld [tilespmem:s10+$0x0];
	vm3 =	vge.f32 v18, v13;
	v3 =	vmax.f32 v3, v62;
	v13 =	vand.u32 $0x7FFFFFFF, v63  }
0x7d: {  	v63 =	vand.u32 $0x7FFFFFFF, v56;
	v24 =	vnsel vm3, $0x0, v18;
	v13 =	vmax.f32 v16, v13  }
0x7e: {  	v62 =	vld [tilespmem:s21+$0x11];
	v16 =	vand.u32 $0x7FFFFFFF, v36;
	vm3 =	vgt.f32 v24, v9;
	v27 =	vmin.f32 v24, v9  }
0x7f: {  	s28 =	sadd.s32 $0xFFFFFFF0, s18;
	v28 =	vld [tilespmem:s19+$0x21];
	v9 =	vmax.f32 v9, v24;
	v10 =	vmax.f32 v10, v27;
	v11 =	vsel vm3, v26, v11  }
0x80: {  	v43 =	vld [tilespmem:s21+$0x2];
	vm3 =	vge.f32 v14, v15;
	v15 =	vmax.f32 v37, v38;
	v38 =	vor.u32 s28, v2  }
0x81: {  	v32 =	vnsel vm3, $0x0, v14;
	vm3 =	vge.f32 v31, v13;
	v13 =	vand.u32 $0x7FFFFFFF, v33  }
0x82: {  	v49 =	vld [tilespmem:s19+$0x12];
	v34 =	vnsel vm3, $0x0, v31;
	vm3 =	vgt.f32 v32, v8;
	v35 =	vmin.f32 v32, v8  }
0x83: {  	v53 =	vld [tilespmem:s10+$0x10];
	v8 =	vmax.f32 v8, v32;
	v13 =	vmax.f32 v13, v19;
	v18 =	vand.u32 $0x7FFFFFFF, v62  }
0x84: {  	v54 =	vld [tilespmem:s10+$0x12];
	v19 =	vand.u32 $0x7FFFFFFF, v28;
	v6 =	vmax.f32 v6, v35;
	v7 =	vsel vm3, v26, v7  }
0x85: {  	v37 =	vld [tilespmem:s21+$0x21];
	v42 =	vmin.f32 v34, v4;
	vm3 =	vge.f32 v40, v15;
	v15 =	vand.u32 $0x7FFFFFFF, v43  }
0x86: {  	v59 =	vld [tilespmem:s21+$0x10];
	v12 =	vnsel vm3, $0x0, v40;
	vm3 =	vgt.f32 v34, v4;
	v3 =	vmax.f32 v3, v42  }
0x87: {  	v32 =	vld [tilespmem:s10+$0x22];
	v4 =	vmax.f32 v4, v34;
	v15 =	vmax.f32 v17, v15;
	v17 =	vand.u32 $0x7FFFFFFF, v49  }
0x88: {  	v5 =	vsel vm3, v26, v5;
	vm3 =	vgt.f32 v12, v9;
	v46 =	vmin.f32 v12, v9  }
0x89: {  	v41 =	vld [tilespmem:s19+$0x32];
	v9 =	vmax.f32 v9, v12;
	v14 =	vmax.f32 v57, v17;
	v12 =	vand.u32 $0x7FFFFFFF, v54  }
0x8a: {  	v24 =	vld [tilespmem:s19+$0x20];
	v43 =	vand.u32 $0x7FFFFFFF, v37;
	v11 =	vsel vm3, v45, v11;
	vm3 =	vge.f32 v16, v13  }
0x8b: {  	v40 =	vld [tilespmem:s19+$0x30];
	v10 =	vmax.f32 v10, v46;
	v50 =	vnsel vm3, $0x0, v16;
	vm3 =	vge.f32 v48, v15  }
0x8c: {  	v42 =	vld [tilespmem:s19+$0x31];
	v16 =	vand.u32 $0x7FFFFFFF, v53;
	v15 =	vand.u32 $0x7FFFFFFF, v59;
	v20 =	vand.u32 $0x7FFFFFFF, v32  }
0x8d: {  	v61 =	vld [tilespmem:s21+$0x12];
	v59 =	vor.u32 s18, v2;
	v52 =	vmin.f32 v50, v8;
	v13 =	vnsel vm3, $0x0, v48  }
0x8e: {  	vm3 =	vgt.f32 v50, v8;
	v8 =	vmax.f32 v8, v50;
	v12 =	vmax.f32 v16, v12  }
0x8f: {  	v30 =	vld [tilespmem:s10+$0x20];
	v16 =	vand.u32 $0x7FFFFFFF, v24;
	v50 =	vand.u32 $0x7FFFFFFF, v41;
	v6 =	vmax.f32 v6, v52  }
0x90: {  	v7 =	vsel vm3, v45, v7;
	vm3 =	vgt.f32 v13, v4;
	v55 =	vmin.f32 v13, v4  }
0x91: {  	v26 =	vld [tilespmem:s19+$0x22];
	v4 =	vmax.f32 v4, v13;
	v49 =	vand.u32 $0x7FFFFFFF, v40;
	v52 =	vand.u32 $0x7FFFFFFF, v42  }
0x92: {  	v48 =	vld [tilespmem:s10+$0x32];
	v5 =	vsel vm3, v45, v5;
	vm3 =	vge.f32 v58, v14;
	v14 =	vand.u32 $0x7FFFFFFF, v61  }
0x93: {  	v33 =	vld [tilespmem:s21+$0x20];
	v3 =	vmax.f32 v3, v55;
	v13 =	vnsel vm3, $0x0, v58;
	v14 =	vmax.f32 v15, v14  }
0x94: {  	v15 =	vand.u32 $0x7FFFFFFF, v30;
	vm3 =	vgt.f32 v13, v9;
	v25 =	vmin.f32 v13, v9  }
0x95: {  	v55 =	vld [tilespmem:s21+$0x32];
	v9 =	vmax.f32 v9, v13;
	v15 =	vmax.f32 v15, v20;
	v11 =	vsel vm3, v60, v11  }
0x96: {  	v31 =	vld [tilespmem:s10+$0x21];
	vm3 =	vge.f32 v63, v12;
	v10 =	vmax.f32 v10, v25;
	v12 =	vand.u32 $0x7FFFFFFF, v26  }
0x97: {  	v51 =	vld [tilespmem:s10+$0x31];
	v56 =	vand.u32 $0x7FFFFFFF, v48;
	v27 =	vnsel vm3, $0x0, v63;
	v12 =	vmax.f32 v16, v12  }
0x98: {  	v35 =	vld [tilespmem:s21+$0x22];
	v16 =	vand.u32 $0x7FFFFFFF, v33;
	vm3 =	vgt.f32 v27, v8;
	v29 =	vmin.f32 v27, v8  }
0x99: {  	v54 =	vld [tilespmem:s21+$0x30];
	v8 =	vmax.f32 v8, v27;
	v7 =	vsel vm3, v60, v7;
	vm3 =	vge.f32 v18, v14  }
0x9a: {  	v57 =	vld [tilespmem:s21+$0x31];
	v61 =	vand.u32 $0x7FFFFFFF, v55;
	v6 =	vmax.f32 v6, v29;
	v18 =	vnsel vm3, $0x0, v18  }
0x9b: {  	v14 =	vand.u32 $0x7FFFFFFF, v31;
	vm3 =	vgt.f32 v18, v4;
	v34 =	vmin.f32 v18, v4  }
0x9c: {  	v4 =	vmax.f32 v4, v18;
	v18 =	vand.u32 $0x7FFFFFFF, v51;
	v5 =	vsel vm3, v60, v5  }
0x9d: {  	v45 =	vld [tilespmem:s10+$0x30];
	vm3 =	vge.f32 v19, v12;
	v3 =	vmax.f32 v3, v34;
	v12 =	vand.u32 $0x7FFFFFFF, v35  }
0x9e: {  	v60 =	vand.u32 $0x7FFFFFFF, v54;
	v36 =	vnsel vm3, $0x0, v19;
	v12 =	vmax.f32 v16, v12  }
0x9f: {  	v16 =	vand.u32 $0x7FFFFFFF, v57;
	vm3 =	vgt.f32 v36, v9;
	v39 =	vmin.f32 v36, v9  }
0xa0: {  	v9 =	vmax.f32 v9, v36;
	v11 =	vsel vm3, v38, v11;
	vm3 =	vge.f32 v14, v15  }
0xa1: {  	v10 =	vmax.f32 v10, v39;
	v15 =	vmax.f32 v49, v50;
	v44 =	vnsel vm3, $0x0, v14  }
0xa2: {  	vm3 =	vge.f32 v43, v12;
	v12 =	vand.u32 $0x7FFFFFFF, v45;
	v14 =	vmax.f32 v60, v61  }
0xa3: {  	v46 =	vnsel vm3, $0x0, v43;
	vm3 =	vgt.f32 v44, v8;
	v47 =	vmin.f32 v44, v8  }
0xa4: {  	v8 =	vmax.f32 v8, v44;
	v12 =	vmax.f32 v12, v56;
	v6 =	vmax.f32 v6, v47  }
0xa5: {  	v7 =	vsel vm3, v38, v7;
	v53 =	vmin.f32 v46, v4;
	vm3 =	vge.f32 v52, v15  }
0xa6: {  	v13 =	vnsel vm3, $0x0, v52;
	vm3 =	vgt.f32 v46, v4;
	v3 =	vmax.f32 v3, v53  }
0xa7: {  	s17 =	sadd.s32 $0x8, s17;
	v58 =	vmin.f32 v13, v9;
	v5 =	vsel vm3, v38, v5;
	vm3 =	vge.f32 v18, v12  }
0xa8: {  	p0 =	slt.u32 s17, $0xF8;
	v4 =	vmax.f32 v4, v46;
	v10 =	vmax.f32 v10, v58;
	v12 =	vnsel vm3, $0x0, v18  }
.Ltmp0:
0xa9: {  	vm3 =	vgt.f32 v13, v9;
	v9 =	vmax.f32 v9, v13;
	v62 =	vmin.f32 v12, v8;
	(pc) =	sbr.rel @p0 .LBB2_3-.Ltmp0, $4  }
0xaa: {  	v11 =	vsel vm3, v59, v11;
	vm3 =	vge.f32 v16, v14;
	v6 =	vmax.f32 v6, v62  }
0xab: {  	v14 =	vnsel vm3, $0x0, v16;
	vm3 =	vgt.f32 v12, v8;
	v8 =	vmax.f32 v8, v12  }
0xac: {  	s19 =	sadd.s32 $0x80, s19;
	v7 =	vsel vm3, v59, v7;
	vm3 =	vgt.f32 v14, v4;
	v63 =	vmin.f32 v14, v4  }
0xad: {  	s18 =	sadd.s32 $0x80, s18;
	s10 =	sadd.s32 $0x80, s10;
	s21 =	sadd.s32 $0x80, s21;
	v4 =	vmax.f32 v4, v14;
	v3 =	vmax.f32 v3, v63;
	v5 =	vsel vm3, v59, v5  }
0xae: {  	(xrf0) =	vmax.scan.msk.f32 $0xffff, v9;
	_ =	sdelay $0x5  }
0xaf: {  	v12, _, _ =	vpop (xrf0)  }
0xb0: {  	v13 =	vbroadcast v12, $0xF;
	_ =	sdelay $0x1  }
0xb1: {  	vm3 =	veq.f32 v9, v13;
	v13 =	vxor.u32 $0x80000000, v11  }
0xb2: {  	v13 =	vnsel vm3, $0x80001000, v13  }
0xb3: {  	(xrf0) =	vmin.scan.msk.u32 $0xffff, v13;
	_ =	sdelay $0x5  }
0xb4: {  	v13, _, _ =	vpop (xrf0)  }
0xb5: {  	(v2sf) =	vpush v13, $0xF;
	_ =	sdelay $0xe  }
0xb6: {  	s0 =	spop (v2sf)  }
0xb7: {  	s1 =	sadd.s32 $0x80000001, s0  }
0xb8: {  	s10 =	sxor.u32 $0x80000000, s0;
	s0 =	sadd.s32 $0x7FFFFFFF, s0;
	p0 =	slt.s32 s1, $0xFFF  }
0xb9: {  	v13 =	vlaneseq.u32;
	v15 =	vmov s10;
	s1 =	simm.s32 @!p0 $0xFFF;
	p0 =	sgt.s32 s0, $0x0  }
0xba: {  	vm4 =	veq.s32 v13, $0x0;
	s0 =	simm.s32 @!p0 $0x0;
	v14 =	vsel vm0, s1, v15  }
0xbb: {  	v14 =	vsel vm4, s0, v14  }
0xbc: {  	v14 =	vadd.s32 $0x8, v14;
	_ =	sdelay $0x3  }
0xbd: {  	s19 =	simm.s32 $0x0  }
0xbe: {  	v14 =	vld.idx.msk [tilespmem:v14+s19+$0x0], $0xffff;
	_ =	sdelay $0x4  }
0xbf: {  	vm3 =	vmmov $0x1;
	v14 =	vand.u32 $0x7FFFFFFF, v14  }
0xc0: {  	v16 =	vnsel vm3, $0xBF800000, v14  }
0xc1: {  	(xrf0) =	vmax.scan.msk.f32 $0xffff, v16;
	v16 =	vsel vm1, $0xBF800000, v14  }
0xc2: {  	v14 =	vsel vm2, $0xBF800000, v14;
	(xrf0) =	vmax.scan.msk.f32 $0xffff, v16  }
0xc3: {  	(xrf0) =	vmax.scan.msk.f32 $0xffff, v14  }
0xc4: {  	(xrf0) =	vmax.scan.msk.f32 $0xffff, v8;
	_ =	sdelay $0x2  }
0xc5: {  	v16, _, _ =	vpop (xrf0)  }
0xc6: {  	v17, _, _ =	vpop (xrf0)  }
0xc7: {  	v18, _, _ =	vpop (xrf0)  }
0xc8: {  	v14, _, _ =	vpop (xrf0)  }
0xc9: {  	v19 =	vbroadcast v14, $0xF;
	_ =	sdelay $0x1  }
0xca: {  	vm5 =	veq.f32 v8, v19;
	v19 =	vxor.u32 $0x80000000, v7  }
0xcb: {  	v19 =	vnsel vm5, $0x80001000, v19  }
0xcc: {  	(xrf0) =	vmin.scan.msk.u32 $0xffff, v19;
	_ =	sdelay $0x3  }
0xcd: {  	(v2sf) =	vpush v16, $0xF  }
0xce: {  	(v2sf) =	vpush v17, $0xF  }
0xcf: {  	(v2sf) =	vpush v18, $0xF;
	v16, _, _ =	vpop (xrf0)  }
0xd0: {  	(v2sf) =	vpush v16, $0xF;
	_ =	sdelay $0xb  }
0xd1: {  	s1 =	spop (v2sf)  }
0xd2: {  	s3 =	spop (v2sf)  }
0xd3: {  	s9 =	spop (v2sf)  }
0xd4: {  	s4 =	spop (v2sf)  }
0xd5: {  	s18 =	sadd.s32 $0x80000001, s4  }
0xd6: {  	s17 =	sxor.u32 $0x80000000, s4;
	s4 =	sadd.s32 $0x7FFFFFFF, s4;
	p0 =	slt.s32 s18, $0xFFF  }
0xd7: {  	v20 =	vmov s17;
	s18 =	simm.s32 @!p0 $0xFFF;
	p0 =	sgt.s32 s4, $0x0  }
0xd8: {  	s4 =	simm.s32 @!p0 $0x0;
	v16 =	vsel vm0, s18, v20  }
0xd9: {  	v16 =	vsel vm4, s4, v16  }
0xda: {  	v16 =	vadd.s32 $0x8, v16;
	_ =	sdelay $0x3  }
0xdb: {  	s13 =	simm.s32 $0x1080  }
0xdc: {  	v16 =	vld.idx.msk [tilespmem:v16+s13+$0x0], $0xffff;
	_ =	sdelay $0x4  }
0xdd: {  	v16 =	vand.u32 $0x7FFFFFFF, v16  }
0xde: {  	v18 =	vnsel vm3, $0xBF800000, v16  }
0xdf: {  	(xrf0) =	vmax.scan.msk.f32 $0xffff, v18;
	v18 =	vsel vm1, $0xBF800000, v16  }
0xe0: {  	v16 =	vsel vm2, $0xBF800000, v16;
	(xrf0) =	vmax.scan.msk.f32 $0xffff, v18  }
0xe1: {  	(xrf0) =	vmax.scan.msk.f32 $0xffff, v16  }
0xe2: {  	(xrf0) =	vmax.scan.msk.f32 $0xffff, v4;
	_ =	sdelay $0x2  }
0xe3: {  	v18, _, _ =	vpop (xrf0)  }
0xe4: {  	v19, _, _ =	vpop (xrf0)  }
0xe5: {  	v21, _, _ =	vpop (xrf0)  }
0xe6: {  	v16, _, _ =	vpop (xrf0)  }
0xe7: {  	v22 =	vbroadcast v16, $0xF;
	_ =	sdelay $0x1  }
0xe8: {  	vm5 =	veq.f32 v4, v22;
	v22 =	vxor.u32 $0x80000000, v5  }
0xe9: {  	v22 =	vnsel vm5, $0x80001000, v22  }
0xea: {  	(xrf0) =	vmin.scan.msk.u32 $0xffff, v22;
	_ =	sdelay $0x3  }
0xeb: {  	(v2sf) =	vpush v18, $0xF  }
0xec: {  	(v2sf) =	vpush v19, $0xF  }
0xed: {  	(v2sf) =	vpush v21, $0xF;
	v18, _, _ =	vpop (xrf0)  }
0xee: {  	(v2sf) =	vpush v18, $0xF;
	_ =	sdelay $0xb  }
0xef: {  	s14 =	spop (v2sf)  }
0xf0: {  	s21 =	spop (v2sf)  }
0xf1: {  	s23 =	spop (v2sf)  }
0xf2: {  	s24 =	spop (v2sf)  }
0xf3: {  	s25 =	sadd.s32 $0x80000001, s24  }
0xf4: {  	s18 =	sxor.u32 $0x80000000, s24;
	s24 =	sadd.s32 $0x7FFFFFFF, s24;
	p0 =	slt.s32 s25, $0xFFF  }
0xf5: {  	v28 =	vmov s18;
	s25 =	simm.s32 @!p0 $0xFFF;
	p0 =	sgt.s32 s24, $0x0  }
0xf6: {  	s24 =	simm.s32 @!p0 $0x0;
	v18 =	vsel vm0, s25, v28  }
0xf7: {  	v18 =	vsel vm4, s24, v18  }
0xf8: {  	v18 =	vadd.s32 $0x8, v18;
	_ =	sdelay $0x3  }
0xf9: {  	s5 =	simm.s32 $0x2100  }
0xfa: {  	v18 =	vld.idx.msk [tilespmem:v18+s5+$0x0], $0xffff;
	_ =	sdelay $0x4  }
0xfb: {  	v18 =	vand.u32 $0x7FFFFFFF, v18  }
0xfc: {  	v21 =	vnsel vm3, $0xBF800000, v18  }
0xfd: {  	(xrf0) =	vmax.scan.msk.f32 $0xffff, v21;
	v21 =	vsel vm1, $0xBF800000, v18  }
0xfe: {  	v18 =	vsel vm2, $0xBF800000, v18;
	(xrf0) =	vmax.scan.msk.f32 $0xffff, v21  }
0xff: {  	(xrf0) =	vmax.scan.msk.f32 $0xffff, v18;
	_ =	sdelay $0x3  }
0x100: {  	v18, _, _ =	vpop (xrf0)  }
0x101: {  	v21, _, _ =	vpop (xrf0);
	(v2sf) =	vpush v18, $0xF  }
0x102: {  	(v2sf) =	vpush v21, $0xF;
	v18, _, _ =	vpop (xrf0)  }
0x103: {  	(v2sf) =	vpush v18, $0xF;
	_ =	sdelay $0xa  }
0x104: {  	s0 =	ssub.f32 s9, s1  }
0x105: {  	s26 =	sadd.f32 s23, s14  }
0x106: {  	s13 =	simm.s32 $0x6300;
	s4 =	ssub.f32 s23, s14;
	s5 =	spop (v2sf)  }
0x107: {  	s25 =	sadd.f32 s9, s1;
	v18 =	vld [tilespmem:s13+$0x0];
	s9 =	spop (v2sf)  }
0x108: {  	s28 =	smul.f32 $5.000000000e-01, s26;
	s14 =	spop (v2sf)  }
0x109: {  	s24 =	smul.f32 $5.000000000e-01, s25;
	s26 =	sadd.f32 s14, s5  }
0x10a: {  	s4 =	smul.f32 $5.000000000e-01, s4;
	s21 =	ssub.f32 s28, s21  }
0x10b: {  	s3 =	ssub.f32 s24, s3;
	s24 =	smul.f32 $5.000000000e-01, s26  }
0x10c: {  	s0 =	smul.f32 $5.000000000e-01, s0;
	v22 =	vmul.f32 v18, v18;
	s23 =	ssub.f32 s14, s5  }
0x10d: {  	v33 =	vbroadcast v17, $0xF;
	v27 =	vmov s4;
	v26 =	vmov s21;
	s1 =	ssub.f32 s24, s9  }
0x10e: {  	v36 =	vmov s0;
	v25 =	vmul.f32 v18, v27;
	v31 =	vmul.f32 v22, v26  }
0x10f: {  	v34 =	vmov s3;
	v17 =	vbroadcast v21, $0xF;
	s28 =	smul.f32 $5.000000000e-01, s23;
	v21 =	vmov s1;
	s1 =	simm.s32 $0x6310  }
0x110: {  	v23 =	vmul.f32 v18, v36;
	v29 =	vmul.f32 v22, v34;
	v32 =	vadd.f32 v31, v25;
	v25 =	vld [tilespmem:s1+$0x0]  }
0x111: {  	v35 =	vimm.f32 $-Inf;
	v24 =	vbroadcast v19, $0xF;
	v19 =	vmov s28  }
0x112: {  	v37 =	vadd.f32 v29, v23;
	v30 =	vmul.f32 v18, v19;
	v22 =	vmul.f32 v22, v21  }
0x113: {  	v23 =	vimm.f32 $-Inf;
	v29 =	vlaneseq.u32;
	v18 =	vor.u32 s19, v2  }
0x114: {  	s0 =	simm.s32 $0x10;
	s3 =	simm.s32 $0x20;
	v31 =	vadd.f32 v22, v30;
	v30 =	vimm.f32 $-Inf;
	v22 =	vlaneseq.u32  }
.LBB2_5:
0x115: {  	p0 =	sne.s32 s3, $0xC0;
	v38 =	vmul.f32 v25, v25;
	v39 =	vmul.f32 v25, v36;
	v37 =	vadd.f32 v37, v33  }
0x116: {  	v40 =	vmul.f32 v25, v27;
	v32 =	vadd.f32 v32, v24;
	v31 =	vadd.f32 v31, v17  }
0x117: {  	v42 =	vmul.f32 v25, v19;
	vm4 =	vlt.u32 v18, $0xC9;
	v41 =	vmul.f32 v38, v34  }
0x118: {  	s1 =	sadd.s32 $0x10, s1;
	v37 =	vnsel vm4, $0xFF800000, v37;
	v32 =	vnsel vm4, $0xFF800000, v32;
	v31 =	vnsel vm4, $0xFF800000, v31  }
.Ltmp1:
0x119: {  	vm4 =	vgt.f32 v37, v35;
	v25 =	vld [tilespmem:s1+$0x0];
	vm5 =	vgt.f32 v32, v30;
	vm6 =	vgt.f32 v31, v23;
	(pc) =	sbr.rel @p0 .LBB2_5-.Ltmp1, $4  }
0x11a: {  	v35 =	vsel vm4, v37, v35;
	v30 =	vsel vm5, v32, v30;
	v23 =	vsel vm6, v31, v23  }
0x11b: {  	v13 =	vsel vm4, v18, v13;
	v31 =	vmul.f32 v38, v26;
	v38 =	vmul.f32 v38, v21  }
0x11c: {  	v37 =	vadd.f32 v41, v39;
	v29 =	vsel vm5, v18, v29;
	v22 =	vsel vm6, v18, v22  }
0x11d: {  	v18 =	vor.u32 s0, v2;
	s0 =	smov.u32 s3;
	s3 =	sadd.s32 $0x10, s3;
	v32 =	vadd.f32 v31, v40;
	v31 =	vadd.f32 v38, v42  }
0x11e: {  	v38 =	vmul.f32 v25, v25;
	_ =	sdelay $0x1  }
0x11f: {  	v36 =	vmul.f32 v25, v36;
	v34 =	vmul.f32 v38, v34  }
0x120: {  	vm5 =	veq.s32 v11, v15  }
0x121: {  	v37 =	vadd.f32 v37, v33;
	v9 =	vsel vm5, $0xBF800000, v9;
	v11 =	vadd.f32 v34, v36  }
0x122: {  	vm4 =	vlt.u32 v18, $0xC9;
	vm5 =	veq.s32 v7, v20;
	v7 =	vor.u32 s0, v2;
	(xrf0) =	vmax.scan.msk.f32 $0xffff, v9  }
0x123: {  	v62 =	vnsel vm4, $0xFF800000, v37;
	v8 =	vsel vm5, $0xBF800000, v8;
	(xrf0) =	vmax.scan.msk.f32 $0xffff, v10;
	v9 =	vadd.f32 v11, v33  }
0x124: {  	vm7 =	veq.s32 v5, v28;
	vm5 =	vlt.u32 v7, $0xC9;
	vm6 =	vgt.f32 v62, v35;
	(xrf0) =	vmax.scan.msk.f32 $0xffff, v8  }
0x125: {  	v4 =	vsel vm7, $0xBF800000, v4;
	v5 =	vsel vm6, v62, v35;
	(xrf0) =	vmax.scan.msk.f32 $0xffff, v6;
	v8 =	vnsel vm5, $0xFF800000, v9  }
0x126: {  	(xrf0) =	vmax.scan.msk.f32 $0xffff, v4;
	vm11 =	vgt.f32 v8, v5  }
0x127: {  	(xrf0) =	vmax.scan.msk.f32 $0xffff, v3;
	v4 =	vsel vm11, v8, v5  }
0x128: {  	v3, _, _ =	vpop (xrf0);
	(xrf0) =	vmax.scan.msk.f32 $0xffff, v4  }
0x129: {  	v5, _, _ =	vpop (xrf0)  }
0x12a: {  	v6, _, _ =	vpop (xrf0)  }
0x12b: {  	v8, _, _ =	vpop (xrf0)  }
0x12c: {  	v9, _, _ =	vpop (xrf0)  }
0x12d: {  	v10, _, _ =	vpop (xrf0)  }
0x12e: {  	v11, _, _ =	vpop (xrf0)  }
0x12f: {  	v13 =	vsel vm6, v18, v13;
	v63 =	vbroadcast v11, $0xF  }
0x130: {  	(v2sf) =	vpush v12, $0xF;
	v13 =	vsel vm11, v7, v13  }
0x131: {  	(v2sf) =	vpush v3, $0xF;
	v3 =	vxor.u32 $0x80000000, v13;
	vm12 =	veq.f32 v4, v63  }
0x132: {  	(v2sf) =	vpush v5, $0xF;
	v3 =	vnsel vm12, $0x800000C9, v3  }
0x133: {  	(v2sf) =	vpush v14, $0xF;
	(xrf0) =	vmin.scan.msk.u32 $0xffff, v3  }
0x134: {  	(v2sf) =	vpush v6, $0xF  }
0x135: {  	(v2sf) =	vpush v8, $0xF  }
0x136: {  	(v2sf) =	vpush v16, $0xF  }
0x137: {  	(v2sf) =	vpush v9, $0xF  }
0x138: {  	(v2sf) =	vpush v10, $0xF  }
0x139: {  	(v2sf) =	vpush v11, $0xF;
	v3, _, _ =	vpop (xrf0)  }
0x13a: {  	(v2sf) =	vpush v3, $0xF;
	_ =	sdelay $0x4  }
0x13b: {  	s0 =	spop (v2sf)  }
0x13c: {  	s26 =	spop (v2sf)  }
0x13d: {  	s28 =	spop (v2sf)  }
0x13e: {  	s4 =	spop (v2sf)  }
0x13f: {  	s24 =	spop (v2sf)  }
0x140: {  	s25 =	spop (v2sf)  }
0x141: {  	s21 =	spop (v2sf)  }
0x142: {  	s1 =	spop (v2sf)  }
0x143: {  	s23 =	spop (v2sf)  }
0x144: {  	s19 =	spop (v2sf)  }
0x145: {  	s3 =	spop (v2sf)  }
0x146: {  	s3 =	sxor.u32 $0x80000000, s3  }
0x147: {  	v3 =	vmov s3;
	_ =	sdelay $0x1  }
0x148: {  	v5 =	vmul.f32 v38, v26;
	v4 =	vmul.f32 v25, v27;
	_ =	sdelay $0x1  }
0x149: {  	v6 =	vadd.f32 v32, v24;
	v4 =	vadd.f32 v5, v4  }
0x14a: {  	v3 =	vld.idx.msk [tilespmem:v3+s20+$0x0], $0xffff  }
0x14b: {  	v5 =	vnsel vm4, $0xFF800000, v6;
	v4 =	vadd.f32 v4, v24  }
0x14c: {  	vm13 =	vgt.f32 v5, v30  }
0x14d: {  	v5 =	vsel vm13, v5, v30;
	v4 =	vnsel vm5, $0xFF800000, v4  }
0x14e: {  	vm14 =	vgt.f32 v4, v5  }
0x14f: {  	v4 =	vsel vm14, v4, v5;
	(xrf0) =	vmax.scan.msk.f32 $0xffff, v3  }
0x150: {  	(xrf0) =	vmax.scan.msk.f32 $0xffff, v4;
	_ =	sdelay $0x4  }
0x151: {  	v3, _, _ =	vpop (xrf0)  }
0x152: {  	v5, _, _ =	vpop (xrf0)  }
0x153: {  	v6 =	vsel vm13, v18, v29;
	v8 =	vbroadcast v5, $0xF  }
0x154: {  	v6 =	vsel vm14, v7, v6  }
0x155: {  	vm15 =	veq.f32 v4, v8;
	v4 =	vxor.u32 $0x80000000, v6  }
0x156: {  	v4 =	vnsel vm15, $0x800000C9, v4  }
0x157: {  	(xrf0) =	vmin.scan.msk.u32 $0xffff, v4;
	_ =	sdelay $0x4  }
0x158: {  	(v2sf) =	vpush v3, $0xF  }
0x159: {  	(v2sf) =	vpush v5, $0xF;
	v3, _, _ =	vpop (xrf0)  }
0x15a: {  	(v2sf) =	vpush v3, $0xF;
	_ =	sdelay $0xc  }
0x15b: {  	s5 =	spop (v2sf)  }
0x15c: {  	s3 =	spop (v2sf)  }
0x15d: {  	s9 =	spop (v2sf)  }
0x15e: {  	s9 =	sxor.u32 $0x80000000, s9  }
0x15f: {  	v3 =	vmov s9;
	_ =	sdelay $0x1  }
0x160: {  	v5 =	vmul.f32 v38, v21;
	v4 =	vmul.f32 v25, v19;
	_ =	sdelay $0x1  }
0x161: {  	v6 =	vadd.f32 v31, v17;
	v4 =	vadd.f32 v5, v4  }
0x162: {  	v3 =	vld.idx.msk [tilespmem:v3+s20+$0x0], $0xffff  }
0x163: {  	v5 =	vnsel vm4, $0xFF800000, v6;
	v4 =	vadd.f32 v4, v17  }
0x164: {  	vm4 =	vgt.f32 v5, v23  }
0x165: {  	v5 =	vsel vm4, v5, v23;
	v4 =	vnsel vm5, $0xFF800000, v4  }
0x166: {  	vm5 =	vgt.f32 v4, v5  }
0x167: {  	v4 =	vsel vm5, v4, v5;
	(xrf0) =	vmax.scan.msk.f32 $0xffff, v3  }
0x168: {  	(xrf0) =	vmax.scan.msk.f32 $0xffff, v4;
	_ =	sdelay $0x4  }
0x169: {  	v3, _, _ =	vpop (xrf0)  }
0x16a: {  	v5, _, _ =	vpop (xrf0)  }
0x16b: {  	v6 =	vsel vm4, v18, v22;
	v8 =	vbroadcast v5, $0xF  }
0x16c: {  	v6 =	vsel vm5, v7, v6  }
0x16d: {  	vm4 =	veq.f32 v4, v8;
	v4 =	vxor.u32 $0x80000000, v6  }
0x16e: {  	v4 =	vnsel vm4, $0x800000C9, v4  }
0x16f: {  	(xrf0) =	vmin.scan.msk.u32 $0xffff, v4;
	_ =	sdelay $0x4  }
0x170: {  	(v2sf) =	vpush v3, $0xF  }
0x171: {  	(v2sf) =	vpush v5, $0xF;
	v3, _, _ =	vpop (xrf0)  }
0x172: {  	(v2sf) =	vpush v3, $0xF;
	_ =	sdelay $0xc  }
0x173: {  	s9 =	spop (v2sf)  }
0x174: {  	s13 =	spop (v2sf)  }
0x175: {  	s14 =	spop (v2sf)  }
0x176: {  	s14 =	sxor.u32 $0x80000000, s14  }
0x177: {  	v3 =	vmov s14;
	_ =	sdelay $0x4  }
0x178: {  	v3 =	vld.idx.msk [tilespmem:v3+s20+$0x0], $0xffff;
	_ =	sdelay $0x4  }
0x179: {  	(xrf0) =	vmax.scan.msk.f32 $0xffff, v3;
	_ =	sdelay $0x5  }
0x17a: {  	v3, _, _ =	vpop (xrf0)  }
0x17b: {  	(v2sf) =	vpush v3, $0xF;
	_ =	sdelay $0x1  }
0x17c: {  	s26 =	smax.f32 s26, s28  }
0x17d: {  	s24 =	smax.f32 s24, s25;
	s14 =	ssub.f32 s0, s26  }
0x17e: {  	s24 =	ssub.f32 s4, s24  }
0x17f: {  	s14 =	smul.f32 $3.000000000e+00, s14  }
0x180: {  	s1 =	smax.f32 s1, s23;
	s28 =	smul.f32 $3.000000000e+00, s24  }
0x181: {  	s0 =	smul.f32 s0, s0;
	s14 =	sadd.f32 $1.000000010e-01, s14  }
0x182: {  	s4 =	smul.f32 s4, s4;
	s1 =	ssub.f32 s21, s1  }
0x183: {  	s0 =	smul.f32 s14, s0;
	s14 =	sadd.f32 $1.000000010e-01, s28  }
0x184: {  	s10 =	scvt.s32.f32 s10;
	s1 =	smul.f32 $3.000000000e+00, s1  }
0x185: {  	s17 =	scvt.s32.f32 s17;
	s4 =	smul.f32 s14, s4  }
0x186: {  	s23 =	smul.f32 s21, s21;
	s1 =	sadd.f32 $1.000000010e-01, s1  }
0x187: {  	s24 =	scvt.s32.f32 s18;
	p0 =	sgt.f32 s4, s0  }
0x188: {  	s1 =	smul.f32 s1, s23;
	s5 =	sadd.f32 s10, s5;
	v3 =	vmov s15  }
0x189: {  	s9 =	sadd.f32 s17, s9;
	s0 =	smov.u32 @p0 s4;
	v3 =	vand.u32 $0xFFFFFFFE, v3;
	s25 =	spop (v2sf)  }
0x18a: {  	p1 =	sgt.f32 s1, s0;
	v3 =	vbroadcast v3, $0x0;
	s4 =	sadd.f32 s24, s25  }
0x18b: {  	s5 =	smov.u32 @p0 s9  }
0x18c: {  	s5 =	smov.u32 @p1 s4  }
0x18d: {  	s19 =	smov.u32 @p0 s3;
	s26 =	ssub.f32 s5, s11  }
0x18e: {  	s19 =	smov.u32 @p1 s13  }
0x18f: {  	s0 =	smov.u32 @p1 s1;
	v4 =	vmov s19;
	s28 =	smul.f32 $9.999999770e-03, s26  }
0x190: {  	[tilespmem:v3+s2+$0x0] =	vst.idx.msk $0x1, v4;
	v4 =	vmov s0  }
0x191: {  	[tilespmem:v3+s22+$0x0] =	vst.idx.msk $0x1, v4;
	v4 =	vmov s28  }
0x192: {  	[tilespmem:v3+s29+$0x0] =	vst.idx.msk $0x1, v4;
	v4 =	vmov s26  }
0x193: {  	[tilespmem:v3+s30+$0x0] =	vst.idx.msk $0x1, v4  }
0x194: {  	p0 =	seq.s32 s12, $0xF;
	_ =	swait.ge [sflag:s31], $0x1000  }
0x195: {  	s0 =	sadd.s32 @!p0 $0x2, s16;
	[sflag:s31] =	ssyncset.done $0x0  }
0x196: {  	s1 =	sshrl.u32 @!p0 s0, $0x6;
	[sflag:s31] =	ssyncadd.s32 $0xFFFFF000  }
0x197: {  	s1 =	smul.u32 @!p0 $0xC0, s1;
	_ =	swait.ge [sflag:s31], $0x1000  }
0x198: {  	s0 =	sand.u32 @!p0 $0x3E, s0;
	[sflag:s31] =	ssyncset.done $0x0  }
0x199: {  	s0 =	sor.u32 @!p0 s0, s1;
	[sflag:s31] =	ssyncadd.s32 $0xFFFFF000  }
0x19a: {  	s18 =	simm.s32 $0x31C7;
	s0 =	sshll.u32 @!p0 s0, $0x9;
	_ =	swait.ge [sflag:s31], $0x1000  }
0x19b: {  	s3 =	simm.s32 @!p0 $0x0;
	s1 =	sand.u32 @!p0 $0x1FFFFC00, s0;
	[sflag:s31] =	ssyncset.done $0x0  }
0x19c: {  	s1 =	sadd.s32 @!p0 s7, s1;
	s4 =	simm.s32 @!p0 $0x8;
	[sflag:s31] =	ssyncadd.s32 $0xFFFFF000  }
0x19d: {  	[tilespmem:s4], [sflag:$0x1] =	stream.linear.gather @!p0 [hbm4b:s1+s3], $0x1000, $0x38;
	[tilespmem:$0x6680] =	vst v63  }
0x19e: {  	s10 =	simm.s32 $0x4247;
	s17 =	simm.s32 $0x70;
	s1 =	sadd.s32 @!p0 $0x8000, s0  }
0x19f: {  	s19 =	simm.s32 $0x52C7;
	s0 =	sadd.s32 @!p0 $0x10000, s0;
	s1 =	sand.u32 @!p0 $0x1FFFFC00, s1  }
0x1a0: {  	s4 =	simm.s32 @!p0 $0x1088;
	s0 =	sand.u32 @!p0 $0x1FFFFC00, s0;
	s1 =	sadd.s32 @!p0 s7, s1  }
0x1a1: {  	v9 =	vimm.f32 $0.0e+00;
	v10 =	vimm.f32 $0.0e+00;
	v11 =	vlaneseq.u32;
	[tilespmem:s4], [sflag:$0x1] =	stream.linear.gather @!p0 [hbm4b:s1+s3], $0x1000, $0x38;
	[tilespmem:$0x6680] =	vst v63  }
0x1a2: {  	v7 =	vlaneseq.u32;
	v5 =	vlaneseq.u32;
	v6 =	vimm.f32 $0.0e+00;
	s16 =	simm.s32 $0xFFFFFFF8;
	s0 =	sadd.s32 @!p0 s7, s0;
	s1 =	simm.s32 @!p0 $0x2108  }
0x1a3: {  	v8 =	vimm.f32 $0.0e+00;
	v3 =	vimm.f32 $0.0e+00;
	v4 =	vimm.f32 $0.0e+00;
	[tilespmem:s1], [sflag:$0x1] =	stream.linear.gather @!p0 [hbm4b:s0+s3], $0x1000, $0x38;
	[tilespmem:$0x6680] =	vst v63  }
.LBB2_7:
0x1a4: {  	v12 =	vld [tilespmem:s18+$0xFFFFFFC0]  }
0x1a5: {  	v13 =	vld [tilespmem:s18+$0xFFFFFFC2]  }
0x1a6: {  	v14 =	vld [tilespmem:s18+$0xFFFFFFC1]  }
0x1a7: {  	v15 =	vld [tilespmem:s10+$0xFFFFFFC0]  }
0x1a8: {  	v16 =	vld [tilespmem:s10+$0xFFFFFFC1]  }
0x1a9: {  	v17 =	vld [tilespmem:s10+$0xFFFFFFC2]  }
0x1aa: {  	v18 =	vld [tilespmem:s19+$0xFFFFFFC1]  }
0x1ab: {  	v58 =	vld [tilespmem:s18+$0xFFFFFFD0]  }
0x1ac: {  	v21 =	vld [tilespmem:s18+$0xFFFFFFD2]  }
0x1ad: {  	v59 =	vld [tilespmem:s18+$0xFFFFFFD1]  }
0x1ae: {  	v33 =	vld [tilespmem:s19+$0xFFFFFFD1]  }
0x1af: {  	v36 =	vld [tilespmem:s18+$0xFFFFFFE0]  }
0x1b0: {  	s0 =	sadd.s32 $0xFFFFFF90, s17;
	s21 =	sadd.s32 $0xFFFFFFA0, s17;
	v40 =	vld [tilespmem:s18+$0xFFFFFFE1]  }
0x1b1: {  	v45 =	vld [tilespmem:s10+$0xFFFFFFE1];
	s23 =	sadd.s32 $0xFFFFFFB0, s17;
	v19 =	vor.u32 s0, v2;
	v34 =	vor.u32 s21, v2  }
0x1b2: {  	v56 =	vld [tilespmem:s19+$0xFFFFFFC0];
	v49 =	vor.u32 s23, v2;
	v12 =	vand.u32 $0x7FFFFFFF, v12;
	v13 =	vand.u32 $0x7FFFFFFF, v13  }
0x1b3: {  	v57 =	vld [tilespmem:s19+$0xFFFFFFC2];
	v14 =	vand.u32 $0x7FFFFFFF, v14;
	v15 =	vand.u32 $0x7FFFFFFF, v15;
	v16 =	vand.u32 $0x7FFFFFFF, v16  }
0x1b4: {  	v30 =	vld [tilespmem:s19+$0xFFFFFFD0];
	v17 =	vand.u32 $0x7FFFFFFF, v17;
	v60 =	vand.u32 $0x7FFFFFFF, v18;
	v26 =	vand.u32 $0x7FFFFFFF, v58  }
0x1b5: {  	v27 =	vand.u32 $0x7FFFFFFF, v21;
	v29 =	vand.u32 $0x7FFFFFFF, v59;
	v37 =	vand.u32 $0x7FFFFFFF, v33  }
0x1b6: {  	v62 =	vld [tilespmem:s10+$0xFFFFFFD0];
	s25 =	sadd.s32 $0xFFFFFFD0, s17;
	v46 =	vand.u32 $0x7FFFFFFF, v36;
	v47 =	vand.u32 $0x7FFFFFFF, v40;
	v18 =	vand.u32 $0x7FFFFFFF, v45  }
0x1b7: {  	v28 =	vld [tilespmem:s10+$0xFFFFFFD2];
	v45 =	vor.u32 s25, v2;
	v12 =	vmax.f32 v12, v13;
	v15 =	vmax.f32 v15, v17  }
0x1b8: {  	v25 =	vld [tilespmem:s10+$0xFFFFFFD1];
	v13 =	vand.u32 $0x7FFFFFFF, v56;
	vm4 =	vge.f32 v14, v12;
	v12 =	vand.u32 $0x7FFFFFFF, v57  }
0x1b9: {  	v17 =	vand.u32 $0x7FFFFFFF, v30;
	v30 =	vld [tilespmem:s18+$0x1];
	v14 =	vnsel vm4, $0x0, v14;
	v12 =	vmax.f32 v13, v12  }
0x1ba: {  	vm4 =	vgt.f32 v14, v9;
	v20 =	vmin.f32 v14, v9;
	v9 =	vmax.f32 v9, v14  }
0x1bb: {  	s24 =	sadd.s32 $0xFFFFFFC0, s17;
	v10 =	vmax.f32 v10, v20;
	v11 =	vsel vm4, v19, v11;
	vm4 =	vge.f32 v16, v15  }
0x1bc: {  	v32 =	vld [tilespmem:s19+$0xFFFFFFD2];
	v15 =	vmax.f32 v26, v27;
	v20 =	vand.u32 $0x7FFFFFFF, v28;
	v26 =	vor.u32 s24, v2  }
0x1bd: {  	v61 =	vnsel vm4, $0x0, v16;
	vm4 =	vge.f32 v60, v12;
	v12 =	vand.u32 $0x7FFFFFFF, v62  }
0x1be: {  	v38 =	vld [tilespmem:s18+$0xFFFFFFE2];
	v16 =	vand.u32 $0x7FFFFFFF, v25;
	v40 =	vand.u32 $0x7FFFFFFF, v30;
	v63 =	vnsel vm4, $0x0, v60  }
0x1bf: {  	v42 =	vld [tilespmem:s10+$0xFFFFFFE0];
	vm4 =	vgt.f32 v61, v8;
	v24 =	vmin.f32 v61, v8;
	v8 =	vmax.f32 v8, v61  }
0x1c0: {  	v43 =	vld [tilespmem:s10+$0xFFFFFFE2];
	v12 =	vmax.f32 v12, v20;
	v6 =	vmax.f32 v6, v24;
	v7 =	vsel vm4, v19, v7  }
0x1c1: {  	v51 =	vld [tilespmem:s19+$0xFFFFFFE1];
	v31 =	vmin.f32 v63, v4;
	vm4 =	vge.f32 v29, v15;
	v15 =	vand.u32 $0x7FFFFFFF, v32  }
0x1c2: {  	v25 =	vld [tilespmem:s19+$0xFFFFFFF1];
	v13 =	vnsel vm4, $0x0, v29;
	vm4 =	vgt.f32 v63, v4;
	v3 =	vmax.f32 v3, v31  }
0x1c3: {  	v48 =	vld [tilespmem:s19+$0xFFFFFFE0];
	v4 =	vmax.f32 v4, v63;
	v15 =	vmax.f32 v17, v15;
	v17 =	vand.u32 $0x7FFFFFFF, v38  }
0x1c4: {  	v60 =	vld [tilespmem:s10+$0xFFFFFFF2];
	v5 =	vsel vm4, v19, v5;
	vm4 =	vgt.f32 v13, v9;
	v35 =	vmin.f32 v13, v9  }
0x1c5: {  	v52 =	vld [tilespmem:s18+$0xFFFFFFF0];
	v9 =	vmax.f32 v9, v13;
	v14 =	vmax.f32 v46, v17;
	v13 =	vand.u32 $0x7FFFFFFF, v43  }
0x1c6: {  	v28 =	vld [tilespmem:s18+$0x0];
	v19 =	vand.u32 $0x7FFFFFFF, v51;
	v11 =	vsel vm4, v34, v11;
	vm4 =	vge.f32 v16, v12  }
0x1c7: {  	v10 =	vmax.f32 v10, v35;
	v31 =	vand.u32 $0x7FFFFFFF, v25;
	v39 =	vnsel vm4, $0x0, v16  }
0x1c8: {  	s26 =	sadd.s32 $0xFFFFFFE0, s17;
	v29 =	vld [tilespmem:s18+$0x2];
	vm4 =	vge.f32 v37, v15;
	v16 =	vand.u32 $0x7FFFFFFF, v42;
	v15 =	vand.u32 $0x7FFFFFFF, v48  }
0x1c9: {  	v50 =	vld [tilespmem:s19+$0xFFFFFFE2];
	v20 =	vand.u32 $0x7FFFFFFF, v60;
	v60 =	vor.u32 s26, v2;
	v41 =	vmin.f32 v39, v8  }
0x1ca: {  	v58 =	vld [tilespmem:s10+$0xFFFFFFF0];
	v12 =	vnsel vm4, $0x0, v37;
	vm4 =	vgt.f32 v39, v8;
	v8 =	vmax.f32 v8, v39  }
0x1cb: {  	v51 =	vld [tilespmem:s18+$0x11];
	v13 =	vmax.f32 v16, v13;
	v16 =	vand.u32 $0x7FFFFFFF, v52;
	v37 =	vand.u32 $0x7FFFFFFF, v28  }
0x1cc: {  	v54 =	vld [tilespmem:s18+$0xFFFFFFF2];
	v6 =	vmax.f32 v6, v41;
	v7 =	vsel vm4, v34, v7;
	vm4 =	vgt.f32 v12, v4  }
0x1cd: {  	v56 =	vld [tilespmem:s18+$0xFFFFFFF1];
	v44 =	vmin.f32 v12, v4;
	v4 =	vmax.f32 v4, v12;
	v38 =	vand.u32 $0x7FFFFFFF, v29  }
0x1ce: {  	v61 =	vld [tilespmem:s19+$0xFFFFFFF0];
	v5 =	vsel vm4, v34, v5;
	vm4 =	vge.f32 v47, v14;
	v14 =	vand.u32 $0x7FFFFFFF, v50  }
0x1cf: {  	v41 =	vld [tilespmem:s19+$0x0];
	v3 =	vmax.f32 v3, v44;
	v12 =	vnsel vm4, $0x0, v47;
	v14 =	vmax.f32 v15, v14  }
0x1d0: {  	v15 =	vand.u32 $0x7FFFFFFF, v58;
	v58 =	vand.u32 $0x7FFFFFFF, v51;
	vm4 =	vgt.f32 v12, v9  }
0x1d1: {  	v44 =	vld [tilespmem:s19+$0x1];
	v53 =	vmin.f32 v12, v9;
	v9 =	vmax.f32 v9, v12;
	v15 =	vmax.f32 v15, v20  }
0x1d2: {  	v59 =	vld [tilespmem:s10+$0xFFFFFFF1];
	v11 =	vsel vm4, v49, v11;
	vm4 =	vge.f32 v18, v13;
	v10 =	vmax.f32 v10, v53  }
0x1d3: {  	v47 =	vld [tilespmem:s18+$0x10];
	v13 =	vand.u32 $0x7FFFFFFF, v54;
	v55 =	vnsel vm4, $0x0, v18;
	v18 =	vand.u32 $0x7FFFFFFF, v56  }
0x1d4: {  	v39 =	vld [tilespmem:s10+$0x2];
	v13 =	vmax.f32 v16, v13;
	v16 =	vand.u32 $0x7FFFFFFF, v61;
	v17 =	vand.u32 $0x7FFFFFFF, v41  }
0x1d5: {  	v63 =	vld [tilespmem:s19+$0xFFFFFFF2];
	vm4 =	vgt.f32 v55, v8;
	v57 =	vmin.f32 v55, v8;
	v8 =	vmax.f32 v8, v55  }
0x1d6: {  	v56 =	vld [tilespmem:s10+$0x11];
	v48 =	vand.u32 $0x7FFFFFFF, v44;
	v7 =	vsel vm4, v49, v7;
	vm4 =	vge.f32 v19, v14  }
0x1d7: {  	v36 =	vld [tilespmem:s10+$0x1];
	v6 =	vmax.f32 v6, v57;
	v14 =	vand.u32 $0x7FFFFFFF, v59;
	v19 =	vnsel vm4, $0x0, v19  }
0x1d8: {  	v57 =	vand.u32 $0x7FFFFFFF, v47;
	vm4 =	vgt.f32 v19, v4;
	v62 =	vmin.f32 v19, v4  }
0x1d9: {  	v4 =	vmax.f32 v4, v19;
	v19 =	vand.u32 $0x7FFFFFFF, v39;
	v5 =	vsel vm4, v49, v5  }
0x1da: {  	v33 =	vld [tilespmem:s10+$0x0];
	vm4 =	vge.f32 v18, v13;
	v3 =	vmax.f32 v3, v62;
	v13 =	vand.u32 $0x7FFFFFFF, v63  }
0x1db: {  	v63 =	vand.u32 $0x7FFFFFFF, v56;
	v24 =	vnsel vm4, $0x0, v18;
	v13 =	vmax.f32 v16, v13  }
0x1dc: {  	v62 =	vld [tilespmem:s19+$0x11];
	v16 =	vand.u32 $0x7FFFFFFF, v36;
	vm4 =	vgt.f32 v24, v9;
	v27 =	vmin.f32 v24, v9  }
0x1dd: {  	s28 =	sadd.s32 $0xFFFFFFF0, s17;
	v28 =	vld [tilespmem:s18+$0x21];
	v9 =	vmax.f32 v9, v24;
	v10 =	vmax.f32 v10, v27;
	v11 =	vsel vm4, v26, v11  }
0x1de: {  	v43 =	vld [tilespmem:s19+$0x2];
	vm4 =	vge.f32 v14, v15;
	v15 =	vmax.f32 v37, v38;
	v38 =	vor.u32 s28, v2  }
0x1df: {  	v32 =	vnsel vm4, $0x0, v14;
	vm4 =	vge.f32 v31, v13;
	v13 =	vand.u32 $0x7FFFFFFF, v33  }
0x1e0: {  	v49 =	vld [tilespmem:s18+$0x12];
	v34 =	vnsel vm4, $0x0, v31;
	vm4 =	vgt.f32 v32, v8;
	v35 =	vmin.f32 v32, v8  }
0x1e1: {  	v53 =	vld [tilespmem:s10+$0x10];
	v8 =	vmax.f32 v8, v32;
	v13 =	vmax.f32 v13, v19;
	v18 =	vand.u32 $0x7FFFFFFF, v62  }
0x1e2: {  	v54 =	vld [tilespmem:s10+$0x12];
	v19 =	vand.u32 $0x7FFFFFFF, v28;
	v6 =	vmax.f32 v6, v35;
	v7 =	vsel vm4, v26, v7  }
0x1e3: {  	v37 =	vld [tilespmem:s19+$0x21];
	v42 =	vmin.f32 v34, v4;
	vm4 =	vge.f32 v40, v15;
	v15 =	vand.u32 $0x7FFFFFFF, v43  }
0x1e4: {  	v59 =	vld [tilespmem:s19+$0x10];
	v12 =	vnsel vm4, $0x0, v40;
	vm4 =	vgt.f32 v34, v4;
	v3 =	vmax.f32 v3, v42  }
0x1e5: {  	v32 =	vld [tilespmem:s10+$0x22];
	v4 =	vmax.f32 v4, v34;
	v15 =	vmax.f32 v17, v15;
	v17 =	vand.u32 $0x7FFFFFFF, v49  }
0x1e6: {  	v5 =	vsel vm4, v26, v5;
	vm4 =	vgt.f32 v12, v9;
	v46 =	vmin.f32 v12, v9  }
0x1e7: {  	v41 =	vld [tilespmem:s18+$0x32];
	v9 =	vmax.f32 v9, v12;
	v14 =	vmax.f32 v57, v17;
	v12 =	vand.u32 $0x7FFFFFFF, v54  }
0x1e8: {  	v24 =	vld [tilespmem:s18+$0x20];
	v43 =	vand.u32 $0x7FFFFFFF, v37;
	v11 =	vsel vm4, v45, v11;
	vm4 =	vge.f32 v16, v13  }
0x1e9: {  	v40 =	vld [tilespmem:s18+$0x30];
	v10 =	vmax.f32 v10, v46;
	v50 =	vnsel vm4, $0x0, v16;
	vm4 =	vge.f32 v48, v15  }
0x1ea: {  	v42 =	vld [tilespmem:s18+$0x31];
	v16 =	vand.u32 $0x7FFFFFFF, v53;
	v15 =	vand.u32 $0x7FFFFFFF, v59;
	v20 =	vand.u32 $0x7FFFFFFF, v32  }
0x1eb: {  	v61 =	vld [tilespmem:s19+$0x12];
	v59 =	vor.u32 s17, v2;
	v52 =	vmin.f32 v50, v8;
	v13 =	vnsel vm4, $0x0, v48  }
0x1ec: {  	vm4 =	vgt.f32 v50, v8;
	v8 =	vmax.f32 v8, v50;
	v12 =	vmax.f32 v16, v12  }
0x1ed: {  	v30 =	vld [tilespmem:s10+$0x20];
	v16 =	vand.u32 $0x7FFFFFFF, v24;
	v50 =	vand.u32 $0x7FFFFFFF, v41;
	v6 =	vmax.f32 v6, v52  }
0x1ee: {  	v7 =	vsel vm4, v45, v7;
	vm4 =	vgt.f32 v13, v4;
	v55 =	vmin.f32 v13, v4  }
0x1ef: {  	v26 =	vld [tilespmem:s18+$0x22];
	v4 =	vmax.f32 v4, v13;
	v49 =	vand.u32 $0x7FFFFFFF, v40;
	v52 =	vand.u32 $0x7FFFFFFF, v42  }
0x1f0: {  	v48 =	vld [tilespmem:s10+$0x32];
	v5 =	vsel vm4, v45, v5;
	vm4 =	vge.f32 v58, v14;
	v14 =	vand.u32 $0x7FFFFFFF, v61  }
0x1f1: {  	v33 =	vld [tilespmem:s19+$0x20];
	v3 =	vmax.f32 v3, v55;
	v13 =	vnsel vm4, $0x0, v58;
	v14 =	vmax.f32 v15, v14  }
0x1f2: {  	v15 =	vand.u32 $0x7FFFFFFF, v30;
	vm4 =	vgt.f32 v13, v9;
	v25 =	vmin.f32 v13, v9  }
0x1f3: {  	v55 =	vld [tilespmem:s19+$0x32];
	v9 =	vmax.f32 v9, v13;
	v15 =	vmax.f32 v15, v20;
	v11 =	vsel vm4, v60, v11  }
0x1f4: {  	v31 =	vld [tilespmem:s10+$0x21];
	vm4 =	vge.f32 v63, v12;
	v10 =	vmax.f32 v10, v25;
	v12 =	vand.u32 $0x7FFFFFFF, v26  }
0x1f5: {  	v51 =	vld [tilespmem:s10+$0x31];
	v56 =	vand.u32 $0x7FFFFFFF, v48;
	v27 =	vnsel vm4, $0x0, v63;
	v12 =	vmax.f32 v16, v12  }
0x1f6: {  	v35 =	vld [tilespmem:s19+$0x22];
	v16 =	vand.u32 $0x7FFFFFFF, v33;
	vm4 =	vgt.f32 v27, v8;
	v29 =	vmin.f32 v27, v8  }
0x1f7: {  	v54 =	vld [tilespmem:s19+$0x30];
	v8 =	vmax.f32 v8, v27;
	v7 =	vsel vm4, v60, v7;
	vm4 =	vge.f32 v18, v14  }
0x1f8: {  	v57 =	vld [tilespmem:s19+$0x31];
	v61 =	vand.u32 $0x7FFFFFFF, v55;
	v6 =	vmax.f32 v6, v29;
	v18 =	vnsel vm4, $0x0, v18  }
0x1f9: {  	v14 =	vand.u32 $0x7FFFFFFF, v31;
	vm4 =	vgt.f32 v18, v4;
	v34 =	vmin.f32 v18, v4  }
0x1fa: {  	v4 =	vmax.f32 v4, v18;
	v18 =	vand.u32 $0x7FFFFFFF, v51;
	v5 =	vsel vm4, v60, v5  }
0x1fb: {  	v45 =	vld [tilespmem:s10+$0x30];
	vm4 =	vge.f32 v19, v12;
	v3 =	vmax.f32 v3, v34;
	v12 =	vand.u32 $0x7FFFFFFF, v35  }
0x1fc: {  	v60 =	vand.u32 $0x7FFFFFFF, v54;
	v36 =	vnsel vm4, $0x0, v19;
	v12 =	vmax.f32 v16, v12  }
0x1fd: {  	v16 =	vand.u32 $0x7FFFFFFF, v57;
	vm4 =	vgt.f32 v36, v9;
	v39 =	vmin.f32 v36, v9  }
0x1fe: {  	v9 =	vmax.f32 v9, v36;
	v11 =	vsel vm4, v38, v11;
	vm4 =	vge.f32 v14, v15  }
0x1ff: {  	v10 =	vmax.f32 v10, v39;
	v15 =	vmax.f32 v49, v50;
	v44 =	vnsel vm4, $0x0, v14  }
0x200: {  	vm4 =	vge.f32 v43, v12;
	v12 =	vand.u32 $0x7FFFFFFF, v45;
	v14 =	vmax.f32 v60, v61  }
0x201: {  	v46 =	vnsel vm4, $0x0, v43;
	vm4 =	vgt.f32 v44, v8;
	v47 =	vmin.f32 v44, v8  }
0x202: {  	v8 =	vmax.f32 v8, v44;
	v12 =	vmax.f32 v12, v56;
	v6 =	vmax.f32 v6, v47  }
0x203: {  	v7 =	vsel vm4, v38, v7;
	v53 =	vmin.f32 v46, v4;
	vm4 =	vge.f32 v52, v15  }
0x204: {  	v13 =	vnsel vm4, $0x0, v52;
	vm4 =	vgt.f32 v46, v4;
	v3 =	vmax.f32 v3, v53  }
0x205: {  	s16 =	sadd.s32 $0x8, s16;
	v58 =	vmin.f32 v13, v9;
	v5 =	vsel vm4, v38, v5;
	vm4 =	vge.f32 v18, v12  }
0x206: {  	p0 =	slt.u32 s16, $0xF8;
	v4 =	vmax.f32 v4, v46;
	v10 =	vmax.f32 v10, v58;
	v12 =	vnsel vm4, $0x0, v18  }
.Ltmp2:
0x207: {  	vm4 =	vgt.f32 v13, v9;
	v9 =	vmax.f32 v9, v13;
	v62 =	vmin.f32 v12, v8;
	(pc) =	sbr.rel @p0 .LBB2_7-.Ltmp2, $4  }
0x208: {  	v11 =	vsel vm4, v59, v11;
	vm4 =	vge.f32 v16, v14;
	v6 =	vmax.f32 v6, v62  }
0x209: {  	v14 =	vnsel vm4, $0x0, v16;
	vm4 =	vgt.f32 v12, v8;
	v8 =	vmax.f32 v8, v12  }
0x20a: {  	s18 =	sadd.s32 $0x80, s18;
	v7 =	vsel vm4, v59, v7;
	vm4 =	vgt.f32 v14, v4;
	v63 =	vmin.f32 v14, v4  }
0x20b: {  	s17 =	sadd.s32 $0x80, s17;
	s10 =	sadd.s32 $0x80, s10;
	s19 =	sadd.s32 $0x80, s19;
	v4 =	vmax.f32 v4, v14;
	v3 =	vmax.f32 v3, v63;
	v5 =	vsel vm4, v59, v5  }
0x20c: {  	(xrf0) =	vmax.scan.msk.f32 $0xffff, v9;
	_ =	sdelay $0x5  }
0x20d: {  	v12, _, _ =	vpop (xrf0)  }
0x20e: {  	v13 =	vbroadcast v12, $0xF;
	_ =	sdelay $0x1  }
0x20f: {  	vm4 =	veq.f32 v9, v13;
	v13 =	vxor.u32 $0x80000000, v11  }
0x210: {  	v13 =	vnsel vm4, $0x80001000, v13  }
0x211: {  	(xrf0) =	vmin.scan.msk.u32 $0xffff, v13;
	_ =	sdelay $0x5  }
0x212: {  	v13, _, _ =	vpop (xrf0)  }
0x213: {  	(v2sf) =	vpush v13, $0xF;
	_ =	sdelay $0xe  }
0x214: {  	s0 =	spop (v2sf)  }
0x215: {  	s1 =	sadd.s32 $0x80000001, s0  }
0x216: {  	s10 =	sxor.u32 $0x80000000, s0;
	s0 =	sadd.s32 $0x7FFFFFFF, s0;
	p0 =	slt.s32 s1, $0xFFF  }
0x217: {  	v13 =	vlaneseq.u32;
	v15 =	vmov s10;
	s1 =	simm.s32 @!p0 $0xFFF;
	p0 =	sgt.s32 s0, $0x0  }
0x218: {  	vm14 =	veq.s32 v13, $0x0;
	s0 =	simm.s32 @!p0 $0x0;
	v14 =	vsel vm0, s1, v15  }
0x219: {  	v14 =	vsel vm14, s0, v14  }
0x21a: {  	v14 =	vadd.s32 $0x8, v14;
	_ =	sdelay $0x3  }
0x21b: {  	s28 =	simm.s32 $0x3180  }
0x21c: {  	v14 =	vld.idx.msk [tilespmem:v14+s28+$0x0], $0xffff;
	_ =	sdelay $0x4  }
0x21d: {  	v14 =	vand.u32 $0x7FFFFFFF, v14  }
0x21e: {  	v16 =	vnsel vm3, $0xBF800000, v14  }
0x21f: {  	(xrf0) =	vmax.scan.msk.f32 $0xffff, v16;
	v16 =	vsel vm1, $0xBF800000, v14  }
0x220: {  	v14 =	vsel vm2, $0xBF800000, v14;
	(xrf0) =	vmax.scan.msk.f32 $0xffff, v16  }
0x221: {  	(xrf0) =	vmax.scan.msk.f32 $0xffff, v14  }
0x222: {  	(xrf0) =	vmax.scan.msk.f32 $0xffff, v8;
	_ =	sdelay $0x2  }
0x223: {  	v16, _, _ =	vpop (xrf0)  }
0x224: {  	v17, _, _ =	vpop (xrf0)  }
0x225: {  	v18, _, _ =	vpop (xrf0)  }
0x226: {  	v14, _, _ =	vpop (xrf0)  }
0x227: {  	v19 =	vbroadcast v14, $0xF;
	_ =	sdelay $0x1  }
0x228: {  	vm5 =	veq.f32 v8, v19;
	v19 =	vxor.u32 $0x80000000, v7  }
0x229: {  	v19 =	vnsel vm5, $0x80001000, v19  }
0x22a: {  	(xrf0) =	vmin.scan.msk.u32 $0xffff, v19;
	_ =	sdelay $0x3  }
0x22b: {  	(v2sf) =	vpush v16, $0xF  }
0x22c: {  	(v2sf) =	vpush v17, $0xF  }
0x22d: {  	(v2sf) =	vpush v18, $0xF;
	v16, _, _ =	vpop (xrf0)  }
0x22e: {  	(v2sf) =	vpush v16, $0xF;
	_ =	sdelay $0xb  }
0x22f: {  	s1 =	spop (v2sf)  }
0x230: {  	s3 =	spop (v2sf)  }
0x231: {  	s21 =	spop (v2sf)  }
0x232: {  	s4 =	spop (v2sf)  }
0x233: {  	s5 =	sadd.s32 $0x80000001, s4  }
0x234: {  	s16 =	sxor.u32 $0x80000000, s4;
	s4 =	sadd.s32 $0x7FFFFFFF, s4;
	p0 =	slt.s32 s5, $0xFFF  }
0x235: {  	v20 =	vmov s16;
	s5 =	simm.s32 @!p0 $0xFFF;
	p0 =	sgt.s32 s4, $0x0  }
0x236: {  	s4 =	simm.s32 @!p0 $0x0;
	v16 =	vsel vm0, s5, v20  }
0x237: {  	v16 =	vsel vm14, s4, v16  }
0x238: {  	v16 =	vadd.s32 $0x8, v16;
	_ =	sdelay $0x3  }
0x239: {  	s23 =	simm.s32 $0x4200  }
0x23a: {  	v16 =	vld.idx.msk [tilespmem:v16+s23+$0x0], $0xffff;
	_ =	sdelay $0x4  }
0x23b: {  	v16 =	vand.u32 $0x7FFFFFFF, v16  }
0x23c: {  	v18 =	vnsel vm3, $0xBF800000, v16  }
0x23d: {  	(xrf0) =	vmax.scan.msk.f32 $0xffff, v18;
	v18 =	vsel vm1, $0xBF800000, v16  }
0x23e: {  	v16 =	vsel vm2, $0xBF800000, v16;
	(xrf0) =	vmax.scan.msk.f32 $0xffff, v18  }
0x23f: {  	(xrf0) =	vmax.scan.msk.f32 $0xffff, v16  }
0x240: {  	(xrf0) =	vmax.scan.msk.f32 $0xffff, v4;
	_ =	sdelay $0x2  }
0x241: {  	v18, _, _ =	vpop (xrf0)  }
0x242: {  	v19, _, _ =	vpop (xrf0)  }
0x243: {  	v21, _, _ =	vpop (xrf0)  }
0x244: {  	v16, _, _ =	vpop (xrf0)  }
0x245: {  	v22 =	vbroadcast v16, $0xF;
	_ =	sdelay $0x1  }
0x246: {  	vm15 =	veq.f32 v4, v22;
	v22 =	vxor.u32 $0x80000000, v5  }
0x247: {  	v22 =	vnsel vm15, $0x80001000, v22  }
0x248: {  	(xrf0) =	vmin.scan.msk.u32 $0xffff, v22;
	_ =	sdelay $0x3  }
0x249: {  	(v2sf) =	vpush v18, $0xF  }
0x24a: {  	(v2sf) =	vpush v19, $0xF  }
0x24b: {  	(v2sf) =	vpush v21, $0xF;
	v18, _, _ =	vpop (xrf0)  }
0x24c: {  	(v2sf) =	vpush v18, $0xF;
	_ =	sdelay $0xb  }
0x24d: {  	s4 =	spop (v2sf)  }
0x24e: {  	s24 =	spop (v2sf)  }
0x24f: {  	s9 =	spop (v2sf)  }
0x250: {  	s13 =	spop (v2sf)  }
0x251: {  	s14 =	sadd.s32 $0x80000001, s13  }
0x252: {  	s17 =	sxor.u32 $0x80000000, s13;
	s13 =	sadd.s32 $0x7FFFFFFF, s13;
	p0 =	slt.s32 s14, $0xFFF  }
0x253: {  	v28 =	vmov s17;
	s14 =	simm.s32 @!p0 $0xFFF;
	p0 =	sgt.s32 s13, $0x0  }
0x254: {  	s13 =	simm.s32 @!p0 $0x0;
	v18 =	vsel vm0, s14, v28  }
0x255: {  	v18 =	vsel vm14, s13, v18  }
0x256: {  	v18 =	vadd.s32 $0x8, v18;
	_ =	sdelay $0x3  }
0x257: {  	s25 =	simm.s32 $0x5280  }
0x258: {  	v18 =	vld.idx.msk [tilespmem:v18+s25+$0x0], $0xffff;
	_ =	sdelay $0x4  }
0x259: {  	v18 =	vand.u32 $0x7FFFFFFF, v18  }
0x25a: {  	v21 =	vnsel vm3, $0xBF800000, v18  }
0x25b: {  	(xrf0) =	vmax.scan.msk.f32 $0xffff, v21;
	v21 =	vsel vm1, $0xBF800000, v18  }
0x25c: {  	v18 =	vsel vm2, $0xBF800000, v18;
	(xrf0) =	vmax.scan.msk.f32 $0xffff, v21  }
0x25d: {  	(xrf0) =	vmax.scan.msk.f32 $0xffff, v18;
	_ =	sdelay $0x3  }
0x25e: {  	v18, _, _ =	vpop (xrf0)  }
0x25f: {  	v21, _, _ =	vpop (xrf0);
	(v2sf) =	vpush v18, $0xF  }
0x260: {  	(v2sf) =	vpush v21, $0xF;
	v18, _, _ =	vpop (xrf0)  }
0x261: {  	(v2sf) =	vpush v18, $0xF;
	_ =	sdelay $0x9  }
0x262: {  	s26 =	sadd.f32 s21, s1  }
0x263: {  	s28 =	sadd.f32 s9, s4  }
0x264: {  	s0 =	ssub.f32 s21, s1  }
0x265: {  	s23 =	simm.s32 $0x6300;
	s18 =	smul.f32 $5.000000000e-01, s28;
	s19 =	spop (v2sf)  }
0x266: {  	s4 =	ssub.f32 s9, s4;
	v18 =	vld [tilespmem:s23+$0x0];
	s21 =	spop (v2sf)  }
0x267: {  	s5 =	ssub.f32 s18, s24;
	s24 =	spop (v2sf)  }
0x268: {  	s13 =	smul.f32 $5.000000000e-01, s26;
	s25 =	sadd.f32 s24, s19  }
0x269: {  	s4 =	smul.f32 $5.000000000e-01, s4  }
0x26a: {  	s3 =	ssub.f32 s13, s3;
	s13 =	smul.f32 $5.000000000e-01, s25  }
0x26b: {  	s0 =	smul.f32 $5.000000000e-01, s0;
	v22 =	vmul.f32 v18, v18;
	s9 =	ssub.f32 s24, s19  }
0x26c: {  	v33 =	vbroadcast v17, $0xF;
	v27 =	vmov s4;
	v25 =	vmov s5;
	s1 =	ssub.f32 s13, s21  }
0x26d: {  	v35 =	vmov s0;
	v26 =	vmul.f32 v18, v27;
	v31 =	vmul.f32 v22, v25  }
0x26e: {  	v34 =	vmov s3;
	v17 =	vbroadcast v21, $0xF;
	s26 =	smul.f32 $5.000000000e-01, s9;
	v21 =	vmov s1;
	s1 =	simm.s32 $0x6310  }
0x26f: {  	v23 =	vmul.f32 v18, v35;
	v29 =	vmul.f32 v22, v34;
	v32 =	vadd.f32 v31, v26;
	v26 =	vld [tilespmem:s1+$0x0]  }
0x270: {  	v36 =	vimm.f32 $-Inf;
	v24 =	vbroadcast v19, $0xF;
	v19 =	vmov s26  }
0x271: {  	s28 =	simm.s32 $0x0;
	v37 =	vadd.f32 v29, v23;
	v30 =	vmul.f32 v18, v19;
	v22 =	vmul.f32 v22, v21  }
0x272: {  	v23 =	vimm.f32 $-Inf;
	v29 =	vlaneseq.u32;
	v18 =	vor.u32 s28, v2  }
0x273: {  	s0 =	simm.s32 $0x10;
	s3 =	simm.s32 $0x20;
	v31 =	vadd.f32 v22, v30;
	v30 =	vimm.f32 $-Inf;
	v22 =	vlaneseq.u32  }
.LBB2_9:
0x274: {  	p0 =	sne.s32 s3, $0xC0;
	v38 =	vmul.f32 v26, v26;
	v39 =	vmul.f32 v26, v35;
	v37 =	vadd.f32 v37, v33  }
0x275: {  	v40 =	vmul.f32 v26, v27;
	v32 =	vadd.f32 v32, v24;
	v31 =	vadd.f32 v31, v17  }
0x276: {  	v42 =	vmul.f32 v26, v19;
	vm3 =	vlt.u32 v18, $0xC9;
	v41 =	vmul.f32 v38, v34  }
0x277: {  	s1 =	sadd.s32 $0x10, s1;
	v37 =	vnsel vm3, $0xFF800000, v37;
	v32 =	vnsel vm3, $0xFF800000, v32;
	v31 =	vnsel vm3, $0xFF800000, v31  }
.Ltmp3:
0x278: {  	vm3 =	vgt.f32 v37, v36;
	v26 =	vld [tilespmem:s1+$0x0];
	vm4 =	vgt.f32 v32, v30;
	vm5 =	vgt.f32 v31, v23;
	(pc) =	sbr.rel @p0 .LBB2_9-.Ltmp3, $4  }
0x279: {  	v36 =	vsel vm3, v37, v36;
	v30 =	vsel vm4, v32, v30;
	v23 =	vsel vm5, v31, v23  }
0x27a: {  	v13 =	vsel vm3, v18, v13;
	v31 =	vmul.f32 v38, v25;
	v38 =	vmul.f32 v38, v21  }
0x27b: {  	v37 =	vadd.f32 v41, v39;
	v29 =	vsel vm4, v18, v29;
	v22 =	vsel vm5, v18, v22  }
0x27c: {  	v18 =	vor.u32 s0, v2;
	s0 =	smov.u32 s3;
	s3 =	sadd.s32 $0x10, s3;
	v32 =	vadd.f32 v31, v40;
	v31 =	vadd.f32 v38, v42  }
0x27d: {  	v38 =	vmul.f32 v26, v26;
	_ =	sdelay $0x1  }
0x27e: {  	v35 =	vmul.f32 v26, v35;
	v34 =	vmul.f32 v38, v34  }
0x27f: {  	vm4 =	veq.s32 v11, v15  }
0x280: {  	v37 =	vadd.f32 v37, v33;
	v9 =	vsel vm4, $0xBF800000, v9;
	v61 =	vadd.f32 v34, v35  }
0x281: {  	vm3 =	vlt.u32 v18, $0xC9;
	vm9 =	veq.s32 v7, v20;
	v63 =	vor.u32 s0, v2;
	(xrf0) =	vmax.scan.msk.f32 $0xffff, v9  }
0x282: {  	v8 =	vsel vm9, $0xBF800000, v8;
	v62 =	vnsel vm3, $0xFF800000, v37;
	(xrf0) =	vmax.scan.msk.f32 $0xffff, v10;
	v20 =	vadd.f32 v61, v33  }
0x283: {  	vm6 =	veq.s32 v5, v28;
	vm10 =	vlt.u32 v63, $0xC9;
	vm5 =	vgt.f32 v62, v36;
	(xrf0) =	vmax.scan.msk.f32 $0xffff, v8  }
0x284: {  	v4 =	vsel vm6, $0xBF800000, v4;
	(xrf0) =	vmax.scan.msk.f32 $0xffff, v6;
	v33 =	vsel vm5, v62, v36;
	v34 =	vnsel vm10, $0xFF800000, v20  }
0x285: {  	(xrf0) =	vmax.scan.msk.f32 $0xffff, v4;
	vm11 =	vgt.f32 v34, v33  }
0x286: {  	(xrf0) =	vmax.scan.msk.f32 $0xffff, v3;
	v35 =	vsel vm11, v34, v33  }
0x287: {  	v3, _, _ =	vpop (xrf0);
	(xrf0) =	vmax.scan.msk.f32 $0xffff, v35  }
0x288: {  	v36, _, _ =	vpop (xrf0)  }
0x289: {  	v37, _, _ =	vpop (xrf0)  }
0x28a: {  	v39, _, _ =	vpop (xrf0)  }
0x28b: {  	v40, _, _ =	vpop (xrf0)  }
0x28c: {  	v41, _, _ =	vpop (xrf0)  }
0x28d: {  	v42, _, _ =	vpop (xrf0)  }
0x28e: {  	v13 =	vsel vm5, v18, v13;
	v43 =	vbroadcast v42, $0xF  }
0x28f: {  	(v2sf) =	vpush v12, $0xF;
	v13 =	vsel vm11, v63, v13  }
0x290: {  	(v2sf) =	vpush v3, $0xF;
	v3 =	vxor.u32 $0x80000000, v13;
	vm12 =	veq.f32 v35, v43  }
0x291: {  	(v2sf) =	vpush v36, $0xF;
	v3 =	vnsel vm12, $0x800000C9, v3  }
0x292: {  	(v2sf) =	vpush v14, $0xF;
	(xrf0) =	vmin.scan.msk.u32 $0xffff, v3  }
0x293: {  	(v2sf) =	vpush v37, $0xF  }
0x294: {  	(v2sf) =	vpush v39, $0xF  }
0x295: {  	(v2sf) =	vpush v16, $0xF  }
0x296: {  	(v2sf) =	vpush v40, $0xF  }
0x297: {  	(v2sf) =	vpush v41, $0xF  }
0x298: {  	(v2sf) =	vpush v42, $0xF;
	v3, _, _ =	vpop (xrf0)  }
0x299: {  	(v2sf) =	vpush v3, $0xF;
	_ =	sdelay $0x4  }
0x29a: {  	s28 =	spop (v2sf)  }
0x29b: {  	s25 =	spop (v2sf)  }
0x29c: {  	s26 =	spop (v2sf)  }
0x29d: {  	s4 =	spop (v2sf)  }
0x29e: {  	s23 =	spop (v2sf)  }
0x29f: {  	s24 =	spop (v2sf)  }
0x2a0: {  	s19 =	spop (v2sf)  }
0x2a1: {  	s1 =	spop (v2sf)  }
0x2a2: {  	s21 =	spop (v2sf)  }
0x2a3: {  	s18 =	spop (v2sf)  }
0x2a4: {  	s3 =	spop (v2sf)  }
0x2a5: {  	s3 =	sxor.u32 $0x80000000, s3  }
0x2a6: {  	v3 =	vmov s3;
	_ =	sdelay $0x1  }
0x2a7: {  	v44 =	vmul.f32 v26, v27;
	v45 =	vmul.f32 v38, v25;
	_ =	sdelay $0x1  }
0x2a8: {  	v46 =	vadd.f32 v32, v24;
	v4 =	vadd.f32 v45, v44  }
0x2a9: {  	v3 =	vld.idx.msk [tilespmem:v3+s20+$0x0], $0xffff  }
0x2aa: {  	v47 =	vnsel vm3, $0xFF800000, v46;
	v4 =	vadd.f32 v4, v24  }
0x2ab: {  	vm13 =	vgt.f32 v47, v30  }
0x2ac: {  	v5 =	vsel vm13, v47, v30;
	v4 =	vnsel vm10, $0xFF800000, v4  }
0x2ad: {  	vm14 =	vgt.f32 v4, v5  }
0x2ae: {  	v4 =	vsel vm14, v4, v5;
	(xrf0) =	vmax.scan.msk.f32 $0xffff, v3  }
0x2af: {  	(xrf0) =	vmax.scan.msk.f32 $0xffff, v4;
	_ =	sdelay $0x4  }
0x2b0: {  	v3, _, _ =	vpop (xrf0)  }
0x2b1: {  	v48, _, _ =	vpop (xrf0)  }
0x2b2: {  	v49 =	vsel vm13, v18, v29;
	v50 =	vbroadcast v48, $0xF  }
0x2b3: {  	v6 =	vsel vm14, v63, v49  }
0x2b4: {  	v51 =	vxor.u32 $0x80000000, v6;
	vm15 =	veq.f32 v4, v50  }
0x2b5: {  	v4 =	vnsel vm15, $0x800000C9, v51  }
0x2b6: {  	(xrf0) =	vmin.scan.msk.u32 $0xffff, v4;
	_ =	sdelay $0x4  }
0x2b7: {  	(v2sf) =	vpush v3, $0xF  }
0x2b8: {  	(v2sf) =	vpush v48, $0xF;
	v3, _, _ =	vpop (xrf0)  }
0x2b9: {  	(v2sf) =	vpush v3, $0xF;
	_ =	sdelay $0xc  }
0x2ba: {  	s5 =	spop (v2sf)  }
0x2bb: {  	s3 =	spop (v2sf)  }
0x2bc: {  	s9 =	spop (v2sf)  }
0x2bd: {  	s9 =	sxor.u32 $0x80000000, s9  }
0x2be: {  	v3 =	vmov s9;
	_ =	sdelay $0x1  }
0x2bf: {  	v52 =	vmul.f32 v26, v19;
	v53 =	vmul.f32 v38, v21;
	_ =	sdelay $0x1  }
0x2c0: {  	v54 =	vadd.f32 v31, v17;
	v4 =	vadd.f32 v53, v52  }
0x2c1: {  	v3 =	vld.idx.msk [tilespmem:v3+s20+$0x0], $0xffff  }
0x2c2: {  	v55 =	vnsel vm3, $0xFF800000, v54;
	v4 =	vadd.f32 v4, v17  }
0x2c3: {  	vm3 =	vgt.f32 v55, v23  }
0x2c4: {  	v5 =	vsel vm3, v55, v23;
	v4 =	vnsel vm10, $0xFF800000, v4  }
0x2c5: {  	vm4 =	vgt.f32 v4, v5  }
0x2c6: {  	v4 =	vsel vm4, v4, v5;
	(xrf0) =	vmax.scan.msk.f32 $0xffff, v3  }
0x2c7: {  	(xrf0) =	vmax.scan.msk.f32 $0xffff, v4;
	_ =	sdelay $0x4  }
0x2c8: {  	v3, _, _ =	vpop (xrf0)  }
0x2c9: {  	v56, _, _ =	vpop (xrf0)  }
0x2ca: {  	v57 =	vsel vm3, v18, v22;
	v58 =	vbroadcast v56, $0xF  }
0x2cb: {  	v6 =	vsel vm4, v63, v57  }
0x2cc: {  	v59 =	vxor.u32 $0x80000000, v6;
	vm3 =	veq.f32 v4, v58  }
0x2cd: {  	v4 =	vnsel vm3, $0x800000C9, v59  }
0x2ce: {  	(xrf0) =	vmin.scan.msk.u32 $0xffff, v4;
	_ =	sdelay $0x4  }
0x2cf: {  	(v2sf) =	vpush v3, $0xF  }
0x2d0: {  	(v2sf) =	vpush v56, $0xF;
	v3, _, _ =	vpop (xrf0)  }
0x2d1: {  	(v2sf) =	vpush v3, $0xF;
	_ =	sdelay $0xc  }
0x2d2: {  	s9 =	spop (v2sf)  }
0x2d3: {  	s13 =	spop (v2sf)  }
0x2d4: {  	s14 =	spop (v2sf)  }
0x2d5: {  	s14 =	sxor.u32 $0x80000000, s14  }
0x2d6: {  	v3 =	vmov s14;
	_ =	sdelay $0x4  }
0x2d7: {  	v3 =	vld.idx.msk [tilespmem:v3+s20+$0x0], $0xffff;
	_ =	sdelay $0x4  }
0x2d8: {  	(xrf0) =	vmax.scan.msk.f32 $0xffff, v3;
	_ =	sdelay $0x5  }
0x2d9: {  	v3, _, _ =	vpop (xrf0)  }
0x2da: {  	(v2sf) =	vpush v3, $0xF;
	_ =	sdelay $0x1  }
0x2db: {  	s26 =	smax.f32 s25, s26  }
0x2dc: {  	s23 =	smax.f32 s23, s24;
	s14 =	ssub.f32 s28, s26  }
0x2dd: {  	s0 =	smul.f32 s28, s28;
	s23 =	ssub.f32 s4, s23  }
0x2de: {  	s1 =	smax.f32 s1, s21;
	s14 =	smul.f32 $3.000000000e+00, s14  }
0x2df: {  	s4 =	smul.f32 s4, s4;
	s1 =	ssub.f32 s19, s1  }
0x2e0: {  	s28 =	smul.f32 $3.000000000e+00, s23;
	s14 =	sadd.f32 $1.000000010e-01, s14  }
0x2e1: {  	s1 =	smul.f32 $3.000000000e+00, s1  }
0x2e2: {  	s0 =	smul.f32 s14, s0;
	s14 =	sadd.f32 $1.000000010e-01, s28  }
0x2e3: {  	s21 =	smul.f32 s19, s19  }
0x2e4: {  	s1 =	sadd.f32 $1.000000010e-01, s1;
	s4 =	smul.f32 s14, s4  }
0x2e5: {  	s10 =	scvt.s32.f32 s10;
	s16 =	scvt.s32.f32 s16  }
0x2e6: {  	s1 =	smul.f32 s1, s21;
	p0 =	sgt.f32 s4, s0  }
0x2e7: {  	s5 =	sadd.f32 s10, s5;
	s23 =	scvt.s32.f32 s17  }
0x2e8: {  	s9 =	sadd.f32 s16, s9;
	s0 =	smov.u32 @p0 s4;
	s24 =	spop (v2sf)  }
0x2e9: {  	p1 =	sgt.f32 s1, s0;
	s10 =	sadd.f32 s23, s24  }
0x2ea: {  	s25 =	sor.u32 $0x1, s15;
	s5 =	smov.u32 @p0 s9  }
0x2eb: {  	v3 =	vmov s25;
	s5 =	smov.u32 @p1 s10  }
0x2ec: {  	s26 =	ssub.f32 s5, s11  }
0x2ed: {  	s12 =	sadd.s32 $0x1, s12;
	s18 =	smov.u32 @p0 s3  }
0x2ee: {  	p0 =	sne.s32 s12, $0x10;
	s18 =	smov.u32 @p1 s13;
	s28 =	smul.f32 $9.999999770e-03, s26  }
.Ltmp4:
0x2ef: {  	s0 =	smov.u32 @p1 s1;
	v60 =	vmov s18;
	(pc) =	sbr.rel @p0 .LBB2_2-.Ltmp4, $4  }
0x2f0: {  	v61 =	vmov s0;
	[tilespmem:v3+s2+$0x0] =	vst.idx.msk $0x1, v60  }
0x2f1: {  	[tilespmem:v3+s22+$0x0] =	vst.idx.msk $0x1, v61;
	v62 =	vmov s28  }
0x2f2: {  	v63 =	vmov s26;
	[tilespmem:v3+s29+$0x0] =	vst.idx.msk $0x1, v62  }
0x2f3: {  	[tilespmem:v3+s30+$0x0] =	vst.idx.msk $0x1, v63  }
0x2f4: {  	s0 =	rddreg [dreg:$0xe];
	s1 =	simm.s32 $0x3  }
0x2f5: {  	[hbm4b:s0+s6] =	stream.linear.scatter [tilespmem:s2], [sflag:$0x3], $0x20, $0x38;
	[tilespmem:$0x6680] =	vst v63  }
0x2f6: {  	_ =	swait.ge [sflag:s1], $0x20  }
0x2f7: {  	[sflag:s1] =	ssyncset.done $0x0  }
0x2f8: {  	s24 =	rddreg [dreg:$0xf];
	[sflag:s1] =	ssyncadd.s32 $0xFFFFFFE0  }
0x2f9: {  	[hbm4b:s24+s6] =	stream.linear.scatter [tilespmem:s22], [sflag:$0x3], $0x20, $0x38;
	[tilespmem:$0x6680] =	vst v63  }
0x2fa: {  	_ =	swait.ge [sflag:s1], $0x20  }
0x2fb: {  	[sflag:s1] =	ssyncset.done $0x0  }
0x2fc: {  	s25 =	rddreg [dreg:$0x10];
	[sflag:s1] =	ssyncadd.s32 $0xFFFFFFE0  }
0x2fd: {  	[hbm4b:s25+s6] =	stream.linear.scatter [tilespmem:s29], [sflag:$0x3], $0x20, $0x38;
	[tilespmem:$0x6680] =	vst v63  }
0x2fe: {  	_ =	swait.ge [sflag:s1], $0x20  }
0x2ff: {  	[sflag:s1] =	ssyncset.done $0x0  }
0x300: {  	s26 =	rddreg [dreg:$0x11];
	[sflag:s1] =	ssyncadd.s32 $0xFFFFFFE0  }
0x301: {  	[hbm4b:s26+s6] =	stream.linear.scatter [tilespmem:s30], [sflag:$0x3], $0x20, $0x38;
	[tilespmem:$0x6680] =	vst v63  }
0x302: {  	_ =	swait.ge [sflag:s1], $0x20  }
0x303: {  	s3 =	rddreg [dreg:$0x13]  }
0x304: {  	s28 =	rddreg [dreg:$0x12];
	s3 =	sadd.s32 $0x1, s3  }
0x305: {  	p0 =	sne.s32 s3, s28  }
.Ltmp5:
0x306: {  	_ = 	snop;
	(pc) =	sbr.rel @p0 .LBB2_1-.Ltmp5, $3  }
0x307: {  	_ =	sdelay $0x1  }
0x308: {  	[sflag:s1] =	ssyncset.done $0x0  }
0x309: {  	[sflag:s1] =	ssyncadd.s32 $0xFFFFFFE0  }
0x30a: {  	_ =	sfence.sel $0x180000  }
0x30b: {  	[bflag:$0x0] =	sbarrier.arrive $0xFFFF  }
0x30c: {  	_ =	strace $0x9000004A  }
0x30d: {  	s0 =	stileid.u32;
	[bflag:$0x2] =	sbarrier.arrive $0xFFFF  }
0x30e: {  	p0 =	sne.s32 s0, $0x0;
	s0 =	rddreg [dreg:$0x5]  }
0x30f: {  	s0 =	sadd.s32 @!p0 $0x100000, s0  }
0x310: {  	[sflag:s0] =	ssyncadd.tile.s32 @!p0 $0x1;
	_ =	shalt  }
.Lfunc_end2:
_tile_overlayer_lowered:
.L_overlay_start_2:
0x311: {  	(tag) =	ssettag $0x2  }
0x312: {  	s0 =	rddreg [dreg:$0x0];
	s2 =	stileid.u32  }
0x313: {  	s1 =	rddreg [dreg:$0x1];
	p0 =	sne.s32 s2, $0x0  }
0x314: {  	s3 =	rddreg [dreg:$0x2];
	[bflag:$0x3] =	sbarrier.arrive $0xFFFF;
	s2 =	simm.s32 @!p0 $0x1C03  }
0x315: {  	[timem:s3], [sflag:s2] =	dma.local @!p0 [hbm:s0], s1  }
0x316: {  	s0 =	simm.s32 @!p0 $0x3  }
0x317: {  	_ =	swait.ge @!p0 [sflag:s0], s1  }
0x318: {  	s1 =	ssub.s32 @!p0 $0x0, s1;
	[sflag:s0] =	ssyncset.done @!p0 $0x0  }
0x319: {  	[sflag:s0] =	ssyncadd.s32 @!p0 s1  }
0x31a: {  	[bflag:$0x3] =	sbarrier.arrive $0xFFFF  }
0x31b: {  	_ =	shalt  }

// kernel: sparse-core-data-format-call.cloned.1.call-start
scs
called_computation_lowered:
.L_overlay_start_0:
0x0: {  	s2 =	sld [smem:$0x3FD9]  }
0x1: {  	s3 =	sld [smem:$0x3FFE];
	_ =	sdelay $0x1  }
0x2: {  	s1 =	srdreg.scid  }
0x3: {  	s0 =	sand.u32 $0x1, s1  }
0x4: {  	s18 =	sshll.u32 s0, $0xA;
	s2 =	sadd.s32 s3, s2  }
0x5: {  	s2 =	sadd.s32 s2, s18  }
0x6: {  	[smem:$0x3FC6] =	sst s2  }
0x7: {  	_ = 	snop  }
0x8: {  	s2 =	sld [smem:$0x3FC9];
	(tm) =	ssettm $0x1  }
0x9: {  	s19 =	sld [smem:$0x3FFB];
	_ =	sdelay $0x3  }
0xa: {  	_ =	strace s19  }
0xb: {  	s3 =	sld [smem:$0x3FFC];
	_ =	sdelay $0x3  }
0xc: {  	_ =	strace s3  }
0xd: {  	s3 =	sld [smem:$0x3FFD];
	_ =	sdelay $0x3  }
0xe: {  	_ =	strace s3  }
0xf: {  	_ =	strace $0x8FFFFFFF  }
0x10: {  	s20 =	sld [smem:$0x3FDB];
	_ =	sdelay $0x1  }
0x11: {  	s4 =	simm.s32 $_scs_section_size  }
0x12: {  	s5 =	simm.s32 $_size__tile_overlayer_lowered;
	s6 =	simm.s32 $_tile_overlayer_lowered  }
0x13: {  	s23 =	simm.s32 $0x1BFF;
	s22 =	sshll.u32 s6, $0x1;
	s3 =	sadd.s32 s4, s20  }
0x14: {  	s7 =	simm.s32 $0x0;
	s21 =	sshll.u32 s5, $0x1;
	s5 =	sadd.s32 s22, s3  }
0x15: {  	[timem:s7], [sflag:s23] =	dma.local [hbm:s5], s21  }
0x16: {  	_ =	swait.ge [sflag:s23], s21  }
0x17: {  	s4 =	ssub.s32 $0x0, s21;
	[sflag:s23] =	ssyncset.done $0x0  }
0x18: {  	[sflag:s23] =	ssyncadd.s32 s4;
	_ =	sdelay $0x1  }
0x19: {  	s24 =	simm.s32 $0x1B8B  }
0x1a: {  	_ =	swait.ge [sflag:s24], $0x1  }
0x1b: {  	[sflag:s24] =	ssyncset.done $0x0  }
0x1c: {  	s26 =	simm.s32 $0x1B8E;
	s25 =	sld [smem:$0x3FFE];
	[sflag:s24] =	ssyncadd.s32 $0xFFFFFFFF  }
0x1d: {  	s27 =	simm.s32 $execute0_lowered;
	[smem:$0x3FD2] =	sst s26  }
0x1e: {  	s5 =	sshll.u32 s27, $0x1;
	_ =	strace $0x80000046;
	[dreg:$0x1] =	wrdreg $0xFFFFFFFF  }
0x1f: {  	s28 =	simm.s32 $_size_execute0_lowered;
	s3 =	sadd.s32 s3, s5;
	[dreg:$0x0] =	wrdreg $0x0  }
0x20: {  	s5 =	sshll.u32 s28, $0x1;
	[dreg:$0x2] =	wrdreg s3  }
0x21: {  	[dreg:$0x3] =	wrdreg s5  }
0x22: {  	[dreg:$0x4] =	wrdreg $0xC0  }
0x23: {  	_ =	task [dreg:s7], $0x5FFFF  }
0x24: {  	[dreg:$0x1] =	wrdreg $0xFFFFFFFF  }
0x25: {  	[dreg:$0x0] =	wrdreg $0x60  }
0x26: {  	[dreg:$0x2] =	wrdreg s2  }
0x27: {  	[dreg:$0x3] =	wrdreg s25  }
0x28: {  	[dreg:$0x4] =	wrdreg $0x9  }
0x29: {  	_ =	task.clear_ibuf [dreg:s7], $0x5FFFF;
	_ =	strace $0x90000046  }
0x2a: {  	s29 =	simm.s32 $0x9;
	_ =	strace $0x80000048  }
0x2b: {  	_ =	swait.ge [sflag:s29], $0x1  }
0x2c: {  	[sflag:s29] =	ssyncadd.s32 $0xFFFFFFFF  }
0x2d: {  	_ =	strace $0x90000048  }
0x2e: {  	_ =	sfence  }
0x2f: {  	s30 =	sld [smem:$0x0];
	_ =	sdelay $0x2  }
0x30: {  	s31 =	sshll.u32 s1, $0xD;
	s1 =	sshrl.u32 s1, $0x2  }
0x31: {  	s3 =	sand.u32 $0x4000, s31;
	s1 =	sadd.s32 s1, s30  }
0x32: {  	s0 =	sor.u32 s3, s0;
	s1 =	sshll.u32 s1, $0x11  }
0x33: {  	s0 =	sor.u32 s1, s0  }
0x34: {  	s0 =	sadd.s32 $0x8F2B, s0  }
0x35: {  	[sflag:s0] =	ssyncadd.remote.s32 $0x1  }
0x36: {  	_ =	sfence.sel $0xFFFF  }
0x37: {  	[dreg:$0x0] =	wrdreg $0xFFFFFFFF;
	(pc) =	sbr.abs _section_cstart, $3  }
0x38: {  	[dreg:$0x1] =	wrdreg $0xFFFFFFFF  }
0x39: {  	_ =	task.clear_ibuf [dreg:s7], $0x2FFFF;
	_ =	strace $0x9FFFFFFF  }
0x3a: {  	(tm) =	ssettm $0x7FFFFFFF  }
0x3b: {  	_ =	shalt  }
tec
execute0_lowered:
.L_overlay_start_1:
0x0: {  	(tag) =	ssettag $0x1  }
0x1: {  	s2 =	rddreg [dreg:$0x0]  }
0x2: {  	s1 =	rddreg [dreg:$0x1]  }
0x3: {  	s0 =	rddreg [dreg:$0x2];
	_ =	strace $0x80000047;
	s4 =	srdreg.scid  }
0x4: {  	s6 =	simm.s32 $0x2;
	s11 =	simm.s32 $0x0;
	p0 =	por $0x0, $0x0  }
.Ltmp0:
0x5: {  	s7 =	simm.s32 $0x1000;
	s12 =	simm.s32 $0x0;
	(pc) =	sbr.rel .LBB1_1-.Ltmp0, $4  }
0x6: {  	s9 =	simm.s32 $0x0;
	s3 =	sadd.s32 $0xC00, s1;
	s5 =	sshll.u32 s4, $0x4  }
0x7: {  	s1 =	stileid.u32;
	s4 =	simm.s32 $0x1;
	s5 =	sand.u32 $0x10, s5  }
0x8: {  	s8 =	simm.s32 $0x0;
	[sflag:s4] =	ssyncpa.u1 $0x0;
	s5 =	sor.u32 s1, s5  }
0x9: {  	[sflag:s6] =	ssyncpa.u1 $0x0;
	s6 =	simm.s32 $0x800;
	s10 =	smov.u32 s5  }
.LBB1_7:
0xa: {  	s13 =	sadd.s32 $0x10, s9  }
0xb: {  	s11 =	sadd.s32 $0x20, s10;
	s15 =	smov.u32 s10;
	p2 =	sgt.s32 s13, $0x1F  }
0xc: {  	p1 =	slt.u32 s8, $0x2;
	s15 =	smov.u32 @p2 s11  }
0xd: {  	s8 =	sadd.s32 $0x1, s8;
	s13 =	simm.s32 @p2 $0x0;
	p2 =	sgt.s32 s15, $0x17F  }
0xe: {  	s15 =	smov.u32 @p2 s5;
	p2 =	sne.s32 s8, $0x1A  }
.Ltmp1:
0xf: {  	_ = 	snop;
	(pc) =	sbr.rel @!p2 .LBB1_8-.Ltmp1, $4  }
0x10: {  	s14 =	simm.s32 @!p1 $0x2  }
0x11: {  	s12 =	smov.u32 s10;
	_ =	swait.ge @!p1 [sflag:s14], $0x4000  }
0x12: {  	p0 =	por !p0, !p0;
	s11 =	smov.u32 s9;
	[sflag:s14] =	ssyncset.done @!p1 $0x0  }
0x13: {  	s9 =	smov.u32 s13;
	[sflag:s14] =	ssyncadd.s32 @!p1 $0xFFFFC000;
	s10 =	smov.u32 s15  }
.LBB1_1:
0x14: {  	p1 =	sgt.u32 s8, $0x17  }
0x15: {  	s13 =	sxor.u32 @!p1 $0xFFFFFFFF, s8;
	s14 =	sshll.u32 @!p1 s10, $0xC  }
0x16: {  	s15 =	sshll.u32 @!p1 s9, $0x7;
	s13 =	sshll.u32 @!p1 s13, $0xE;
	s14 =	sadd.s32 @!p1 s2, s14  }
0x17: {  	s13 =	sand.u32 @!p1 $0x4000, s13;
	s14 =	sadd.s32 @!p1 s15, s14;
	s15 =	simm.s32 @!p1 $0x0  }
0x18: {  	[tilespmem:s13], [sflag:$0x1] =	stream.linear.gather @!p1 [hbm4b:s14+s15], $0x4000, $0x38;
	[tilespmem:$0x10000] =	vst v63  }
0x19: {  	p1 =	seq.s32 s8, $0x0  }
0x1a: {  	p2 =	seq.s32 @!p1 s8, $0x19  }
0x1b: {  	p1 =	por p1, p2  }
.Ltmp2:
0x1c: {  	_ = 	snop;
	(pc) =	sbr.rel @p1 .LBB1_7-.Ltmp2, $1  }
0x1d: {  	_ =	sdelay $0x3  }
0x1e: {  	s13 =	simm.s32 $0x1;
	_ =	swait.ge [sflag:s4], $0x4000;
	s16 =	sshll.u32 s8, $0xE  }
0x1f: {  	s13 =	simm.s32 @!p0 $0x0;
	[sflag:s4] =	ssyncset.done $0x0;
	s31 =	sand.u32 $0x4000, s16  }
0x20: {  	s16 =	simm.s32 $0x0;
	s14 =	sshll.u32 s13, $0xE;
	[sflag:s4] =	ssyncadd.s32 $0xFFFFC000  }
0x21: {  	s13 =	sor.u32 $0x8040, s14;
	s15 =	sor.u32 $0x40, s14;
	s14 =	sor.u32 $0x8000, s31  }
.LBB1_3:
0x22: {  	v0 =	vmov s15;
	_ =	sdelay $0x3  }
0x23: {  	s18 =	simm.s32 $0x0  }
0x24: {  	v6 =	vld.idx.msk [tilespmem:v0+s18+$0x30 ss:$0x1], $0xffff  }
0x25: {  	v7 =	vld.idx.msk [tilespmem:v0+s18+$0xFFFFFFC0 ss:$0x1], $0xffff  }
0x26: {  	v5 =	vld.idx.msk [tilespmem:v0+s18+$0xFFFFFFD0 ss:$0x1], $0xffff  }
0x27: {  	v4 =	vld.idx.msk [tilespmem:v0+s18+$0xFFFFFFE0 ss:$0x1], $0xffff  }
0x28: {  	v3 =	vld.idx.msk [tilespmem:v0+s18+$0xFFFFFFF0 ss:$0x1], $0xffff  }
0x29: {  	v1 =	vld.idx.msk [tilespmem:v0+s18+$0x0 ss:$0x1], $0xffff  }
0x2a: {  	v2 =	vld.idx.msk [tilespmem:v0+s18+$0x10 ss:$0x1], $0xffff;
	[tilespmem:s13+$0x30] =	vst v6  }
0x2b: {  	s17 =	simm.s32 $0x80;
	s19 =	simm.s32 $0x400;
	[tilespmem:s13+$0xFFFFFFC0] =	vst v7;
	v6 =	vld.idx.msk [tilespmem:v0+s18+$0x20 ss:$0x1], $0xffff;
	s18 =	smov.u32 s13  }
.LBB1_4:
0x2c: {  	p1 =	sne.s32 s19, $0xE00;
	v7 =	vld.idx.msk [tilespmem:v0+s17+$0x30 ss:$0x1], $0xffff;
	[tilespmem:s18+$0xFFFFFFD0] =	vst v5  }
0x2d: {  	v8 =	vld.idx.msk [tilespmem:v0+s17+$0xFFFFFFC0 ss:$0x1], $0xffff;
	[tilespmem:s18+$0xFFFFFFE0] =	vst v4  }
0x2e: {  	v5 =	vld.idx.msk [tilespmem:v0+s17+$0xFFFFFFD0 ss:$0x1], $0xffff;
	[tilespmem:s18+$0xFFFFFFF0] =	vst v3  }
.Ltmp3:
0x2f: {  	v4 =	vld.idx.msk [tilespmem:v0+s17+$0xFFFFFFE0 ss:$0x1], $0xffff;
	[tilespmem:s18+$0x0] =	vst v1;
	(pc) =	sbr.rel @p1 .LBB1_4-.Ltmp3, $4  }
0x30: {  	v3 =	vld.idx.msk [tilespmem:v0+s17+$0xFFFFFFF0 ss:$0x1], $0xffff;
	[tilespmem:s18+$0x10] =	vst v2  }
0x31: {  	v1 =	vld.idx.msk [tilespmem:v0+s17+$0x0 ss:$0x1], $0xffff;
	[tilespmem:s18+$0x20] =	vst v6;
	s18 =	sadd.s32 $0x800, s18  }
0x32: {  	v2 =	vld.idx.msk [tilespmem:v0+s17+$0x10 ss:$0x1], $0xffff;
	[tilespmem:s18+$0x30] =	vst v7  }
0x33: {  	[tilespmem:s18+$0xFFFFFFC0] =	vst v8;
	v6 =	vld.idx.msk [tilespmem:v0+s17+$0x20 ss:$0x1], $0xffff;
	s17 =	sshra.s32 s19, $0x2;
	s19 =	sadd.s32 $0x200, s19  }
0x34: {  	_ =	sdelay $0x2  }
0x35: {  	[tilespmem:s18+$0xFFFFFFD0] =	vst v5  }
0x36: {  	v56 =	vld.idx.msk [tilespmem:v0+s17+$0x30 ss:$0x1], $0xffff;
	[tilespmem:s18+$0xFFFFFFE0] =	vst v4  }
0x37: {  	v57 =	vld.idx.msk [tilespmem:v0+s17+$0xFFFFFFC0 ss:$0x1], $0xffff;
	[tilespmem:s18+$0xFFFFFFF0] =	vst v3  }
0x38: {  	v58 =	vld.idx.msk [tilespmem:v0+s17+$0xFFFFFFD0 ss:$0x1], $0xffff;
	[tilespmem:s18+$0x0] =	vst v1  }
0x39: {  	v59 =	vld.idx.msk [tilespmem:v0+s17+$0xFFFFFFE0 ss:$0x1], $0xffff;
	[tilespmem:s18+$0x10] =	vst v2  }
0x3a: {  	v60 =	vld.idx.msk [tilespmem:v0+s17+$0xFFFFFFF0 ss:$0x1], $0xffff;
	s31 =	sadd.s32 $0x800, s18;
	[tilespmem:s18+$0x20] =	vst v6  }
0x3b: {  	v61 =	vld.idx.msk [tilespmem:v0+s17+$0x0 ss:$0x1], $0xffff;
	[tilespmem:s31+$0x30] =	vst v56  }
0x3c: {  	v62 =	vld.idx.msk [tilespmem:v0+s17+$0x10 ss:$0x1], $0xffff;
	s16 =	sadd.s32 $0x1, s16;
	[tilespmem:s31+$0xFFFFFFC0] =	vst v57  }
0x3d: {  	v63 =	vld.idx.msk [tilespmem:v0+s17+$0x20 ss:$0x1], $0xffff;
	p1 =	sne.s32 s16, $0x10;
	[tilespmem:s31+$0xFFFFFFD0] =	vst v58  }
.Ltmp4:
0x3e: {  	[tilespmem:s31+$0xFFFFFFE0] =	vst v59;
	(pc) =	sbr.rel @p1 .LBB1_3-.Ltmp4, $4  }
0x3f: {  	[tilespmem:s31+$0xFFFFFFF0] =	vst v60  }
0x40: {  	[tilespmem:s31+$0x0] =	vst v61  }
0x41: {  	[tilespmem:s31+$0x10] =	vst v62  }
0x42: {  	s13 =	sadd.s32 $0x80, s13;
	s15 =	sadd.s32 $0x400, s15;
	[tilespmem:s31+$0x20] =	vst v63  }
.Ltmp5:
0x43: {  	(pc) =	sbr.rel .LBB1_7-.Ltmp5, $4  }
0x44: {  	s12 =	sshll.u32 s12, $0xC;
	s11 =	sshll.u32 s11, $0x4  }
0x45: {  	s11 =	sand.u32 $0x1F0, s11;
	s12 =	sadd.s32 s3, s12  }
0x46: {  	s11 =	sadd.s32 s11, s12  }
0x47: {  	[hbm4b:s11+s6] =	stream.strided.scatter [tilespmem:s14], [sflag:$0x2], $0x4000, s7, s6, $0x38;
	[tilespmem:$0x10000] =	vst v63  }
.LBB1_8:
0x48: {  	_ =	sfence.sel $0x180000  }
0x49: {  	s2 =	simm.s32 $0x1;
	[bflag:$0x0] =	sbarrier.arrive $0xFFFF  }
0x4a: {  	s31 =	simm.s32 $0x2;
	[sflag:s2] =	ssyncpa.u1 $0x1  }
0x4b: {  	[sflag:s31] =	ssyncpa.u1 $0x1  }
0x4c: {  	p0 =	sne.s32 s1, $0x0;
	_ =	strace $0x90000047  }
0x4d: {  	s0 =	sadd.s32 @!p0 $0x100000, s0;
	[bflag:$0x2] =	sbarrier.arrive $0xFFFF  }
0x4e: {  	[sflag:s0] =	ssyncadd.tile.s32 @!p0 $0x1;
	_ =	shalt  }
.Lfunc_end1:
_tile_overlayer_lowered:
.L_overlay_start_2:
0x4f: {  	(tag) =	ssettag $0x2  }
0x50: {  	s0 =	rddreg [dreg:$0x0];
	s2 =	stileid.u32  }
0x51: {  	s1 =	rddreg [dreg:$0x1];
	p0 =	sne.s32 s2, $0x0  }
0x52: {  	s3 =	rddreg [dreg:$0x2];
	[bflag:$0x3] =	sbarrier.arrive $0xFFFF;
	s2 =	simm.s32 @!p0 $0x1C01  }
0x53: {  	[timem:s3], [sflag:s2] =	dma.local @!p0 [hbm:s0], s1  }
0x54: {  	s0 =	simm.s32 @!p0 $0x1  }
0x55: {  	_ =	swait.ge @!p0 [sflag:s0], s1  }
0x56: {  	s1 =	ssub.s32 @!p0 $0x0, s1;
	[sflag:s0] =	ssyncset.done @!p0 $0x0  }
0x57: {  	[sflag:s0] =	ssyncadd.s32 @!p0 s1  }
0x58: {  	[bflag:$0x3] =	sbarrier.arrive $0xFFFF  }
0x59: {  	_ =	shalt  }

</sc_bundles>
